<compile_context>
chip_gen: v7x
topology: tpu7x:2x2x1
jax: 0.10.2.dev20260603
libtpu: 0.0.44.dev20260713+nightly
codegen_flags: <defaults>
</compile_context>

<pallas_src>
import functools

import jax
import jax.numpy as jnp
from jax import lax
from jax.experimental import pallas as pl
from jax.experimental.pallas import tpu as pltpu
from jax.experimental.pallas import tpu_sc as plsc

NC, NS = 2, 16
NW = NC * NS
CHUNK = 2000


def _sc_mesh():
    return plsc.VectorSubcoreMesh(core_axis_name="c", subcore_axis_name="s",
                                  num_cores=NC, num_subcores=NS)


_SC_PARAMS = pltpu.CompilerParams(use_tc_tiling_on_sc=False)


def _make_degree_kernel(E, N, H):
    per_tile = E // NW
    nchunk = per_tile // CHUNK
    assert per_tile % CHUNK == 0 and E % NW == 0
    rows_per = N // NS
    out_sds = jax.ShapeDtypeStruct((N, H), jnp.float32)

    @functools.partial(
        pl.kernel,
        out_type=(out_sds, out_sds, out_sds, out_sds),
        mesh=_sc_mesh(),
        compiler_params=_SC_PARAMS,
        scratch_types=(
            [pltpu.VMEM((CHUNK,), jnp.int32)] * 8
            + [pltpu.VMEM((CHUNK, H), jnp.float32)]
            + [pltpu.SemaphoreType.DMA] * 16
            + [pltpu.VMEM_SHARED((N, H), jnp.float32),
               pltpu.VMEM_SHARED((N, H), jnp.float32)]
        ),
    )
    def deg_kernel(src_hbm, dst_hbm, ones_hbm, zeros_hbm,
                   dego0_hbm, dego1_hbm, degi0_hbm, degi1_hbm,
                   *scr):
        (ib0, ib1, ib2, ib3, ib4, ib5, ib6, ib7, ones_v,
         si0, si1, si2, si3, si4, si5, si6, si7,
         ss0, ss1, ss2, ss3, ss4, ss5, ss6, ss7,
         dego_s, degi_s) = scr
        cid = lax.axis_index("c")
        sid = lax.axis_index("s")
        r0 = sid * rows_per
        base = (cid * NS + sid) * per_tile
        ib = [ib0, ib1, ib2, ib3, ib4, ib5, ib6, ib7]
        sem_i = [si0, si1, si2, si3, si4, si5, si6, si7]
        sem_s = [ss0, ss1, ss2, ss3, ss4, ss5, ss6, ss7]
        ntask = 2 * nchunk

        def idx_load(k):
            off = base + (k // 2) * CHUNK
            hbm = src_hbm if k % 2 == 0 else dst_hbm
            return pltpu.async_copy(hbm.at[pl.ds(off, CHUNK)], ib[k % 8],
                                    sem_i[k % 8])

        idx_d = {k: idx_load(k) for k in range(min(2, ntask))}
        pltpu.sync_copy(ones_hbm, ones_v)
        pltpu.sync_copy(zeros_hbm.at[pl.ds(r0, rows_per)],
                        dego_s.at[pl.ds(r0, rows_per)])
        pltpu.sync_copy(zeros_hbm.at[pl.ds(r0, rows_per)],
                        degi_s.at[pl.ds(r0, rows_per)])
        plsc.subcore_barrier()
        sc_d = {}
        for k in range(ntask):
            idx_d[k].wait()
            tbl = dego_s if k % 2 == 0 else degi_s
            sc_d[k] = pltpu.async_copy(ones_v, tbl.at[ib[k % 8]],
                                       sem_s[k % 8], add=True)
            if k + 2 < ntask:
                if k - 6 >= 0:
                    sc_d[k - 6].wait()
                idx_d[k + 2] = idx_load(k + 2)
        for k in range(max(0, ntask - 8), ntask):
            sc_d[k].wait()
        plsc.subcore_barrier()

        @pl.when(cid == 0)
        def _wr0():
            pltpu.sync_copy(dego_s.at[pl.ds(r0, rows_per)],
                            dego0_hbm.at[pl.ds(r0, rows_per)])
            pltpu.sync_copy(degi_s.at[pl.ds(r0, rows_per)],
                            degi0_hbm.at[pl.ds(r0, rows_per)])

        @pl.when(cid == 1)
        def _wr1():
            pltpu.sync_copy(dego_s.at[pl.ds(r0, rows_per)],
                            dego1_hbm.at[pl.ds(r0, rows_per)])
            pltpu.sync_copy(degi_s.at[pl.ds(r0, rows_per)],
                            degi1_hbm.at[pl.ds(r0, rows_per)])

    return deg_kernel


def _make_agg_kernel(E, N, H):
    per_tile = E // NW
    nchunk = per_tile // CHUNK
    rows_per = N // NS
    out_sds = jax.ShapeDtypeStruct((N, H), jnp.float32)

    @functools.partial(
        pl.kernel,
        out_type=(out_sds, out_sds),
        mesh=_sc_mesh(),
        compiler_params=_SC_PARAMS,
        scratch_types=(
            [pltpu.VMEM((CHUNK,), jnp.int32)] * 6
            + [pltpu.VMEM((CHUNK, H), jnp.float32)] * 3
            + [pltpu.SemaphoreType.DMA] * 12
            + [pltpu.VMEM_SHARED((N, H), jnp.float32),
               pltpu.VMEM_SHARED((N, H), jnp.float32)]
        ),
    )
    def agg_kernel(g_hbm, src_hbm, dst_hbm, zeros_hbm, out0_hbm, out1_hbm,
                   *scr):
        (sx0, sx1, sx2, dx0, dx1, dx2, rw0, rw1, rw2,
         ssi0, ssi1, ssi2, sdi0, sdi1, sdi2,
         sg0, sg1, sg2, ssc0, ssc1, ssc2,
         g_s, agg_s) = scr
        cid = lax.axis_index("c")
        sid = lax.axis_index("s")
        r0 = sid * rows_per
        base = (cid * NS + sid) * per_tile
        sx = [sx0, sx1, sx2]
        dx = [dx0, dx1, dx2]
        rw = [rw0, rw1, rw2]
        sem_si = [ssi0, ssi1, ssi2]
        sem_di = [sdi0, sdi1, sdi2]
        sem_g = [sg0, sg1, sg2]
        sem_s = [ssc0, ssc1, ssc2]

        def idx_load(j):
            off = base + j * CHUNK
            b = j % 3
            return (pltpu.async_copy(src_hbm.at[pl.ds(off, CHUNK)], sx[b],
                                     sem_si[b]),
                    pltpu.async_copy(dst_hbm.at[pl.ds(off, CHUNK)], dx[b],
                                     sem_di[b]))

        idx_d = {0: idx_load(0)}
        pltpu.sync_copy(g_hbm.at[pl.ds(r0, rows_per)],
                        g_s.at[pl.ds(r0, rows_per)])
        pltpu.sync_copy(zeros_hbm.at[pl.ds(r0, rows_per)],
                        agg_s.at[pl.ds(r0, rows_per)])
        plsc.subcore_barrier()
        idx_d[0][0].wait()
        idx_d[0][1].wait()
        gat_d = {0: pltpu.async_copy(g_s.at[sx[0]], rw[0], sem_g[0])}
        sca_d = {}
        for j in range(nchunk):
            b = j % 3
            gat_d[j].wait()
            sca_d[j] = pltpu.async_copy(rw[b], agg_s.at[dx[b]], sem_s[b],
                                        add=True)
            if j + 1 < nchunk:
                nb = (j + 1) % 3
                if j - 2 >= 0:
                    sca_d[j - 2].wait()
                idx_d[j + 1] = idx_load(j + 1)
                idx_d[j + 1][0].wait()
                idx_d[j + 1][1].wait()
                gat_d[j + 1] = pltpu.async_copy(g_s.at[sx[nb]], rw[nb],
                                                sem_g[nb])
        for j in range(max(0, nchunk - 3), nchunk):
            sca_d[j].wait()
        plsc.subcore_barrier()

        @pl.when(cid == 0)
        def _wr0():
            pltpu.sync_copy(agg_s.at[pl.ds(r0, rows_per)],
                            out0_hbm.at[pl.ds(r0, rows_per)])

        @pl.when(cid == 1)
        def _wr1():
            pltpu.sync_copy(agg_s.at[pl.ds(r0, rows_per)],
                            out1_hbm.at[pl.ds(r0, rows_per)])

    return agg_kernel


def _head_body(x_ref, w_ref, b_ref, dego0_ref, dego1_ref, degi0_ref,
               degi1_ref, g_ref, ns_ref, nd_ref):
    h = jnp.dot(x_ref[...], w_ref[...], preferred_element_type=jnp.float32)
    hp = jnp.maximum(h + b_ref[...], 0.0)
    ns = lax.rsqrt(dego0_ref[...] + dego1_ref[...] + 1.0)
    nd = lax.rsqrt(degi0_ref[...] + degi1_ref[...] + 1.0)
    g_ref[...] = hp * ns
    ns_ref[...] = ns
    nd_ref[...] = nd


def _mid_body(p0_ref, p1_ref, g_ref, ns_ref, nd_ref, w_ref, b_ref, out_ref):
    agg = (p0_ref[...] + p1_ref[...] + g_ref[...]) * nd_ref[...]
    h = jnp.dot(agg, w_ref[...], preferred_element_type=jnp.float32)
    h = jnp.maximum(h + b_ref[...], 0.0)
    out_ref[...] = h * ns_ref[...]


def _tail_body(p0_ref, p1_ref, g_ref, nd_ref, wc_ref, bc_ref, w2_ref, b2_ref,
               out_ref):
    agg = (p0_ref[...] + p1_ref[...] + g_ref[...]) * nd_ref[...]
    h = jnp.dot(agg, wc_ref[...], preferred_element_type=jnp.float32)
    h = jnp.maximum(h + bc_ref[...], 0.0)
    out_ref[...] = (jnp.dot(h, w2_ref[...],
                            preferred_element_type=jnp.float32)
                    + b2_ref[...])


def kernel(x, edge_index, W1, b1, Wc1, bc1, Wc2, bc2, W2, b2):
    N, F = x.shape
    H = W1.shape[1]
    C = W2.shape[1]
    E = edge_index.shape[1]
    src = edge_index[0]
    dst = edge_index[1]
    P = N * H // 128
    ones_c = jnp.ones((CHUNK, H), jnp.float32)
    zeros_nh = jnp.zeros((N, H), jnp.float32)
    eye8 = jnp.eye(8, dtype=jnp.float32)
    w1_blk = jnp.kron(eye8, W1)
    wc1_blk = jnp.kron(eye8, Wc1)
    wc2_blk = jnp.kron(eye8, Wc2)
    w2_blk = jnp.kron(eye8, W2)
    b1_t = jnp.tile(b1, 8).reshape(1, 128)
    bc1_t = jnp.tile(bc1, 8).reshape(1, 128)
    bc2_t = jnp.tile(bc2, 8).reshape(1, 128)
    b2_t = jnp.tile(b2, 8).reshape(1, 8 * C)
    x_p = x.reshape(N // 8, 8 * F)

    deg_k = _make_degree_kernel(E, N, H)
    agg_k = _make_agg_kernel(E, N, H)

    dego0, dego1, degi0, degi1 = deg_k(src, dst, ones_c, zeros_nh)
    pk = (P, 128)
    g0p, nsp, ndp = pl.pallas_call(
        _head_body,
        out_shape=(jax.ShapeDtypeStruct(pk, jnp.float32),) * 3,
    )(x_p, w1_blk, b1_t, dego0.reshape(pk), dego1.reshape(pk),
      degi0.reshape(pk), degi1.reshape(pk))

    p0, p1 = agg_k(g0p.reshape(N, H), src, dst, zeros_nh)
    g1p = pl.pallas_call(
        _mid_body,
        out_shape=jax.ShapeDtypeStruct(pk, jnp.float32),
    )(p0.reshape(pk), p1.reshape(pk), g0p, nsp, ndp, wc1_blk, bc1_t)

    q0, q1 = agg_k(g1p.reshape(N, H), src, dst, zeros_nh)
    out_p = pl.pallas_call(
        _tail_body,
        out_shape=jax.ShapeDtypeStruct((P, 8 * C), jnp.float32),
    )(q0.reshape(pk), q1.reshape(pk), g1p, ndp, wc2_blk, bc2_t, w2_blk,
      b2_t)
    return out_p.reshape(N, C)

# --- scband reference (transcript-rebuilt; emitter-appended) ---
"""Pipeline reference for scband-dglgcn-56109452754982 (READ-ONLY COPY).

The authoritative reference and input builder live on the scoring server;
editing this copy changes nothing except your own understanding.
"""

import jax, jax.numpy as jnp
import numpy as np


def _gcn_conv(src, dst, norm_src, norm_dst, x, W, b):
    # DGL GraphConv norm='both': D_in^{-1/2} A D_out^{-1/2} X W + b (graph includes self-loops)
    h = x * norm_src[:, None]
    msg = jnp.take(h, src, axis=0)
    agg = jax.ops.segment_sum(msg, dst, num_segments=x.shape[0])
    agg = agg * norm_dst[:, None]
    return agg @ W + b


def setup_inputs(seed: int = 0):
    key = jax.random.key(seed)
    ks = jax.random.split(key, 8)
    N, E, F_IN, H, C = 10000, 320000, 128, 16, 64
    x = jax.random.normal(ks[0], (N, F_IN), dtype=jnp.float32)
    edge_index = jax.random.randint(ks[1], (2, E), 0, N, dtype=jnp.int32)
    W1 = jax.random.normal(ks[2], (F_IN, H), dtype=jnp.float32) * (1.0 / np.sqrt(F_IN))
    b1 = jnp.zeros((H,), dtype=jnp.float32)
    Wc1 = jax.random.normal(ks[3], (H, H), dtype=jnp.float32) * (1.0 / np.sqrt(H))
    bc1 = jnp.zeros((H,), dtype=jnp.float32)
    Wc2 = jax.random.normal(ks[4], (H, H), dtype=jnp.float32) * (1.0 / np.sqrt(H))
    bc2 = jnp.zeros((H,), dtype=jnp.float32)
    W2 = jax.random.normal(ks[5], (H, C), dtype=jnp.float32) * (1.0 / np.sqrt(H))
    b2 = jnp.zeros((C,), dtype=jnp.float32)
    return {"x": x, "edge_index": edge_index, "W1": W1, "b1": b1,
            "Wc1": Wc1, "bc1": bc1, "Wc2": Wc2, "bc2": bc2,
            "W2": W2, "b2": b2}


def reference(x, edge_index, W1, b1, Wc1, bc1, Wc2, bc2, W2, b2):
    # DGLGCN forward, deep=True, wide=False, res_type=0, eval mode (dropout = identity),
    # real_weight_edge=False, with self-loop edges appended as in the torch code.
    N = x.shape[0]
    loop = jnp.arange(N, dtype=edge_index.dtype)
    src = jnp.concatenate([edge_index[0], loop])
    dst = jnp.concatenate([edge_index[1], loop])
    ones = jnp.ones(src.shape[0], dtype=jnp.float32)
    deg_out = jax.ops.segment_sum(ones, src, num_segments=N)
    deg_in = jax.ops.segment_sum(ones, dst, num_segments=N)
    norm_src = jnp.clip(deg_out, 1.0, None) ** -0.5
    norm_dst = jnp.clip(deg_in, 1.0, None) ** -0.5
    h = jax.nn.relu(x @ W1 + b1)
    h = jax.nn.relu(_gcn_conv(src, dst, norm_src, norm_dst, h, Wc1, bc1))
    h = jax.nn.relu(_gcn_conv(src, dst, norm_src, norm_dst, h, Wc2, bc2))
    out = h @ W2 + b2
    return out

if __name__ == "__main__":
    import jax
    _d = setup_inputs()
    print(jax.jit(kernel)(*tuple(_d.values())))

</pallas_src>

<mosaic_0001>
#map = affine_map<(d0, d1) -> (0)>
#map1 = affine_map<(d0, d1) -> (0, 0)>
module attributes {stable_mosaic.version = 14 : i64} {
  func.func @deg_kernel(%arg0: i32, %arg1: i32, %arg2: memref<320000xi32, #tpu.memory_space<hbm>>, %arg3: memref<320000xi32, #tpu.memory_space<hbm>>, %arg4: memref<2000x16xf32, #tpu.memory_space<hbm>>, %arg5: memref<10000x16xf32, #tpu.memory_space<hbm>>, %arg6: memref<10000x16xf32, #tpu.memory_space<hbm>>, %arg7: memref<10000x16xf32, #tpu.memory_space<hbm>>, %arg8: memref<10000x16xf32, #tpu.memory_space<hbm>>, %arg9: memref<10000x16xf32, #tpu.memory_space<hbm>>, %arg10: memref<2000xi32, #tpu.memory_space<vmem>>, %arg11: memref<2000xi32, #tpu.memory_space<vmem>>, %arg12: memref<2000xi32, #tpu.memory_space<vmem>>, %arg13: memref<2000xi32, #tpu.memory_space<vmem>>, %arg14: memref<2000xi32, #tpu.memory_space<vmem>>, %arg15: memref<2000xi32, #tpu.memory_space<vmem>>, %arg16: memref<2000xi32, #tpu.memory_space<vmem>>, %arg17: memref<2000xi32, #tpu.memory_space<vmem>>, %arg18: memref<2000x16xf32, #tpu.memory_space<vmem>>, %arg19: memref<!tpu.dma_semaphore, #tpu.memory_space<semaphore_mem>>, %arg20: memref<!tpu.dma_semaphore, #tpu.memory_space<semaphore_mem>>, %arg21: memref<!tpu.dma_semaphore, #tpu.memory_space<semaphore_mem>>, %arg22: memref<!tpu.dma_semaphore, #tpu.memory_space<semaphore_mem>>, %arg23: memref<!tpu.dma_semaphore, #tpu.memory_space<semaphore_mem>>, %arg24: memref<!tpu.dma_semaphore, #tpu.memory_space<semaphore_mem>>, %arg25: memref<!tpu.dma_semaphore, #tpu.memory_space<semaphore_mem>>, %arg26: memref<!tpu.dma_semaphore, #tpu.memory_space<semaphore_mem>>, %arg27: memref<!tpu.dma_semaphore, #tpu.memory_space<semaphore_mem>>, %arg28: memref<!tpu.dma_semaphore, #tpu.memory_space<semaphore_mem>>, %arg29: memref<!tpu.dma_semaphore, #tpu.memory_space<semaphore_mem>>, %arg30: memref<!tpu.dma_semaphore, #tpu.memory_space<semaphore_mem>>, %arg31: memref<!tpu.dma_semaphore, #tpu.memory_space<semaphore_mem>>, %arg32: memref<!tpu.dma_semaphore, #tpu.memory_space<semaphore_mem>>, %arg33: memref<!tpu.dma_semaphore, #tpu.memory_space<semaphore_mem>>, %arg34: memref<!tpu.dma_semaphore, #tpu.memory_space<semaphore_mem>>, %arg35: memref<10000x16xf32, #tpu.memory_space<vmem_shared>>, %arg36: memref<10000x16xf32, #tpu.memory_space<vmem_shared>>) attributes {dimension_semantics = [#tpu.dimension_semantics<core_parallel>, #tpu.dimension_semantics<subcore_parallel>], iteration_bounds = array<i64: 2, 16>, scalar_prefetch = 0 : i64, scratch_operands = 27 : i64, tpu.core_type = #tpu.core_type<sc_vector_subcore>, window_params = [{transform_indices = #map}, {transform_indices = #map}, {transform_indices = #map1}, {transform_indices = #map1}, {transform_indices = #map1}, {transform_indices = #map1}, {transform_indices = #map1}, {transform_indices = #map1}]} {
    %mul3A = arith.constant 625 : i32
    %mul3A_0 = arith.muli %arg1, %mul3A : i32
    %mul3A_1 = arith.constant 16 : i32
    %mul3A_2 = arith.muli %arg0, %mul3A_1 : i32
    %add3A = arith.addi %mul3A_2, %arg1 : i32
    %mul3A_3 = arith.constant 10000 : i32
    %mul3A_4 = arith.muli %add3A, %mul3A_3 : i32
    %add3A_5 = arith.constant 0 : i32
    %add3A_6 = arith.addi %mul3A_4, %add3A_5 : i32
    %dma_start3A = tpu.memref_slice %arg2[%add3A_6] : memref<320000xi32, #tpu.memory_space<hbm>> -> memref<2000xi32, #tpu.memory_space<hbm>>
    %dma_start3A_7 = tpu.memref_slice %arg2[%add3A_6] : memref<320000xi32, #tpu.memory_space<hbm>> -> memref<2000xi32, #tpu.memory_space<hbm>>
    tpu.enqueue_dma source(%dma_start3A_7 : memref<2000xi32, #tpu.memory_space<hbm>>) target(%arg10 : memref<2000xi32, #tpu.memory_space<vmem>>) target_semaphore(%arg19 : memref<!tpu.dma_semaphore, #tpu.memory_space<semaphore_mem>>)
    %add3A_8 = arith.constant 0 : i32
    %add3A_9 = arith.addi %mul3A_4, %add3A_8 : i32
    %dma_start3A_10 = tpu.memref_slice %arg3[%add3A_9] : memref<320000xi32, #tpu.memory_space<hbm>> -> memref<2000xi32, #tpu.memory_space<hbm>>
    %dma_start3A_11 = tpu.memref_slice %arg3[%add3A_9] : memref<320000xi32, #tpu.memory_space<hbm>> -> memref<2000xi32, #tpu.memory_space<hbm>>
    tpu.enqueue_dma source(%dma_start3A_11 : memref<2000xi32, #tpu.memory_space<hbm>>) target(%arg11 : memref<2000xi32, #tpu.memory_space<vmem>>) target_semaphore(%arg20 : memref<!tpu.dma_semaphore, #tpu.memory_space<semaphore_mem>>)
    "tpu.region"() ({
      %run_scoped3A = tpu.sem_alloc : memref<!tpu.dma_semaphore, #tpu.memory_space<semaphore_mem>>
      tpu.enqueue_dma source(%arg4 : memref<2000x16xf32, #tpu.memory_space<hbm>>) target(%arg18 : memref<2000x16xf32, #tpu.memory_space<vmem>>) target_semaphore(%run_scoped3A : memref<!tpu.dma_semaphore, #tpu.memory_space<semaphore_mem>>)
      tpu.wait_dma2 semaphore(%run_scoped3A : memref<!tpu.dma_semaphore, #tpu.memory_space<semaphore_mem>>) src(%arg4 : memref<2000x16xf32, #tpu.memory_space<hbm>>) dst(%arg18 : memref<2000x16xf32, #tpu.memory_space<vmem>>)
      tpu.yield
    }) : () -> ()
    "tpu.region"() ({
      %run_scoped3A = tpu.sem_alloc : memref<!tpu.dma_semaphore, #tpu.memory_space<semaphore_mem>>
      %dma_start3A_131 = arith.constant 0 : i32
      %dma_start3A_132 = tpu.memref_slice %arg35[%mul3A_0, %dma_start3A_131] : memref<10000x16xf32, #tpu.memory_space<vmem_shared>> -> memref<625x16xf32, #tpu.memory_space<vmem_shared>>
      %dma_start3A_133 = arith.constant 0 : i32
      %dma_start3A_134 = tpu.memref_slice %arg5[%mul3A_0, %dma_start3A_133] : memref<10000x16xf32, #tpu.memory_space<hbm>> -> memref<625x16xf32, #tpu.memory_space<hbm>>
      tpu.enqueue_dma source(%dma_start3A_134 : memref<625x16xf32, #tpu.memory_space<hbm>>) target(%dma_start3A_132 : memref<625x16xf32, #tpu.memory_space<vmem_shared>>) target_semaphore(%run_scoped3A : memref<!tpu.dma_semaphore, #tpu.memory_space<semaphore_mem>>)
      %dma_wait3A_135 = arith.constant 0 : i32
      %dma_wait3A_136 = tpu.memref_slice %arg35[%mul3A_0, %dma_wait3A_135] : memref<10000x16xf32, #tpu.memory_space<vmem_shared>> -> memref<625x16xf32, #tpu.memory_space<vmem_shared>>
      %dma_wait3A_137 = arith.constant 0 : i32
      %dma_wait3A_138 = tpu.memref_slice %arg5[%mul3A_0, %dma_wait3A_137] : memref<10000x16xf32, #tpu.memory_space<hbm>> -> memref<625x16xf32, #tpu.memory_space<hbm>>
      tpu.wait_dma2 semaphore(%run_scoped3A : memref<!tpu.dma_semaphore, #tpu.memory_space<semaphore_mem>>) src(%dma_wait3A_138 : memref<625x16xf32, #tpu.memory_space<hbm>>) dst(%dma_wait3A_136 : memref<625x16xf32, #tpu.memory_space<vmem_shared>>)
      tpu.yield
    }) : () -> ()
    "tpu.region"() ({
      %run_scoped3A = tpu.sem_alloc : memref<!tpu.dma_semaphore, #tpu.memory_space<semaphore_mem>>
      %dma_start3A_131 = arith.constant 0 : i32
      %dma_start3A_132 = tpu.memref_slice %arg36[%mul3A_0, %dma_start3A_131] : memref<10000x16xf32, #tpu.memory_space<vmem_shared>> -> memref<625x16xf32, #tpu.memory_space<vmem_shared>>
      %dma_start3A_133 = arith.constant 0 : i32
      %dma_start3A_134 = tpu.memref_slice %arg5[%mul3A_0, %dma_start3A_133] : memref<10000x16xf32, #tpu.memory_space<hbm>> -> memref<625x16xf32, #tpu.memory_space<hbm>>
      tpu.enqueue_dma source(%dma_start3A_134 : memref<625x16xf32, #tpu.memory_space<hbm>>) target(%dma_start3A_132 : memref<625x16xf32, #tpu.memory_space<vmem_shared>>) target_semaphore(%run_scoped3A : memref<!tpu.dma_semaphore, #tpu.memory_space<semaphore_mem>>)
      %dma_wait3A_135 = arith.constant 0 : i32
      %dma_wait3A_136 = tpu.memref_slice %arg36[%mul3A_0, %dma_wait3A_135] : memref<10000x16xf32, #tpu.memory_space<vmem_shared>> -> memref<625x16xf32, #tpu.memory_space<vmem_shared>>
      %dma_wait3A_137 = arith.constant 0 : i32
      %dma_wait3A_138 = tpu.memref_slice %arg5[%mul3A_0, %dma_wait3A_137] : memref<10000x16xf32, #tpu.memory_space<hbm>> -> memref<625x16xf32, #tpu.memory_space<hbm>>
      tpu.wait_dma2 semaphore(%run_scoped3A : memref<!tpu.dma_semaphore, #tpu.memory_space<semaphore_mem>>) src(%dma_wait3A_138 : memref<625x16xf32, #tpu.memory_space<hbm>>) dst(%dma_wait3A_136 : memref<625x16xf32, #tpu.memory_space<vmem_shared>>)
      tpu.yield
    }) : () -> ()
    %barrier3A = arith.constant 0 : index
    tpu.barrier barrier_id(%barrier3A)
    %dma_wait3A = tpu.memref_slice %arg2[%add3A_6] : memref<320000xi32, #tpu.memory_space<hbm>> -> memref<2000xi32, #tpu.memory_space<hbm>>
    %dma_wait3A_12 = tpu.memref_slice %arg2[%add3A_6] : memref<320000xi32, #tpu.memory_space<hbm>> -> memref<2000xi32, #tpu.memory_space<hbm>>
    tpu.wait_dma2 semaphore(%arg19 : memref<!tpu.dma_semaphore, #tpu.memory_space<semaphore_mem>>) src(%dma_wait3A_12 : memref<2000xi32, #tpu.memory_space<hbm>>) dst(%arg10 : memref<2000xi32, #tpu.memory_space<vmem>>)
    %dma_start3A_13 = arith.constant 0 : i32
    %dma_start3A_14 = arith.constant 0 : i32
    %dma_start3A_15 = tpu.memref_slice %arg35[%dma_start3A_13, %dma_start3A_14] : memref<10000x16xf32, #tpu.memory_space<vmem_shared>> -> memref<10000x16xf32, #tpu.memory_space<vmem_shared>>
    tpu.enqueue_indirect_dma source(%arg18 : memref<2000x16xf32, #tpu.memory_space<vmem>>) target(%dma_start3A_15 : memref<10000x16xf32, #tpu.memory_space<vmem_shared>>) offsets(%arg10 : memref<2000xi32, #tpu.memory_space<vmem>>) semaphore(%arg27 : memref<!tpu.dma_semaphore, #tpu.memory_space<semaphore_mem>>) {add = true}
    %add3A_16 = arith.constant 2000 : i32
    %add3A_17 = arith.addi %mul3A_4, %add3A_16 : i32
    %dma_start3A_18 = tpu.memref_slice %arg2[%add3A_17] : memref<320000xi32, #tpu.memory_space<hbm>> -> memref<2000xi32, #tpu.memory_space<hbm>>
    %dma_start3A_19 = tpu.memref_slice %arg2[%add3A_17] : memref<320000xi32, #tpu.memory_space<hbm>> -> memref<2000xi32, #tpu.memory_space<hbm>>
    tpu.enqueue_dma source(%dma_start3A_19 : memref<2000xi32, #tpu.memory_space<hbm>>) target(%arg12 : memref<2000xi32, #tpu.memory_space<vmem>>) target_semaphore(%arg21 : memref<!tpu.dma_semaphore, #tpu.memory_space<semaphore_mem>>)
    %dma_wait3A_20 = tpu.memref_slice %arg3[%add3A_9] : memref<320000xi32, #tpu.memory_space<hbm>> -> memref<2000xi32, #tpu.memory_space<hbm>>
    %dma_wait3A_21 = tpu.memref_slice %arg3[%add3A_9] : memref<320000xi32, #tpu.memory_space<hbm>> -> memref<2000xi32, #tpu.memory_space<hbm>>
    tpu.wait_dma2 semaphore(%arg20 : memref<!tpu.dma_semaphore, #tpu.memory_space<semaphore_mem>>) src(%dma_wait3A_21 : memref<2000xi32, #tpu.memory_space<hbm>>) dst(%arg11 : memref<2000xi32, #tpu.memory_space<vmem>>)
    %dma_start3A_22 = arith.constant 0 : i32
    %dma_start3A_23 = arith.constant 0 : i32
    %dma_start3A_24 = tpu.memref_slice %arg36[%dma_start3A_22, %dma_start3A_23] : memref<10000x16xf32, #tpu.memory_space<vmem_shared>> -> memref<10000x16xf32, #tpu.memory_space<vmem_shared>>
    tpu.enqueue_indirect_dma source(%arg18 : memref<2000x16xf32, #tpu.memory_space<vmem>>) target(%dma_start3A_24 : memref<10000x16xf32, #tpu.memory_space<vmem_shared>>) offsets(%arg11 : memref<2000xi32, #tpu.memory_space<vmem>>) semaphore(%arg28 : memref<!tpu.dma_semaphore, #tpu.memory_space<semaphore_mem>>) {add = true}
    %add3A_25 = arith.constant 2000 : i32
    %add3A_26 = arith.addi %mul3A_4, %add3A_25 : i32
    %dma_start3A_27 = tpu.memref_slice %arg3[%add3A_26] : memref<320000xi32, #tpu.memory_space<hbm>> -> memref<2000xi32, #tpu.memory_space<hbm>>
    %dma_start3A_28 = tpu.memref_slice %arg3[%add3A_26] : memref<320000xi32, #tpu.memory_space<hbm>> -> memref<2000xi32, #tpu.memory_space<hbm>>
    tpu.enqueue_dma source(%dma_start3A_28 : memref<2000xi32, #tpu.memory_space<hbm>>) target(%arg13 : memref<2000xi32, #tpu.memory_space<vmem>>) target_semaphore(%arg22 : memref<!tpu.dma_semaphore, #tpu.memory_space<semaphore_mem>>)
    %dma_wait3A_29 = tpu.memref_slice %arg2[%add3A_17] : memref<320000xi32, #tpu.memory_space<hbm>> -> memref<2000xi32, #tpu.memory_space<hbm>>
    %dma_wait3A_30 = tpu.memref_slice %arg2[%add3A_17] : memref<320000xi32, #tpu.memory_space<hbm>> -> memref<2000xi32, #tpu.memory_space<hbm>>
    tpu.wait_dma2 semaphore(%arg21 : memref<!tpu.dma_semaphore, #tpu.memory_space<semaphore_mem>>) src(%dma_wait3A_30 : memref<2000xi32, #tpu.memory_space<hbm>>) dst(%arg12 : memref<2000xi32, #tpu.memory_space<vmem>>)
    %dma_start3A_31 = arith.constant 0 : i32
    %dma_start3A_32 = arith.constant 0 : i32
    %dma_start3A_33 = tpu.memref_slice %arg35[%dma_start3A_31, %dma_start3A_32] : memref<10000x16xf32, #tpu.memory_space<vmem_shared>> -> memref<10000x16xf32, #tpu.memory_space<vmem_shared>>
    tpu.enqueue_indirect_dma source(%arg18 : memref<2000x16xf32, #tpu.memory_space<vmem>>) target(%dma_start3A_33 : memref<10000x16xf32, #tpu.memory_space<vmem_shared>>) offsets(%arg12 : memref<2000xi32, #tpu.memory_space<vmem>>) semaphore(%arg29 : memref<!tpu.dma_semaphore, #tpu.memory_space<semaphore_mem>>) {add = true}
    %add3A_34 = arith.constant 4000 : i32
    %add3A_35 = arith.addi %mul3A_4, %add3A_34 : i32
    %dma_start3A_36 = tpu.memref_slice %arg2[%add3A_35] : memref<320000xi32, #tpu.memory_space<hbm>> -> memref<2000xi32, #tpu.memory_space<hbm>>
    %dma_start3A_37 = tpu.memref_slice %arg2[%add3A_35] : memref<320000xi32, #tpu.memory_space<hbm>> -> memref<2000xi32, #tpu.memory_space<hbm>>
    tpu.enqueue_dma source(%dma_start3A_37 : memref<2000xi32, #tpu.memory_space<hbm>>) target(%arg14 : memref<2000xi32, #tpu.memory_space<vmem>>) target_semaphore(%arg23 : memref<!tpu.dma_semaphore, #tpu.memory_space<semaphore_mem>>)
    %dma_wait3A_38 = tpu.memref_slice %arg3[%add3A_26] : memref<320000xi32, #tpu.memory_space<hbm>> -> memref<2000xi32, #tpu.memory_space<hbm>>
    %dma_wait3A_39 = tpu.memref_slice %arg3[%add3A_26] : memref<320000xi32, #tpu.memory_space<hbm>> -> memref<2000xi32, #tpu.memory_space<hbm>>
    tpu.wait_dma2 semaphore(%arg22 : memref<!tpu.dma_semaphore, #tpu.memory_space<semaphore_mem>>) src(%dma_wait3A_39 : memref<2000xi32, #tpu.memory_space<hbm>>) dst(%arg13 : memref<2000xi32, #tpu.memory_space<vmem>>)
    %dma_start3A_40 = arith.constant 0 : i32
    %dma_start3A_41 = arith.constant 0 : i32
    %dma_start3A_42 = tpu.memref_slice %arg36[%dma_start3A_40, %dma_start3A_41] : memref<10000x16xf32, #tpu.memory_space<vmem_shared>> -> memref<10000x16xf32, #tpu.memory_space<vmem_shared>>
    tpu.enqueue_indirect_dma source(%arg18 : memref<2000x16xf32, #tpu.memory_space<vmem>>) target(%dma_start3A_42 : memref<10000x16xf32, #tpu.memory_space<vmem_shared>>) offsets(%arg13 : memref<2000xi32, #tpu.memory_space<vmem>>) semaphore(%arg30 : memref<!tpu.dma_semaphore, #tpu.memory_space<semaphore_mem>>) {add = true}
    %add3A_43 = arith.constant 4000 : i32
    %add3A_44 = arith.addi %mul3A_4, %add3A_43 : i32
    %dma_start3A_45 = tpu.memref_slice %arg3[%add3A_44] : memref<320000xi32, #tpu.memory_space<hbm>> -> memref<2000xi32, #tpu.memory_space<hbm>>
    %dma_start3A_46 = tpu.memref_slice %arg3[%add3A_44] : memref<320000xi32, #tpu.memory_space<hbm>> -> memref<2000xi32, #tpu.memory_space<hbm>>
    tpu.enqueue_dma source(%dma_start3A_46 : memref<2000xi32, #tpu.memory_space<hbm>>) target(%arg15 : memref<2000xi32, #tpu.memory_space<vmem>>) target_semaphore(%arg24 : memref<!tpu.dma_semaphore, #tpu.memory_space<semaphore_mem>>)
    %dma_wait3A_47 = tpu.memref_slice %arg2[%add3A_35] : memref<320000xi32, #tpu.memory_space<hbm>> -> memref<2000xi32, #tpu.memory_space<hbm>>
    %dma_wait3A_48 = tpu.memref_slice %arg2[%add3A_35] : memref<320000xi32, #tpu.memory_space<hbm>> -> memref<2000xi32, #tpu.memory_space<hbm>>
    tpu.wait_dma2 semaphore(%arg23 : memref<!tpu.dma_semaphore, #tpu.memory_space<semaphore_mem>>) src(%dma_wait3A_48 : memref<2000xi32, #tpu.memory_space<hbm>>) dst(%arg14 : memref<2000xi32, #tpu.memory_space<vmem>>)
    %dma_start3A_49 = arith.constant 0 : i32
    %dma_start3A_50 = arith.constant 0 : i32
    %dma_start3A_51 = tpu.memref_slice %arg35[%dma_start3A_49, %dma_start3A_50] : memref<10000x16xf32, #tpu.memory_space<vmem_shared>> -> memref<10000x16xf32, #tpu.memory_space<vmem_shared>>
    tpu.enqueue_indirect_dma source(%arg18 : memref<2000x16xf32, #tpu.memory_space<vmem>>) target(%dma_start3A_51 : memref<10000x16xf32, #tpu.memory_space<vmem_shared>>) offsets(%arg14 : memref<2000xi32, #tpu.memory_space<vmem>>) semaphore(%arg31 : memref<!tpu.dma_semaphore, #tpu.memory_space<semaphore_mem>>) {add = true}
    %add3A_52 = arith.constant 6000 : i32
    %add3A_53 = arith.addi %mul3A_4, %add3A_52 : i32
    %dma_start3A_54 = tpu.memref_slice %arg2[%add3A_53] : memref<320000xi32, #tpu.memory_space<hbm>> -> memref<2000xi32, #tpu.memory_space<hbm>>
    %dma_start3A_55 = tpu.memref_slice %arg2[%add3A_53] : memref<320000xi32, #tpu.memory_space<hbm>> -> memref<2000xi32, #tpu.memory_space<hbm>>
    tpu.enqueue_dma source(%dma_start3A_55 : memref<2000xi32, #tpu.memory_space<hbm>>) target(%arg16 : memref<2000xi32, #tpu.memory_space<vmem>>) target_semaphore(%arg25 : memref<!tpu.dma_semaphore, #tpu.memory_space<semaphore_mem>>)
    %dma_wait3A_56 = tpu.memref_slice %arg3[%add3A_44] : memref<320000xi32, #tpu.memory_space<hbm>> -> memref<2000xi32, #tpu.memory_space<hbm>>
    %dma_wait3A_57 = tpu.memref_slice %arg3[%add3A_44] : memref<320000xi32, #tpu.memory_space<hbm>> -> memref<2000xi32, #tpu.memory_space<hbm>>
    tpu.wait_dma2 semaphore(%arg24 : memref<!tpu.dma_semaphore, #tpu.memory_space<semaphore_mem>>) src(%dma_wait3A_57 : memref<2000xi32, #tpu.memory_space<hbm>>) dst(%arg15 : memref<2000xi32, #tpu.memory_space<vmem>>)
    %dma_start3A_58 = arith.constant 0 : i32
    %dma_start3A_59 = arith.constant 0 : i32
    %dma_start3A_60 = tpu.memref_slice %arg36[%dma_start3A_58, %dma_start3A_59] : memref<10000x16xf32, #tpu.memory_space<vmem_shared>> -> memref<10000x16xf32, #tpu.memory_space<vmem_shared>>
    tpu.enqueue_indirect_dma source(%arg18 : memref<2000x16xf32, #tpu.memory_space<vmem>>) target(%dma_start3A_60 : memref<10000x16xf32, #tpu.memory_space<vmem_shared>>) offsets(%arg15 : memref<2000xi32, #tpu.memory_space<vmem>>) semaphore(%arg32 : memref<!tpu.dma_semaphore, #tpu.memory_space<semaphore_mem>>) {add = true}
    %add3A_61 = arith.constant 6000 : i32
    %add3A_62 = arith.addi %mul3A_4, %add3A_61 : i32
    %dma_start3A_63 = tpu.memref_slice %arg3[%add3A_62] : memref<320000xi32, #tpu.memory_space<hbm>> -> memref<2000xi32, #tpu.memory_space<hbm>>
    %dma_start3A_64 = tpu.memref_slice %arg3[%add3A_62] : memref<320000xi32, #tpu.memory_space<hbm>> -> memref<2000xi32, #tpu.memory_space<hbm>>
    tpu.enqueue_dma source(%dma_start3A_64 : memref<2000xi32, #tpu.memory_space<hbm>>) target(%arg17 : memref<2000xi32, #tpu.memory_space<vmem>>) target_semaphore(%arg26 : memref<!tpu.dma_semaphore, #tpu.memory_space<semaphore_mem>>)
    %dma_wait3A_65 = tpu.memref_slice %arg2[%add3A_53] : memref<320000xi32, #tpu.memory_space<hbm>> -> memref<2000xi32, #tpu.memory_space<hbm>>
    %dma_wait3A_66 = tpu.memref_slice %arg2[%add3A_53] : memref<320000xi32, #tpu.memory_space<hbm>> -> memref<2000xi32, #tpu.memory_space<hbm>>
    tpu.wait_dma2 semaphore(%arg25 : memref<!tpu.dma_semaphore, #tpu.memory_space<semaphore_mem>>) src(%dma_wait3A_66 : memref<2000xi32, #tpu.memory_space<hbm>>) dst(%arg16 : memref<2000xi32, #tpu.memory_space<vmem>>)
    %dma_start3A_67 = arith.constant 0 : i32
    %dma_start3A_68 = arith.constant 0 : i32
    %dma_start3A_69 = tpu.memref_slice %arg35[%dma_start3A_67, %dma_start3A_68] : memref<10000x16xf32, #tpu.memory_space<vmem_shared>> -> memref<10000x16xf32, #tpu.memory_space<vmem_shared>>
    tpu.enqueue_indirect_dma source(%arg18 : memref<2000x16xf32, #tpu.memory_space<vmem>>) target(%dma_start3A_69 : memref<10000x16xf32, #tpu.memory_space<vmem_shared>>) offsets(%arg16 : memref<2000xi32, #tpu.memory_space<vmem>>) semaphore(%arg33 : memref<!tpu.dma_semaphore, #tpu.memory_space<semaphore_mem>>) {add = true}
    %dma_wait3A_70 = arith.constant 0 : i32
    %dma_wait3A_71 = arith.constant 0 : i32
    %dma_wait3A_72 = tpu.memref_slice %arg35[%dma_wait3A_70, %dma_wait3A_71] : memref<10000x16xf32, #tpu.memory_space<vmem_shared>> -> memref<10000x16xf32, #tpu.memory_space<vmem_shared>>
    tpu.wait_indirect_dma semaphore(%arg27 : memref<!tpu.dma_semaphore, #tpu.memory_space<semaphore_mem>>) src(%arg18 : memref<2000x16xf32, #tpu.memory_space<vmem>>) dst(%dma_wait3A_72 : memref<10000x16xf32, #tpu.memory_space<vmem_shared>>)
    %add3A_73 = arith.constant 8000 : i32
    %add3A_74 = arith.addi %mul3A_4, %add3A_73 : i32
    %dma_start3A_75 = tpu.memref_slice %arg2[%add3A_74] : memref<320000xi32, #tpu.memory_space<hbm>> -> memref<2000xi32, #tpu.memory_space<hbm>>
    %dma_start3A_76 = tpu.memref_slice %arg2[%add3A_74] : memref<320000xi32, #tpu.memory_space<hbm>> -> memref<2000xi32, #tpu.memory_space<hbm>>
    tpu.enqueue_dma source(%dma_start3A_76 : memref<2000xi32, #tpu.memory_space<hbm>>) target(%arg10 : memref<2000xi32, #tpu.memory_space<vmem>>) target_semaphore(%arg19 : memref<!tpu.dma_semaphore, #tpu.memory_space<semaphore_mem>>)
    %dma_wait3A_77 = tpu.memref_slice %arg3[%add3A_62] : memref<320000xi32, #tpu.memory_space<hbm>> -> memref<2000xi32, #tpu.memory_space<hbm>>
    %dma_wait3A_78 = tpu.memref_slice %arg3[%add3A_62] : memref<320000xi32, #tpu.memory_space<hbm>> -> memref<2000xi32, #tpu.memory_space<hbm>>
    tpu.wait_dma2 semaphore(%arg26 : memref<!tpu.dma_semaphore, #tpu.memory_space<semaphore_mem>>) src(%dma_wait3A_78 : memref<2000xi32, #tpu.memory_space<hbm>>) dst(%arg17 : memref<2000xi32, #tpu.memory_space<vmem>>)
    %dma_start3A_79 = arith.constant 0 : i32
    %dma_start3A_80 = arith.constant 0 : i32
    %dma_start3A_81 = tpu.memref_slice %arg36[%dma_start3A_79, %dma_start3A_80] : memref<10000x16xf32, #tpu.memory_space<vmem_shared>> -> memref<10000x16xf32, #tpu.memory_space<vmem_shared>>
    tpu.enqueue_indirect_dma source(%arg18 : memref<2000x16xf32, #tpu.memory_space<vmem>>) target(%dma_start3A_81 : memref<10000x16xf32, #tpu.memory_space<vmem_shared>>) offsets(%arg17 : memref<2000xi32, #tpu.memory_space<vmem>>) semaphore(%arg34 : memref<!tpu.dma_semaphore, #tpu.memory_space<semaphore_mem>>) {add = true}
    %dma_wait3A_82 = arith.constant 0 : i32
    %dma_wait3A_83 = arith.constant 0 : i32
    %dma_wait3A_84 = tpu.memref_slice %arg36[%dma_wait3A_82, %dma_wait3A_83] : memref<10000x16xf32, #tpu.memory_space<vmem_shared>> -> memref<10000x16xf32, #tpu.memory_space<vmem_shared>>
    tpu.wait_indirect_dma semaphore(%arg28 : memref<!tpu.dma_semaphore, #tpu.memory_space<semaphore_mem>>) src(%arg18 : memref<2000x16xf32, #tpu.memory_space<vmem>>) dst(%dma_wait3A_84 : memref<10000x16xf32, #tpu.memory_space<vmem_shared>>)
    %add3A_85 = arith.constant 8000 : i32
    %add3A_86 = arith.addi %mul3A_4, %add3A_85 : i32
    %dma_start3A_87 = tpu.memref_slice %arg3[%add3A_86] : memref<320000xi32, #tpu.memory_space<hbm>> -> memref<2000xi32, #tpu.memory_space<hbm>>
    %dma_start3A_88 = tpu.memref_slice %arg3[%add3A_86] : memref<320000xi32, #tpu.memory_space<hbm>> -> memref<2000xi32, #tpu.memory_space<hbm>>
    tpu.enqueue_dma source(%dma_start3A_88 : memref<2000xi32, #tpu.memory_space<hbm>>) target(%arg11 : memref<2000xi32, #tpu.memory_space<vmem>>) target_semaphore(%arg20 : memref<!tpu.dma_semaphore, #tpu.memory_space<semaphore_mem>>)
    %dma_wait3A_89 = tpu.memref_slice %arg2[%add3A_74] : memref<320000xi32, #tpu.memory_space<hbm>> -> memref<2000xi32, #tpu.memory_space<hbm>>
    %dma_wait3A_90 = tpu.memref_slice %arg2[%add3A_74] : memref<320000xi32, #tpu.memory_space<hbm>> -> memref<2000xi32, #tpu.memory_space<hbm>>
    tpu.wait_dma2 semaphore(%arg19 : memref<!tpu.dma_semaphore, #tpu.memory_space<semaphore_mem>>) src(%dma_wait3A_90 : memref<2000xi32, #tpu.memory_space<hbm>>) dst(%arg10 : memref<2000xi32, #tpu.memory_space<vmem>>)
    %dma_start3A_91 = arith.constant 0 : i32
    %dma_start3A_92 = arith.constant 0 : i32
    %dma_start3A_93 = tpu.memref_slice %arg35[%dma_start3A_91, %dma_start3A_92] : memref<10000x16xf32, #tpu.memory_space<vmem_shared>> -> memref<10000x16xf32, #tpu.memory_space<vmem_shared>>
    tpu.enqueue_indirect_dma source(%arg18 : memref<2000x16xf32, #tpu.memory_space<vmem>>) target(%dma_start3A_93 : memref<10000x16xf32, #tpu.memory_space<vmem_shared>>) offsets(%arg10 : memref<2000xi32, #tpu.memory_space<vmem>>) semaphore(%arg27 : memref<!tpu.dma_semaphore, #tpu.memory_space<semaphore_mem>>) {add = true}
    %dma_wait3A_94 = tpu.memref_slice %arg3[%add3A_86] : memref<320000xi32, #tpu.memory_space<hbm>> -> memref<2000xi32, #tpu.memory_space<hbm>>
    %dma_wait3A_95 = tpu.memref_slice %arg3[%add3A_86] : memref<320000xi32, #tpu.memory_space<hbm>> -> memref<2000xi32, #tpu.memory_space<hbm>>
    tpu.wait_dma2 semaphore(%arg20 : memref<!tpu.dma_semaphore, #tpu.memory_space<semaphore_mem>>) src(%dma_wait3A_95 : memref<2000xi32, #tpu.memory_space<hbm>>) dst(%arg11 : memref<2000xi32, #tpu.memory_space<vmem>>)
    %dma_start3A_96 = arith.constant 0 : i32
    %dma_start3A_97 = arith.constant 0 : i32
    %dma_start3A_98 = tpu.memref_slice %arg36[%dma_start3A_96, %dma_start3A_97] : memref<10000x16xf32, #tpu.memory_space<vmem_shared>> -> memref<10000x16xf32, #tpu.memory_space<vmem_shared>>
    tpu.enqueue_indirect_dma source(%arg18 : memref<2000x16xf32, #tpu.memory_space<vmem>>) target(%dma_start3A_98 : memref<10000x16xf32, #tpu.memory_space<vmem_shared>>) offsets(%arg11 : memref<2000xi32, #tpu.memory_space<vmem>>) semaphore(%arg28 : memref<!tpu.dma_semaphore, #tpu.memory_space<semaphore_mem>>) {add = true}
    %dma_wait3A_99 = arith.constant 0 : i32
    %dma_wait3A_100 = arith.constant 0 : i32
    %dma_wait3A_101 = tpu.memref_slice %arg35[%dma_wait3A_99, %dma_wait3A_100] : memref<10000x16xf32, #tpu.memory_space<vmem_shared>> -> memref<10000x16xf32, #tpu.memory_space<vmem_shared>>
    tpu.wait_indirect_dma semaphore(%arg29 : memref<!tpu.dma_semaphore, #tpu.memory_space<semaphore_mem>>) src(%arg18 : memref<2000x16xf32, #tpu.memory_space<vmem>>) dst(%dma_wait3A_101 : memref<10000x16xf32, #tpu.memory_space<vmem_shared>>)
    %dma_wait3A_102 = arith.constant 0 : i32
    %dma_wait3A_103 = arith.constant 0 : i32
    %dma_wait3A_104 = tpu.memref_slice %arg36[%dma_wait3A_102, %dma_wait3A_103] : memref<10000x16xf32, #tpu.memory_space<vmem_shared>> -> memref<10000x16xf32, #tpu.memory_space<vmem_shared>>
    tpu.wait_indirect_dma semaphore(%arg30 : memref<!tpu.dma_semaphore, #tpu.memory_space<semaphore_mem>>) src(%arg18 : memref<2000x16xf32, #tpu.memory_space<vmem>>) dst(%dma_wait3A_104 : memref<10000x16xf32, #tpu.memory_space<vmem_shared>>)
    %dma_wait3A_105 = arith.constant 0 : i32
    %dma_wait3A_106 = arith.constant 0 : i32
    %dma_wait3A_107 = tpu.memref_slice %arg35[%dma_wait3A_105, %dma_wait3A_106] : memref<10000x16xf32, #tpu.memory_space<vmem_shared>> -> memref<10000x16xf32, #tpu.memory_space<vmem_shared>>
    tpu.wait_indirect_dma semaphore(%arg31 : memref<!tpu.dma_semaphore, #tpu.memory_space<semaphore_mem>>) src(%arg18 : memref<2000x16xf32, #tpu.memory_space<vmem>>) dst(%dma_wait3A_107 : memref<10000x16xf32, #tpu.memory_space<vmem_shared>>)
    %dma_wait3A_108 = arith.constant 0 : i32
    %dma_wait3A_109 = arith.constant 0 : i32
    %dma_wait3A_110 = tpu.memref_slice %arg36[%dma_wait3A_108, %dma_wait3A_109] : memref<10000x16xf32, #tpu.memory_space<vmem_shared>> -> memref<10000x16xf32, #tpu.memory_space<vmem_shared>>
    tpu.wait_indirect_dma semaphore(%arg32 : memref<!tpu.dma_semaphore, #tpu.memory_space<semaphore_mem>>) src(%arg18 : memref<2000x16xf32, #tpu.memory_space<vmem>>) dst(%dma_wait3A_110 : memref<10000x16xf32, #tpu.memory_space<vmem_shared>>)
    %dma_wait3A_111 = arith.constant 0 : i32
    %dma_wait3A_112 = arith.constant 0 : i32
    %dma_wait3A_113 = tpu.memref_slice %arg35[%dma_wait3A_111, %dma_wait3A_112] : memref<10000x16xf32, #tpu.memory_space<vmem_shared>> -> memref<10000x16xf32, #tpu.memory_space<vmem_shared>>
    tpu.wait_indirect_dma semaphore(%arg33 : memref<!tpu.dma_semaphore, #tpu.memory_space<semaphore_mem>>) src(%arg18 : memref<2000x16xf32, #tpu.memory_space<vmem>>) dst(%dma_wait3A_113 : memref<10000x16xf32, #tpu.memory_space<vmem_shared>>)
    %dma_wait3A_114 = arith.constant 0 : i32
    %dma_wait3A_115 = arith.constant 0 : i32
    %dma_wait3A_116 = tpu.memref_slice %arg36[%dma_wait3A_114, %dma_wait3A_115] : memref<10000x16xf32, #tpu.memory_space<vmem_shared>> -> memref<10000x16xf32, #tpu.memory_space<vmem_shared>>
    tpu.wait_indirect_dma semaphore(%arg34 : memref<!tpu.dma_semaphore, #tpu.memory_space<semaphore_mem>>) src(%arg18 : memref<2000x16xf32, #tpu.memory_space<vmem>>) dst(%dma_wait3A_116 : memref<10000x16xf32, #tpu.memory_space<vmem_shared>>)
    %dma_wait3A_117 = arith.constant 0 : i32
    %dma_wait3A_118 = arith.constant 0 : i32
    %dma_wait3A_119 = tpu.memref_slice %arg35[%dma_wait3A_117, %dma_wait3A_118] : memref<10000x16xf32, #tpu.memory_space<vmem_shared>> -> memref<10000x16xf32, #tpu.memory_space<vmem_shared>>
    tpu.wait_indirect_dma semaphore(%arg27 : memref<!tpu.dma_semaphore, #tpu.memory_space<semaphore_mem>>) src(%arg18 : memref<2000x16xf32, #tpu.memory_space<vmem>>) dst(%dma_wait3A_119 : memref<10000x16xf32, #tpu.memory_space<vmem_shared>>)
    %dma_wait3A_120 = arith.constant 0 : i32
    %dma_wait3A_121 = arith.constant 0 : i32
    %dma_wait3A_122 = tpu.memref_slice %arg36[%dma_wait3A_120, %dma_wait3A_121] : memref<10000x16xf32, #tpu.memory_space<vmem_shared>> -> memref<10000x16xf32, #tpu.memory_space<vmem_shared>>
    tpu.wait_indirect_dma semaphore(%arg28 : memref<!tpu.dma_semaphore, #tpu.memory_space<semaphore_mem>>) src(%arg18 : memref<2000x16xf32, #tpu.memory_space<vmem>>) dst(%dma_wait3A_122 : memref<10000x16xf32, #tpu.memory_space<vmem_shared>>)
    %barrier3A_123 = arith.constant 0 : index
    tpu.barrier barrier_id(%barrier3A_123)
    %eq3A = arith.constant 0 : i32
    %eq3A_124 = arith.cmpi eq, %arg0, %eq3A : i32
    %convert_element_type3A = arith.extui %eq3A_124 : i1 to i32
    %cond3A = arith.constant 0 : i32
    %cond3A_125 = arith.cmpi ne, %convert_element_type3A, %cond3A : i32
    scf.if %cond3A_125 {
      "tpu.region"() ({
        %run_scoped3A = tpu.sem_alloc : memref<!tpu.dma_semaphore, #tpu.memory_space<semaphore_mem>>
        %dma_start3A_131 = arith.constant 0 : i32
        %dma_start3A_132 = tpu.memref_slice %arg6[%mul3A_0, %dma_start3A_131] : memref<10000x16xf32, #tpu.memory_space<hbm>> -> memref<625x16xf32, #tpu.memory_space<hbm>>
        %dma_start3A_133 = arith.constant 0 : i32
        %dma_start3A_134 = tpu.memref_slice %arg35[%mul3A_0, %dma_start3A_133] : memref<10000x16xf32, #tpu.memory_space<vmem_shared>> -> memref<625x16xf32, #tpu.memory_space<vmem_shared>>
        tpu.enqueue_dma source(%dma_start3A_134 : memref<625x16xf32, #tpu.memory_space<vmem_shared>>) target(%dma_start3A_132 : memref<625x16xf32, #tpu.memory_space<hbm>>) target_semaphore(%run_scoped3A : memref<!tpu.dma_semaphore, #tpu.memory_space<semaphore_mem>>)
        %dma_wait3A_135 = arith.constant 0 : i32
        %dma_wait3A_136 = tpu.memref_slice %arg6[%mul3A_0, %dma_wait3A_135] : memref<10000x16xf32, #tpu.memory_space<hbm>> -> memref<625x16xf32, #tpu.memory_space<hbm>>
        %dma_wait3A_137 = arith.constant 0 : i32
        %dma_wait3A_138 = tpu.memref_slice %arg35[%mul3A_0, %dma_wait3A_137] : memref<10000x16xf32, #tpu.memory_space<vmem_shared>> -> memref<625x16xf32, #tpu.memory_space<vmem_shared>>
        tpu.wait_dma2 semaphore(%run_scoped3A : memref<!tpu.dma_semaphore, #tpu.memory_space<semaphore_mem>>) src(%dma_wait3A_138 : memref<625x16xf32, #tpu.memory_space<vmem_shared>>) dst(%dma_wait3A_136 : memref<625x16xf32, #tpu.memory_space<hbm>>)
        tpu.yield
      }) : () -> ()
      "tpu.region"() ({
        %run_scoped3A = tpu.sem_alloc : memref<!tpu.dma_semaphore, #tpu.memory_space<semaphore_mem>>
        %dma_start3A_131 = arith.constant 0 : i32
        %dma_start3A_132 = tpu.memref_slice %arg8[%mul3A_0, %dma_start3A_131] : memref<10000x16xf32, #tpu.memory_space<hbm>> -> memref<625x16xf32, #tpu.memory_space<hbm>>
        %dma_start3A_133 = arith.constant 0 : i32
        %dma_start3A_134 = tpu.memref_slice %arg36[%mul3A_0, %dma_start3A_133] : memref<10000x16xf32, #tpu.memory_space<vmem_shared>> -> memref<625x16xf32, #tpu.memory_space<vmem_shared>>
        tpu.enqueue_dma source(%dma_start3A_134 : memref<625x16xf32, #tpu.memory_space<vmem_shared>>) target(%dma_start3A_132 : memref<625x16xf32, #tpu.memory_space<hbm>>) target_semaphore(%run_scoped3A : memref<!tpu.dma_semaphore, #tpu.memory_space<semaphore_mem>>)
        %dma_wait3A_135 = arith.constant 0 : i32
        %dma_wait3A_136 = tpu.memref_slice %arg8[%mul3A_0, %dma_wait3A_135] : memref<10000x16xf32, #tpu.memory_space<hbm>> -> memref<625x16xf32, #tpu.memory_space<hbm>>
        %dma_wait3A_137 = arith.constant 0 : i32
        %dma_wait3A_138 = tpu.memref_slice %arg36[%mul3A_0, %dma_wait3A_137] : memref<10000x16xf32, #tpu.memory_space<vmem_shared>> -> memref<625x16xf32, #tpu.memory_space<vmem_shared>>
        tpu.wait_dma2 semaphore(%run_scoped3A : memref<!tpu.dma_semaphore, #tpu.memory_space<semaphore_mem>>) src(%dma_wait3A_138 : memref<625x16xf32, #tpu.memory_space<vmem_shared>>) dst(%dma_wait3A_136 : memref<625x16xf32, #tpu.memory_space<hbm>>)
        tpu.yield
      }) : () -> ()
    } else {
    }
    %eq3A_126 = arith.constant 1 : i32
    %eq3A_127 = arith.cmpi eq, %arg0, %eq3A_126 : i32
    %convert_element_type3A_128 = arith.extui %eq3A_127 : i1 to i32
    %cond3A_129 = arith.constant 0 : i32
    %cond3A_130 = arith.cmpi ne, %convert_element_type3A_128, %cond3A_129 : i32
    scf.if %cond3A_130 {
      "tpu.region"() ({
        %run_scoped3A = tpu.sem_alloc : memref<!tpu.dma_semaphore, #tpu.memory_space<semaphore_mem>>
        %dma_start3A_131 = arith.constant 0 : i32
        %dma_start3A_132 = tpu.memref_slice %arg7[%mul3A_0, %dma_start3A_131] : memref<10000x16xf32, #tpu.memory_space<hbm>> -> memref<625x16xf32, #tpu.memory_space<hbm>>
        %dma_start3A_133 = arith.constant 0 : i32
        %dma_start3A_134 = tpu.memref_slice %arg35[%mul3A_0, %dma_start3A_133] : memref<10000x16xf32, #tpu.memory_space<vmem_shared>> -> memref<625x16xf32, #tpu.memory_space<vmem_shared>>
        tpu.enqueue_dma source(%dma_start3A_134 : memref<625x16xf32, #tpu.memory_space<vmem_shared>>) target(%dma_start3A_132 : memref<625x16xf32, #tpu.memory_space<hbm>>) target_semaphore(%run_scoped3A : memref<!tpu.dma_semaphore, #tpu.memory_space<semaphore_mem>>)
        %dma_wait3A_135 = arith.constant 0 : i32
        %dma_wait3A_136 = tpu.memref_slice %arg7[%mul3A_0, %dma_wait3A_135] : memref<10000x16xf32, #tpu.memory_space<hbm>> -> memref<625x16xf32, #tpu.memory_space<hbm>>
        %dma_wait3A_137 = arith.constant 0 : i32
        %dma_wait3A_138 = tpu.memref_slice %arg35[%mul3A_0, %dma_wait3A_137] : memref<10000x16xf32, #tpu.memory_space<vmem_shared>> -> memref<625x16xf32, #tpu.memory_space<vmem_shared>>
        tpu.wait_dma2 semaphore(%run_scoped3A : memref<!tpu.dma_semaphore, #tpu.memory_space<semaphore_mem>>) src(%dma_wait3A_138 : memref<625x16xf32, #tpu.memory_space<vmem_shared>>) dst(%dma_wait3A_136 : memref<625x16xf32, #tpu.memory_space<hbm>>)
        tpu.yield
      }) : () -> ()
      "tpu.region"() ({
        %run_scoped3A = tpu.sem_alloc : memref<!tpu.dma_semaphore, #tpu.memory_space<semaphore_mem>>
        %dma_start3A_131 = arith.constant 0 : i32
        %dma_start3A_132 = tpu.memref_slice %arg9[%mul3A_0, %dma_start3A_131] : memref<10000x16xf32, #tpu.memory_space<hbm>> -> memref<625x16xf32, #tpu.memory_space<hbm>>
        %dma_start3A_133 = arith.constant 0 : i32
        %dma_start3A_134 = tpu.memref_slice %arg36[%mul3A_0, %dma_start3A_133] : memref<10000x16xf32, #tpu.memory_space<vmem_shared>> -> memref<625x16xf32, #tpu.memory_space<vmem_shared>>
        tpu.enqueue_dma source(%dma_start3A_134 : memref<625x16xf32, #tpu.memory_space<vmem_shared>>) target(%dma_start3A_132 : memref<625x16xf32, #tpu.memory_space<hbm>>) target_semaphore(%run_scoped3A : memref<!tpu.dma_semaphore, #tpu.memory_space<semaphore_mem>>)
        %dma_wait3A_135 = arith.constant 0 : i32
        %dma_wait3A_136 = tpu.memref_slice %arg9[%mul3A_0, %dma_wait3A_135] : memref<10000x16xf32, #tpu.memory_space<hbm>> -> memref<625x16xf32, #tpu.memory_space<hbm>>
        %dma_wait3A_137 = arith.constant 0 : i32
        %dma_wait3A_138 = tpu.memref_slice %arg36[%mul3A_0, %dma_wait3A_137] : memref<10000x16xf32, #tpu.memory_space<vmem_shared>> -> memref<625x16xf32, #tpu.memory_space<vmem_shared>>
        tpu.wait_dma2 semaphore(%run_scoped3A : memref<!tpu.dma_semaphore, #tpu.memory_space<semaphore_mem>>) src(%dma_wait3A_138 : memref<625x16xf32, #tpu.memory_space<vmem_shared>>) dst(%dma_wait3A_136 : memref<625x16xf32, #tpu.memory_space<hbm>>)
        tpu.yield
      }) : () -> ()
    } else {
    }
    return
  }
}

#map = affine_map<(d0, d1) -> (0, 0)>
#map1 = affine_map<(d0, d1) -> (0)>
module attributes {stable_mosaic.version = 14 : i64} {
  func.func @agg_kernel(%arg0: i32, %arg1: i32, %arg2: memref<10000x16xf32, #tpu.memory_space<hbm>>, %arg3: memref<320000xi32, #tpu.memory_space<hbm>>, %arg4: memref<320000xi32, #tpu.memory_space<hbm>>, %arg5: memref<10000x16xf32, #tpu.memory_space<hbm>>, %arg6: memref<10000x16xf32, #tpu.memory_space<hbm>>, %arg7: memref<10000x16xf32, #tpu.memory_space<hbm>>, %arg8: memref<2000xi32, #tpu.memory_space<vmem>>, %arg9: memref<2000xi32, #tpu.memory_space<vmem>>, %arg10: memref<2000xi32, #tpu.memory_space<vmem>>, %arg11: memref<2000xi32, #tpu.memory_space<vmem>>, %arg12: memref<2000xi32, #tpu.memory_space<vmem>>, %arg13: memref<2000xi32, #tpu.memory_space<vmem>>, %arg14: memref<2000x16xf32, #tpu.memory_space<vmem>>, %arg15: memref<2000x16xf32, #tpu.memory_space<vmem>>, %arg16: memref<2000x16xf32, #tpu.memory_space<vmem>>, %arg17: memref<!tpu.dma_semaphore, #tpu.memory_space<semaphore_mem>>, %arg18: memref<!tpu.dma_semaphore, #tpu.memory_space<semaphore_mem>>, %arg19: memref<!tpu.dma_semaphore, #tpu.memory_space<semaphore_mem>>, %arg20: memref<!tpu.dma_semaphore, #tpu.memory_space<semaphore_mem>>, %arg21: memref<!tpu.dma_semaphore, #tpu.memory_space<semaphore_mem>>, %arg22: memref<!tpu.dma_semaphore, #tpu.memory_space<semaphore_mem>>, %arg23: memref<!tpu.dma_semaphore, #tpu.memory_space<semaphore_mem>>, %arg24: memref<!tpu.dma_semaphore, #tpu.memory_space<semaphore_mem>>, %arg25: memref<!tpu.dma_semaphore, #tpu.memory_space<semaphore_mem>>, %arg26: memref<!tpu.dma_semaphore, #tpu.memory_space<semaphore_mem>>, %arg27: memref<!tpu.dma_semaphore, #tpu.memory_space<semaphore_mem>>, %arg28: memref<!tpu.dma_semaphore, #tpu.memory_space<semaphore_mem>>, %arg29: memref<10000x16xf32, #tpu.memory_space<vmem_shared>>, %arg30: memref<10000x16xf32, #tpu.memory_space<vmem_shared>>) attributes {dimension_semantics = [#tpu.dimension_semantics<core_parallel>, #tpu.dimension_semantics<subcore_parallel>], iteration_bounds = array<i64: 2, 16>, scalar_prefetch = 0 : i64, scratch_operands = 23 : i64, tpu.core_type = #tpu.core_type<sc_vector_subcore>, window_params = [{transform_indices = #map}, {transform_indices = #map1}, {transform_indices = #map1}, {transform_indices = #map}, {transform_indices = #map}, {transform_indices = #map}]} {
    %mul3A = arith.constant 625 : i32
    %mul3A_0 = arith.muli %arg1, %mul3A : i32
    %mul3A_1 = arith.constant 16 : i32
    %mul3A_2 = arith.muli %arg0, %mul3A_1 : i32
    %add3A = arith.addi %mul3A_2, %arg1 : i32
    %mul3A_3 = arith.constant 10000 : i32
    %mul3A_4 = arith.muli %add3A, %mul3A_3 : i32
    %add3A_5 = arith.constant 0 : i32
    %add3A_6 = arith.addi %mul3A_4, %add3A_5 : i32
    %dma_start3A = tpu.memref_slice %arg3[%add3A_6] : memref<320000xi32, #tpu.memory_space<hbm>> -> memref<2000xi32, #tpu.memory_space<hbm>>
    %dma_start3A_7 = tpu.memref_slice %arg3[%add3A_6] : memref<320000xi32, #tpu.memory_space<hbm>> -> memref<2000xi32, #tpu.memory_space<hbm>>
    tpu.enqueue_dma source(%dma_start3A_7 : memref<2000xi32, #tpu.memory_space<hbm>>) target(%arg8 : memref<2000xi32, #tpu.memory_space<vmem>>) target_semaphore(%arg17 : memref<!tpu.dma_semaphore, #tpu.memory_space<semaphore_mem>>)
    %dma_start3A_8 = tpu.memref_slice %arg4[%add3A_6] : memref<320000xi32, #tpu.memory_space<hbm>> -> memref<2000xi32, #tpu.memory_space<hbm>>
    %dma_start3A_9 = tpu.memref_slice %arg4[%add3A_6] : memref<320000xi32, #tpu.memory_space<hbm>> -> memref<2000xi32, #tpu.memory_space<hbm>>
    tpu.enqueue_dma source(%dma_start3A_9 : memref<2000xi32, #tpu.memory_space<hbm>>) target(%arg11 : memref<2000xi32, #tpu.memory_space<vmem>>) target_semaphore(%arg20 : memref<!tpu.dma_semaphore, #tpu.memory_space<semaphore_mem>>)
    "tpu.region"() ({
      %run_scoped3A = tpu.sem_alloc : memref<!tpu.dma_semaphore, #tpu.memory_space<semaphore_mem>>
      %dma_start3A_121 = arith.constant 0 : i32
      %dma_start3A_122 = tpu.memref_slice %arg29[%mul3A_0, %dma_start3A_121] : memref<10000x16xf32, #tpu.memory_space<vmem_shared>> -> memref<625x16xf32, #tpu.memory_space<vmem_shared>>
      %dma_start3A_123 = arith.constant 0 : i32
      %dma_start3A_124 = tpu.memref_slice %arg2[%mul3A_0, %dma_start3A_123] : memref<10000x16xf32, #tpu.memory_space<hbm>> -> memref<625x16xf32, #tpu.memory_space<hbm>>
      tpu.enqueue_dma source(%dma_start3A_124 : memref<625x16xf32, #tpu.memory_space<hbm>>) target(%dma_start3A_122 : memref<625x16xf32, #tpu.memory_space<vmem_shared>>) target_semaphore(%run_scoped3A : memref<!tpu.dma_semaphore, #tpu.memory_space<semaphore_mem>>)
      %dma_wait3A_125 = arith.constant 0 : i32
      %dma_wait3A_126 = tpu.memref_slice %arg29[%mul3A_0, %dma_wait3A_125] : memref<10000x16xf32, #tpu.memory_space<vmem_shared>> -> memref<625x16xf32, #tpu.memory_space<vmem_shared>>
      %dma_wait3A_127 = arith.constant 0 : i32
      %dma_wait3A_128 = tpu.memref_slice %arg2[%mul3A_0, %dma_wait3A_127] : memref<10000x16xf32, #tpu.memory_space<hbm>> -> memref<625x16xf32, #tpu.memory_space<hbm>>
      tpu.wait_dma2 semaphore(%run_scoped3A : memref<!tpu.dma_semaphore, #tpu.memory_space<semaphore_mem>>) src(%dma_wait3A_128 : memref<625x16xf32, #tpu.memory_space<hbm>>) dst(%dma_wait3A_126 : memref<625x16xf32, #tpu.memory_space<vmem_shared>>)
      tpu.yield
    }) : () -> ()
    "tpu.region"() ({
      %run_scoped3A = tpu.sem_alloc : memref<!tpu.dma_semaphore, #tpu.memory_space<semaphore_mem>>
      %dma_start3A_121 = arith.constant 0 : i32
      %dma_start3A_122 = tpu.memref_slice %arg30[%mul3A_0, %dma_start3A_121] : memref<10000x16xf32, #tpu.memory_space<vmem_shared>> -> memref<625x16xf32, #tpu.memory_space<vmem_shared>>
      %dma_start3A_123 = arith.constant 0 : i32
      %dma_start3A_124 = tpu.memref_slice %arg5[%mul3A_0, %dma_start3A_123] : memref<10000x16xf32, #tpu.memory_space<hbm>> -> memref<625x16xf32, #tpu.memory_space<hbm>>
      tpu.enqueue_dma source(%dma_start3A_124 : memref<625x16xf32, #tpu.memory_space<hbm>>) target(%dma_start3A_122 : memref<625x16xf32, #tpu.memory_space<vmem_shared>>) target_semaphore(%run_scoped3A : memref<!tpu.dma_semaphore, #tpu.memory_space<semaphore_mem>>)
      %dma_wait3A_125 = arith.constant 0 : i32
      %dma_wait3A_126 = tpu.memref_slice %arg30[%mul3A_0, %dma_wait3A_125] : memref<10000x16xf32, #tpu.memory_space<vmem_shared>> -> memref<625x16xf32, #tpu.memory_space<vmem_shared>>
      %dma_wait3A_127 = arith.constant 0 : i32
      %dma_wait3A_128 = tpu.memref_slice %arg5[%mul3A_0, %dma_wait3A_127] : memref<10000x16xf32, #tpu.memory_space<hbm>> -> memref<625x16xf32, #tpu.memory_space<hbm>>
      tpu.wait_dma2 semaphore(%run_scoped3A : memref<!tpu.dma_semaphore, #tpu.memory_space<semaphore_mem>>) src(%dma_wait3A_128 : memref<625x16xf32, #tpu.memory_space<hbm>>) dst(%dma_wait3A_126 : memref<625x16xf32, #tpu.memory_space<vmem_shared>>)
      tpu.yield
    }) : () -> ()
    %barrier3A = arith.constant 0 : index
    tpu.barrier barrier_id(%barrier3A)
    %dma_wait3A = tpu.memref_slice %arg3[%add3A_6] : memref<320000xi32, #tpu.memory_space<hbm>> -> memref<2000xi32, #tpu.memory_space<hbm>>
    %dma_wait3A_10 = tpu.memref_slice %arg3[%add3A_6] : memref<320000xi32, #tpu.memory_space<hbm>> -> memref<2000xi32, #tpu.memory_space<hbm>>
    tpu.wait_dma2 semaphore(%arg17 : memref<!tpu.dma_semaphore, #tpu.memory_space<semaphore_mem>>) src(%dma_wait3A_10 : memref<2000xi32, #tpu.memory_space<hbm>>) dst(%arg8 : memref<2000xi32, #tpu.memory_space<vmem>>)
    %dma_wait3A_11 = tpu.memref_slice %arg4[%add3A_6] : memref<320000xi32, #tpu.memory_space<hbm>> -> memref<2000xi32, #tpu.memory_space<hbm>>
    %dma_wait3A_12 = tpu.memref_slice %arg4[%add3A_6] : memref<320000xi32, #tpu.memory_space<hbm>> -> memref<2000xi32, #tpu.memory_space<hbm>>
    tpu.wait_dma2 semaphore(%arg20 : memref<!tpu.dma_semaphore, #tpu.memory_space<semaphore_mem>>) src(%dma_wait3A_12 : memref<2000xi32, #tpu.memory_space<hbm>>) dst(%arg11 : memref<2000xi32, #tpu.memory_space<vmem>>)
    %dma_start3A_13 = arith.constant 0 : i32
    %dma_start3A_14 = arith.constant 0 : i32
    %dma_start3A_15 = tpu.memref_slice %arg29[%dma_start3A_13, %dma_start3A_14] : memref<10000x16xf32, #tpu.memory_space<vmem_shared>> -> memref<10000x16xf32, #tpu.memory_space<vmem_shared>>
    tpu.enqueue_indirect_dma source(%dma_start3A_15 : memref<10000x16xf32, #tpu.memory_space<vmem_shared>>) target(%arg14 : memref<2000x16xf32, #tpu.memory_space<vmem>>) offsets(%arg8 : memref<2000xi32, #tpu.memory_space<vmem>>) semaphore(%arg23 : memref<!tpu.dma_semaphore, #tpu.memory_space<semaphore_mem>>)
    %dma_wait3A_16 = arith.constant 0 : i32
    %dma_wait3A_17 = arith.constant 0 : i32
    %dma_wait3A_18 = tpu.memref_slice %arg29[%dma_wait3A_16, %dma_wait3A_17] : memref<10000x16xf32, #tpu.memory_space<vmem_shared>> -> memref<10000x16xf32, #tpu.memory_space<vmem_shared>>
    tpu.wait_indirect_dma semaphore(%arg23 : memref<!tpu.dma_semaphore, #tpu.memory_space<semaphore_mem>>) src(%dma_wait3A_18 : memref<10000x16xf32, #tpu.memory_space<vmem_shared>>) dst(%arg14 : memref<2000x16xf32, #tpu.memory_space<vmem>>)
    %dma_start3A_19 = arith.constant 0 : i32
    %dma_start3A_20 = arith.constant 0 : i32
    %dma_start3A_21 = tpu.memref_slice %arg30[%dma_start3A_19, %dma_start3A_20] : memref<10000x16xf32, #tpu.memory_space<vmem_shared>> -> memref<10000x16xf32, #tpu.memory_space<vmem_shared>>
    tpu.enqueue_indirect_dma source(%arg14 : memref<2000x16xf32, #tpu.memory_space<vmem>>) target(%dma_start3A_21 : memref<10000x16xf32, #tpu.memory_space<vmem_shared>>) offsets(%arg11 : memref<2000xi32, #tpu.memory_space<vmem>>) semaphore(%arg26 : memref<!tpu.dma_semaphore, #tpu.memory_space<semaphore_mem>>) {add = true}
    %add3A_22 = arith.constant 2000 : i32
    %add3A_23 = arith.addi %mul3A_4, %add3A_22 : i32
    %dma_start3A_24 = tpu.memref_slice %arg3[%add3A_23] : memref<320000xi32, #tpu.memory_space<hbm>> -> memref<2000xi32, #tpu.memory_space<hbm>>
    %dma_start3A_25 = tpu.memref_slice %arg3[%add3A_23] : memref<320000xi32, #tpu.memory_space<hbm>> -> memref<2000xi32, #tpu.memory_space<hbm>>
    tpu.enqueue_dma source(%dma_start3A_25 : memref<2000xi32, #tpu.memory_space<hbm>>) target(%arg9 : memref<2000xi32, #tpu.memory_space<vmem>>) target_semaphore(%arg18 : memref<!tpu.dma_semaphore, #tpu.memory_space<semaphore_mem>>)
    %dma_start3A_26 = tpu.memref_slice %arg4[%add3A_23] : memref<320000xi32, #tpu.memory_space<hbm>> -> memref<2000xi32, #tpu.memory_space<hbm>>
    %dma_start3A_27 = tpu.memref_slice %arg4[%add3A_23] : memref<320000xi32, #tpu.memory_space<hbm>> -> memref<2000xi32, #tpu.memory_space<hbm>>
    tpu.enqueue_dma source(%dma_start3A_27 : memref<2000xi32, #tpu.memory_space<hbm>>) target(%arg12 : memref<2000xi32, #tpu.memory_space<vmem>>) target_semaphore(%arg21 : memref<!tpu.dma_semaphore, #tpu.memory_space<semaphore_mem>>)
    %dma_wait3A_28 = tpu.memref_slice %arg3[%add3A_23] : memref<320000xi32, #tpu.memory_space<hbm>> -> memref<2000xi32, #tpu.memory_space<hbm>>
    %dma_wait3A_29 = tpu.memref_slice %arg3[%add3A_23] : memref<320000xi32, #tpu.memory_space<hbm>> -> memref<2000xi32, #tpu.memory_space<hbm>>
    tpu.wait_dma2 semaphore(%arg18 : memref<!tpu.dma_semaphore, #tpu.memory_space<semaphore_mem>>) src(%dma_wait3A_29 : memref<2000xi32, #tpu.memory_space<hbm>>) dst(%arg9 : memref<2000xi32, #tpu.memory_space<vmem>>)
    %dma_wait3A_30 = tpu.memref_slice %arg4[%add3A_23] : memref<320000xi32, #tpu.memory_space<hbm>> -> memref<2000xi32, #tpu.memory_space<hbm>>
    %dma_wait3A_31 = tpu.memref_slice %arg4[%add3A_23] : memref<320000xi32, #tpu.memory_space<hbm>> -> memref<2000xi32, #tpu.memory_space<hbm>>
    tpu.wait_dma2 semaphore(%arg21 : memref<!tpu.dma_semaphore, #tpu.memory_space<semaphore_mem>>) src(%dma_wait3A_31 : memref<2000xi32, #tpu.memory_space<hbm>>) dst(%arg12 : memref<2000xi32, #tpu.memory_space<vmem>>)
    %dma_start3A_32 = arith.constant 0 : i32
    %dma_start3A_33 = arith.constant 0 : i32
    %dma_start3A_34 = tpu.memref_slice %arg29[%dma_start3A_32, %dma_start3A_33] : memref<10000x16xf32, #tpu.memory_space<vmem_shared>> -> memref<10000x16xf32, #tpu.memory_space<vmem_shared>>
    tpu.enqueue_indirect_dma source(%dma_start3A_34 : memref<10000x16xf32, #tpu.memory_space<vmem_shared>>) target(%arg15 : memref<2000x16xf32, #tpu.memory_space<vmem>>) offsets(%arg9 : memref<2000xi32, #tpu.memory_space<vmem>>) semaphore(%arg24 : memref<!tpu.dma_semaphore, #tpu.memory_space<semaphore_mem>>)
    %dma_wait3A_35 = arith.constant 0 : i32
    %dma_wait3A_36 = arith.constant 0 : i32
    %dma_wait3A_37 = tpu.memref_slice %arg29[%dma_wait3A_35, %dma_wait3A_36] : memref<10000x16xf32, #tpu.memory_space<vmem_shared>> -> memref<10000x16xf32, #tpu.memory_space<vmem_shared>>
    tpu.wait_indirect_dma semaphore(%arg24 : memref<!tpu.dma_semaphore, #tpu.memory_space<semaphore_mem>>) src(%dma_wait3A_37 : memref<10000x16xf32, #tpu.memory_space<vmem_shared>>) dst(%arg15 : memref<2000x16xf32, #tpu.memory_space<vmem>>)
    %dma_start3A_38 = arith.constant 0 : i32
    %dma_start3A_39 = arith.constant 0 : i32
    %dma_start3A_40 = tpu.memref_slice %arg30[%dma_start3A_38, %dma_start3A_39] : memref<10000x16xf32, #tpu.memory_space<vmem_shared>> -> memref<10000x16xf32, #tpu.memory_space<vmem_shared>>
    tpu.enqueue_indirect_dma source(%arg15 : memref<2000x16xf32, #tpu.memory_space<vmem>>) target(%dma_start3A_40 : memref<10000x16xf32, #tpu.memory_space<vmem_shared>>) offsets(%arg12 : memref<2000xi32, #tpu.memory_space<vmem>>) semaphore(%arg27 : memref<!tpu.dma_semaphore, #tpu.memory_space<semaphore_mem>>) {add = true}
    %add3A_41 = arith.constant 4000 : i32
    %add3A_42 = arith.addi %mul3A_4, %add3A_41 : i32
    %dma_start3A_43 = tpu.memref_slice %arg3[%add3A_42] : memref<320000xi32, #tpu.memory_space<hbm>> -> memref<2000xi32, #tpu.memory_space<hbm>>
    %dma_start3A_44 = tpu.memref_slice %arg3[%add3A_42] : memref<320000xi32, #tpu.memory_space<hbm>> -> memref<2000xi32, #tpu.memory_space<hbm>>
    tpu.enqueue_dma source(%dma_start3A_44 : memref<2000xi32, #tpu.memory_space<hbm>>) target(%arg10 : memref<2000xi32, #tpu.memory_space<vmem>>) target_semaphore(%arg19 : memref<!tpu.dma_semaphore, #tpu.memory_space<semaphore_mem>>)
    %dma_start3A_45 = tpu.memref_slice %arg4[%add3A_42] : memref<320000xi32, #tpu.memory_space<hbm>> -> memref<2000xi32, #tpu.memory_space<hbm>>
    %dma_start3A_46 = tpu.memref_slice %arg4[%add3A_42] : memref<320000xi32, #tpu.memory_space<hbm>> -> memref<2000xi32, #tpu.memory_space<hbm>>
    tpu.enqueue_dma source(%dma_start3A_46 : memref<2000xi32, #tpu.memory_space<hbm>>) target(%arg13 : memref<2000xi32, #tpu.memory_space<vmem>>) target_semaphore(%arg22 : memref<!tpu.dma_semaphore, #tpu.memory_space<semaphore_mem>>)
    %dma_wait3A_47 = tpu.memref_slice %arg3[%add3A_42] : memref<320000xi32, #tpu.memory_space<hbm>> -> memref<2000xi32, #tpu.memory_space<hbm>>
    %dma_wait3A_48 = tpu.memref_slice %arg3[%add3A_42] : memref<320000xi32, #tpu.memory_space<hbm>> -> memref<2000xi32, #tpu.memory_space<hbm>>
    tpu.wait_dma2 semaphore(%arg19 : memref<!tpu.dma_semaphore, #tpu.memory_space<semaphore_mem>>) src(%dma_wait3A_48 : memref<2000xi32, #tpu.memory_space<hbm>>) dst(%arg10 : memref<2000xi32, #tpu.memory_space<vmem>>)
    %dma_wait3A_49 = tpu.memref_slice %arg4[%add3A_42] : memref<320000xi32, #tpu.memory_space<hbm>> -> memref<2000xi32, #tpu.memory_space<hbm>>
    %dma_wait3A_50 = tpu.memref_slice %arg4[%add3A_42] : memref<320000xi32, #tpu.memory_space<hbm>> -> memref<2000xi32, #tpu.memory_space<hbm>>
    tpu.wait_dma2 semaphore(%arg22 : memref<!tpu.dma_semaphore, #tpu.memory_space<semaphore_mem>>) src(%dma_wait3A_50 : memref<2000xi32, #tpu.memory_space<hbm>>) dst(%arg13 : memref<2000xi32, #tpu.memory_space<vmem>>)
    %dma_start3A_51 = arith.constant 0 : i32
    %dma_start3A_52 = arith.constant 0 : i32
    %dma_start3A_53 = tpu.memref_slice %arg29[%dma_start3A_51, %dma_start3A_52] : memref<10000x16xf32, #tpu.memory_space<vmem_shared>> -> memref<10000x16xf32, #tpu.memory_space<vmem_shared>>
    tpu.enqueue_indirect_dma source(%dma_start3A_53 : memref<10000x16xf32, #tpu.memory_space<vmem_shared>>) target(%arg16 : memref<2000x16xf32, #tpu.memory_space<vmem>>) offsets(%arg10 : memref<2000xi32, #tpu.memory_space<vmem>>) semaphore(%arg25 : memref<!tpu.dma_semaphore, #tpu.memory_space<semaphore_mem>>)
    %dma_wait3A_54 = arith.constant 0 : i32
    %dma_wait3A_55 = arith.constant 0 : i32
    %dma_wait3A_56 = tpu.memref_slice %arg29[%dma_wait3A_54, %dma_wait3A_55] : memref<10000x16xf32, #tpu.memory_space<vmem_shared>> -> memref<10000x16xf32, #tpu.memory_space<vmem_shared>>
    tpu.wait_indirect_dma semaphore(%arg25 : memref<!tpu.dma_semaphore, #tpu.memory_space<semaphore_mem>>) src(%dma_wait3A_56 : memref<10000x16xf32, #tpu.memory_space<vmem_shared>>) dst(%arg16 : memref<2000x16xf32, #tpu.memory_space<vmem>>)
    %dma_start3A_57 = arith.constant 0 : i32
    %dma_start3A_58 = arith.constant 0 : i32
    %dma_start3A_59 = tpu.memref_slice %arg30[%dma_start3A_57, %dma_start3A_58] : memref<10000x16xf32, #tpu.memory_space<vmem_shared>> -> memref<10000x16xf32, #tpu.memory_space<vmem_shared>>
    tpu.enqueue_indirect_dma source(%arg16 : memref<2000x16xf32, #tpu.memory_space<vmem>>) target(%dma_start3A_59 : memref<10000x16xf32, #tpu.memory_space<vmem_shared>>) offsets(%arg13 : memref<2000xi32, #tpu.memory_space<vmem>>) semaphore(%arg28 : memref<!tpu.dma_semaphore, #tpu.memory_space<semaphore_mem>>) {add = true}
    %dma_wait3A_60 = arith.constant 0 : i32
    %dma_wait3A_61 = arith.constant 0 : i32
    %dma_wait3A_62 = tpu.memref_slice %arg30[%dma_wait3A_60, %dma_wait3A_61] : memref<10000x16xf32, #tpu.memory_space<vmem_shared>> -> memref<10000x16xf32, #tpu.memory_space<vmem_shared>>
    tpu.wait_indirect_dma semaphore(%arg26 : memref<!tpu.dma_semaphore, #tpu.memory_space<semaphore_mem>>) src(%arg14 : memref<2000x16xf32, #tpu.memory_space<vmem>>) dst(%dma_wait3A_62 : memref<10000x16xf32, #tpu.memory_space<vmem_shared>>)
    %add3A_63 = arith.constant 6000 : i32
    %add3A_64 = arith.addi %mul3A_4, %add3A_63 : i32
    %dma_start3A_65 = tpu.memref_slice %arg3[%add3A_64] : memref<320000xi32, #tpu.memory_space<hbm>> -> memref<2000xi32, #tpu.memory_space<hbm>>
    %dma_start3A_66 = tpu.memref_slice %arg3[%add3A_64] : memref<320000xi32, #tpu.memory_space<hbm>> -> memref<2000xi32, #tpu.memory_space<hbm>>
    tpu.enqueue_dma source(%dma_start3A_66 : memref<2000xi32, #tpu.memory_space<hbm>>) target(%arg8 : memref<2000xi32, #tpu.memory_space<vmem>>) target_semaphore(%arg17 : memref<!tpu.dma_semaphore, #tpu.memory_space<semaphore_mem>>)
    %dma_start3A_67 = tpu.memref_slice %arg4[%add3A_64] : memref<320000xi32, #tpu.memory_space<hbm>> -> memref<2000xi32, #tpu.memory_space<hbm>>
    %dma_start3A_68 = tpu.memref_slice %arg4[%add3A_64] : memref<320000xi32, #tpu.memory_space<hbm>> -> memref<2000xi32, #tpu.memory_space<hbm>>
    tpu.enqueue_dma source(%dma_start3A_68 : memref<2000xi32, #tpu.memory_space<hbm>>) target(%arg11 : memref<2000xi32, #tpu.memory_space<vmem>>) target_semaphore(%arg20 : memref<!tpu.dma_semaphore, #tpu.memory_space<semaphore_mem>>)
    %dma_wait3A_69 = tpu.memref_slice %arg3[%add3A_64] : memref<320000xi32, #tpu.memory_space<hbm>> -> memref<2000xi32, #tpu.memory_space<hbm>>
    %dma_wait3A_70 = tpu.memref_slice %arg3[%add3A_64] : memref<320000xi32, #tpu.memory_space<hbm>> -> memref<2000xi32, #tpu.memory_space<hbm>>
    tpu.wait_dma2 semaphore(%arg17 : memref<!tpu.dma_semaphore, #tpu.memory_space<semaphore_mem>>) src(%dma_wait3A_70 : memref<2000xi32, #tpu.memory_space<hbm>>) dst(%arg8 : memref<2000xi32, #tpu.memory_space<vmem>>)
    %dma_wait3A_71 = tpu.memref_slice %arg4[%add3A_64] : memref<320000xi32, #tpu.memory_space<hbm>> -> memref<2000xi32, #tpu.memory_space<hbm>>
    %dma_wait3A_72 = tpu.memref_slice %arg4[%add3A_64] : memref<320000xi32, #tpu.memory_space<hbm>> -> memref<2000xi32, #tpu.memory_space<hbm>>
    tpu.wait_dma2 semaphore(%arg20 : memref<!tpu.dma_semaphore, #tpu.memory_space<semaphore_mem>>) src(%dma_wait3A_72 : memref<2000xi32, #tpu.memory_space<hbm>>) dst(%arg11 : memref<2000xi32, #tpu.memory_space<vmem>>)
    %dma_start3A_73 = arith.constant 0 : i32
    %dma_start3A_74 = arith.constant 0 : i32
    %dma_start3A_75 = tpu.memref_slice %arg29[%dma_start3A_73, %dma_start3A_74] : memref<10000x16xf32, #tpu.memory_space<vmem_shared>> -> memref<10000x16xf32, #tpu.memory_space<vmem_shared>>
    tpu.enqueue_indirect_dma source(%dma_start3A_75 : memref<10000x16xf32, #tpu.memory_space<vmem_shared>>) target(%arg14 : memref<2000x16xf32, #tpu.memory_space<vmem>>) offsets(%arg8 : memref<2000xi32, #tpu.memory_space<vmem>>) semaphore(%arg23 : memref<!tpu.dma_semaphore, #tpu.memory_space<semaphore_mem>>)
    %dma_wait3A_76 = arith.constant 0 : i32
    %dma_wait3A_77 = arith.constant 0 : i32
    %dma_wait3A_78 = tpu.memref_slice %arg29[%dma_wait3A_76, %dma_wait3A_77] : memref<10000x16xf32, #tpu.memory_space<vmem_shared>> -> memref<10000x16xf32, #tpu.memory_space<vmem_shared>>
    tpu.wait_indirect_dma semaphore(%arg23 : memref<!tpu.dma_semaphore, #tpu.memory_space<semaphore_mem>>) src(%dma_wait3A_78 : memref<10000x16xf32, #tpu.memory_space<vmem_shared>>) dst(%arg14 : memref<2000x16xf32, #tpu.memory_space<vmem>>)
    %dma_start3A_79 = arith.constant 0 : i32
    %dma_start3A_80 = arith.constant 0 : i32
    %dma_start3A_81 = tpu.memref_slice %arg30[%dma_start3A_79, %dma_start3A_80] : memref<10000x16xf32, #tpu.memory_space<vmem_shared>> -> memref<10000x16xf32, #tpu.memory_space<vmem_shared>>
    tpu.enqueue_indirect_dma source(%arg14 : memref<2000x16xf32, #tpu.memory_space<vmem>>) target(%dma_start3A_81 : memref<10000x16xf32, #tpu.memory_space<vmem_shared>>) offsets(%arg11 : memref<2000xi32, #tpu.memory_space<vmem>>) semaphore(%arg26 : memref<!tpu.dma_semaphore, #tpu.memory_space<semaphore_mem>>) {add = true}
    %dma_wait3A_82 = arith.constant 0 : i32
    %dma_wait3A_83 = arith.constant 0 : i32
    %dma_wait3A_84 = tpu.memref_slice %arg30[%dma_wait3A_82, %dma_wait3A_83] : memref<10000x16xf32, #tpu.memory_space<vmem_shared>> -> memref<10000x16xf32, #tpu.memory_space<vmem_shared>>
    tpu.wait_indirect_dma semaphore(%arg27 : memref<!tpu.dma_semaphore, #tpu.memory_space<semaphore_mem>>) src(%arg15 : memref<2000x16xf32, #tpu.memory_space<vmem>>) dst(%dma_wait3A_84 : memref<10000x16xf32, #tpu.memory_space<vmem_shared>>)
    %add3A_85 = arith.constant 8000 : i32
    %add3A_86 = arith.addi %mul3A_4, %add3A_85 : i32
    %dma_start3A_87 = tpu.memref_slice %arg3[%add3A_86] : memref<320000xi32, #tpu.memory_space<hbm>> -> memref<2000xi32, #tpu.memory_space<hbm>>
    %dma_start3A_88 = tpu.memref_slice %arg3[%add3A_86] : memref<320000xi32, #tpu.memory_space<hbm>> -> memref<2000xi32, #tpu.memory_space<hbm>>
    tpu.enqueue_dma source(%dma_start3A_88 : memref<2000xi32, #tpu.memory_space<hbm>>) target(%arg9 : memref<2000xi32, #tpu.memory_space<vmem>>) target_semaphore(%arg18 : memref<!tpu.dma_semaphore, #tpu.memory_space<semaphore_mem>>)
    %dma_start3A_89 = tpu.memref_slice %arg4[%add3A_86] : memref<320000xi32, #tpu.memory_space<hbm>> -> memref<2000xi32, #tpu.memory_space<hbm>>
    %dma_start3A_90 = tpu.memref_slice %arg4[%add3A_86] : memref<320000xi32, #tpu.memory_space<hbm>> -> memref<2000xi32, #tpu.memory_space<hbm>>
    tpu.enqueue_dma source(%dma_start3A_90 : memref<2000xi32, #tpu.memory_space<hbm>>) target(%arg12 : memref<2000xi32, #tpu.memory_space<vmem>>) target_semaphore(%arg21 : memref<!tpu.dma_semaphore, #tpu.memory_space<semaphore_mem>>)
    %dma_wait3A_91 = tpu.memref_slice %arg3[%add3A_86] : memref<320000xi32, #tpu.memory_space<hbm>> -> memref<2000xi32, #tpu.memory_space<hbm>>
    %dma_wait3A_92 = tpu.memref_slice %arg3[%add3A_86] : memref<320000xi32, #tpu.memory_space<hbm>> -> memref<2000xi32, #tpu.memory_space<hbm>>
    tpu.wait_dma2 semaphore(%arg18 : memref<!tpu.dma_semaphore, #tpu.memory_space<semaphore_mem>>) src(%dma_wait3A_92 : memref<2000xi32, #tpu.memory_space<hbm>>) dst(%arg9 : memref<2000xi32, #tpu.memory_space<vmem>>)
    %dma_wait3A_93 = tpu.memref_slice %arg4[%add3A_86] : memref<320000xi32, #tpu.memory_space<hbm>> -> memref<2000xi32, #tpu.memory_space<hbm>>
    %dma_wait3A_94 = tpu.memref_slice %arg4[%add3A_86] : memref<320000xi32, #tpu.memory_space<hbm>> -> memref<2000xi32, #tpu.memory_space<hbm>>
    tpu.wait_dma2 semaphore(%arg21 : memref<!tpu.dma_semaphore, #tpu.memory_space<semaphore_mem>>) src(%dma_wait3A_94 : memref<2000xi32, #tpu.memory_space<hbm>>) dst(%arg12 : memref<2000xi32, #tpu.memory_space<vmem>>)
    %dma_start3A_95 = arith.constant 0 : i32
    %dma_start3A_96 = arith.constant 0 : i32
    %dma_start3A_97 = tpu.memref_slice %arg29[%dma_start3A_95, %dma_start3A_96] : memref<10000x16xf32, #tpu.memory_space<vmem_shared>> -> memref<10000x16xf32, #tpu.memory_space<vmem_shared>>
    tpu.enqueue_indirect_dma source(%dma_start3A_97 : memref<10000x16xf32, #tpu.memory_space<vmem_shared>>) target(%arg15 : memref<2000x16xf32, #tpu.memory_space<vmem>>) offsets(%arg9 : memref<2000xi32, #tpu.memory_space<vmem>>) semaphore(%arg24 : memref<!tpu.dma_semaphore, #tpu.memory_space<semaphore_mem>>)
    %dma_wait3A_98 = arith.constant 0 : i32
    %dma_wait3A_99 = arith.constant 0 : i32
    %dma_wait3A_100 = tpu.memref_slice %arg29[%dma_wait3A_98, %dma_wait3A_99] : memref<10000x16xf32, #tpu.memory_space<vmem_shared>> -> memref<10000x16xf32, #tpu.memory_space<vmem_shared>>
    tpu.wait_indirect_dma semaphore(%arg24 : memref<!tpu.dma_semaphore, #tpu.memory_space<semaphore_mem>>) src(%dma_wait3A_100 : memref<10000x16xf32, #tpu.memory_space<vmem_shared>>) dst(%arg15 : memref<2000x16xf32, #tpu.memory_space<vmem>>)
    %dma_start3A_101 = arith.constant 0 : i32
    %dma_start3A_102 = arith.constant 0 : i32
    %dma_start3A_103 = tpu.memref_slice %arg30[%dma_start3A_101, %dma_start3A_102] : memref<10000x16xf32, #tpu.memory_space<vmem_shared>> -> memref<10000x16xf32, #tpu.memory_space<vmem_shared>>
    tpu.enqueue_indirect_dma source(%arg15 : memref<2000x16xf32, #tpu.memory_space<vmem>>) target(%dma_start3A_103 : memref<10000x16xf32, #tpu.memory_space<vmem_shared>>) offsets(%arg12 : memref<2000xi32, #tpu.memory_space<vmem>>) semaphore(%arg27 : memref<!tpu.dma_semaphore, #tpu.memory_space<semaphore_mem>>) {add = true}
    %dma_wait3A_104 = arith.constant 0 : i32
    %dma_wait3A_105 = arith.constant 0 : i32
    %dma_wait3A_106 = tpu.memref_slice %arg30[%dma_wait3A_104, %dma_wait3A_105] : memref<10000x16xf32, #tpu.memory_space<vmem_shared>> -> memref<10000x16xf32, #tpu.memory_space<vmem_shared>>
    tpu.wait_indirect_dma semaphore(%arg28 : memref<!tpu.dma_semaphore, #tpu.memory_space<semaphore_mem>>) src(%arg16 : memref<2000x16xf32, #tpu.memory_space<vmem>>) dst(%dma_wait3A_106 : memref<10000x16xf32, #tpu.memory_space<vmem_shared>>)
    %dma_wait3A_107 = arith.constant 0 : i32
    %dma_wait3A_108 = arith.constant 0 : i32
    %dma_wait3A_109 = tpu.memref_slice %arg30[%dma_wait3A_107, %dma_wait3A_108] : memref<10000x16xf32, #tpu.memory_space<vmem_shared>> -> memref<10000x16xf32, #tpu.memory_space<vmem_shared>>
    tpu.wait_indirect_dma semaphore(%arg26 : memref<!tpu.dma_semaphore, #tpu.memory_space<semaphore_mem>>) src(%arg14 : memref<2000x16xf32, #tpu.memory_space<vmem>>) dst(%dma_wait3A_109 : memref<10000x16xf32, #tpu.memory_space<vmem_shared>>)
    %dma_wait3A_110 = arith.constant 0 : i32
    %dma_wait3A_111 = arith.constant 0 : i32
    %dma_wait3A_112 = tpu.memref_slice %arg30[%dma_wait3A_110, %dma_wait3A_111] : memref<10000x16xf32, #tpu.memory_space<vmem_shared>> -> memref<10000x16xf32, #tpu.memory_space<vmem_shared>>
    tpu.wait_indirect_dma semaphore(%arg27 : memref<!tpu.dma_semaphore, #tpu.memory_space<semaphore_mem>>) src(%arg15 : memref<2000x16xf32, #tpu.memory_space<vmem>>) dst(%dma_wait3A_112 : memref<10000x16xf32, #tpu.memory_space<vmem_shared>>)
    %barrier3A_113 = arith.constant 0 : index
    tpu.barrier barrier_id(%barrier3A_113)
    %eq3A = arith.constant 0 : i32
    %eq3A_114 = arith.cmpi eq, %arg0, %eq3A : i32
    %convert_element_type3A = arith.extui %eq3A_114 : i1 to i32
    %cond3A = arith.constant 0 : i32
    %cond3A_115 = arith.cmpi ne, %convert_element_type3A, %cond3A : i32
    scf.if %cond3A_115 {
      "tpu.region"() ({
        %run_scoped3A = tpu.sem_alloc : memref<!tpu.dma_semaphore, #tpu.memory_space<semaphore_mem>>
        %dma_start3A_121 = arith.constant 0 : i32
        %dma_start3A_122 = tpu.memref_slice %arg6[%mul3A_0, %dma_start3A_121] : memref<10000x16xf32, #tpu.memory_space<hbm>> -> memref<625x16xf32, #tpu.memory_space<hbm>>
        %dma_start3A_123 = arith.constant 0 : i32
        %dma_start3A_124 = tpu.memref_slice %arg30[%mul3A_0, %dma_start3A_123] : memref<10000x16xf32, #tpu.memory_space<vmem_shared>> -> memref<625x16xf32, #tpu.memory_space<vmem_shared>>
        tpu.enqueue_dma source(%dma_start3A_124 : memref<625x16xf32, #tpu.memory_space<vmem_shared>>) target(%dma_start3A_122 : memref<625x16xf32, #tpu.memory_space<hbm>>) target_semaphore(%run_scoped3A : memref<!tpu.dma_semaphore, #tpu.memory_space<semaphore_mem>>)
        %dma_wait3A_125 = arith.constant 0 : i32
        %dma_wait3A_126 = tpu.memref_slice %arg6[%mul3A_0, %dma_wait3A_125] : memref<10000x16xf32, #tpu.memory_space<hbm>> -> memref<625x16xf32, #tpu.memory_space<hbm>>
        %dma_wait3A_127 = arith.constant 0 : i32
        %dma_wait3A_128 = tpu.memref_slice %arg30[%mul3A_0, %dma_wait3A_127] : memref<10000x16xf32, #tpu.memory_space<vmem_shared>> -> memref<625x16xf32, #tpu.memory_space<vmem_shared>>
        tpu.wait_dma2 semaphore(%run_scoped3A : memref<!tpu.dma_semaphore, #tpu.memory_space<semaphore_mem>>) src(%dma_wait3A_128 : memref<625x16xf32, #tpu.memory_space<vmem_shared>>) dst(%dma_wait3A_126 : memref<625x16xf32, #tpu.memory_space<hbm>>)
        tpu.yield
      }) : () -> ()
    } else {
    }
    %eq3A_116 = arith.constant 1 : i32
    %eq3A_117 = arith.cmpi eq, %arg0, %eq3A_116 : i32
    %convert_element_type3A_118 = arith.extui %eq3A_117 : i1 to i32
    %cond3A_119 = arith.constant 0 : i32
    %cond3A_120 = arith.cmpi ne, %convert_element_type3A_118, %cond3A_119 : i32
    scf.if %cond3A_120 {
      "tpu.region"() ({
        %run_scoped3A = tpu.sem_alloc : memref<!tpu.dma_semaphore, #tpu.memory_space<semaphore_mem>>
        %dma_start3A_121 = arith.constant 0 : i32
        %dma_start3A_122 = tpu.memref_slice %arg7[%mul3A_0, %dma_start3A_121] : memref<10000x16xf32, #tpu.memory_space<hbm>> -> memref<625x16xf32, #tpu.memory_space<hbm>>
        %dma_start3A_123 = arith.constant 0 : i32
        %dma_start3A_124 = tpu.memref_slice %arg30[%mul3A_0, %dma_start3A_123] : memref<10000x16xf32, #tpu.memory_space<vmem_shared>> -> memref<625x16xf32, #tpu.memory_space<vmem_shared>>
        tpu.enqueue_dma source(%dma_start3A_124 : memref<625x16xf32, #tpu.memory_space<vmem_shared>>) target(%dma_start3A_122 : memref<625x16xf32, #tpu.memory_space<hbm>>) target_semaphore(%run_scoped3A : memref<!tpu.dma_semaphore, #tpu.memory_space<semaphore_mem>>)
        %dma_wait3A_125 = arith.constant 0 : i32
        %dma_wait3A_126 = tpu.memref_slice %arg7[%mul3A_0, %dma_wait3A_125] : memref<10000x16xf32, #tpu.memory_space<hbm>> -> memref<625x16xf32, #tpu.memory_space<hbm>>
        %dma_wait3A_127 = arith.constant 0 : i32
        %dma_wait3A_128 = tpu.memref_slice %arg30[%mul3A_0, %dma_wait3A_127] : memref<10000x16xf32, #tpu.memory_space<vmem_shared>> -> memref<625x16xf32, #tpu.memory_space<vmem_shared>>
        tpu.wait_dma2 semaphore(%run_scoped3A : memref<!tpu.dma_semaphore, #tpu.memory_space<semaphore_mem>>) src(%dma_wait3A_128 : memref<625x16xf32, #tpu.memory_space<vmem_shared>>) dst(%dma_wait3A_126 : memref<625x16xf32, #tpu.memory_space<hbm>>)
        tpu.yield
      }) : () -> ()
    } else {
    }
    return
  }
}

#map = affine_map<(d0, d1) -> (0, 0)>
#map1 = affine_map<(d0, d1) -> (0)>
module attributes {stable_mosaic.version = 14 : i64} {
  func.func @agg_kernel(%arg0: i32, %arg1: i32, %arg2: memref<10000x16xf32, #tpu.memory_space<hbm>>, %arg3: memref<320000xi32, #tpu.memory_space<hbm>>, %arg4: memref<320000xi32, #tpu.memory_space<hbm>>, %arg5: memref<10000x16xf32, #tpu.memory_space<hbm>>, %arg6: memref<10000x16xf32, #tpu.memory_space<hbm>>, %arg7: memref<10000x16xf32, #tpu.memory_space<hbm>>, %arg8: memref<2000xi32, #tpu.memory_space<vmem>>, %arg9: memref<2000xi32, #tpu.memory_space<vmem>>, %arg10: memref<2000xi32, #tpu.memory_space<vmem>>, %arg11: memref<2000xi32, #tpu.memory_space<vmem>>, %arg12: memref<2000xi32, #tpu.memory_space<vmem>>, %arg13: memref<2000xi32, #tpu.memory_space<vmem>>, %arg14: memref<2000x16xf32, #tpu.memory_space<vmem>>, %arg15: memref<2000x16xf32, #tpu.memory_space<vmem>>, %arg16: memref<2000x16xf32, #tpu.memory_space<vmem>>, %arg17: memref<!tpu.dma_semaphore, #tpu.memory_space<semaphore_mem>>, %arg18: memref<!tpu.dma_semaphore, #tpu.memory_space<semaphore_mem>>, %arg19: memref<!tpu.dma_semaphore, #tpu.memory_space<semaphore_mem>>, %arg20: memref<!tpu.dma_semaphore, #tpu.memory_space<semaphore_mem>>, %arg21: memref<!tpu.dma_semaphore, #tpu.memory_space<semaphore_mem>>, %arg22: memref<!tpu.dma_semaphore, #tpu.memory_space<semaphore_mem>>, %arg23: memref<!tpu.dma_semaphore, #tpu.memory_space<semaphore_mem>>, %arg24: memref<!tpu.dma_semaphore, #tpu.memory_space<semaphore_mem>>, %arg25: memref<!tpu.dma_semaphore, #tpu.memory_space<semaphore_mem>>, %arg26: memref<!tpu.dma_semaphore, #tpu.memory_space<semaphore_mem>>, %arg27: memref<!tpu.dma_semaphore, #tpu.memory_space<semaphore_mem>>, %arg28: memref<!tpu.dma_semaphore, #tpu.memory_space<semaphore_mem>>, %arg29: memref<10000x16xf32, #tpu.memory_space<vmem_shared>>, %arg30: memref<10000x16xf32, #tpu.memory_space<vmem_shared>>) attributes {dimension_semantics = [#tpu.dimension_semantics<core_parallel>, #tpu.dimension_semantics<subcore_parallel>], iteration_bounds = array<i64: 2, 16>, scalar_prefetch = 0 : i64, scratch_operands = 23 : i64, tpu.core_type = #tpu.core_type<sc_vector_subcore>, window_params = [{transform_indices = #map}, {transform_indices = #map1}, {transform_indices = #map1}, {transform_indices = #map}, {transform_indices = #map}, {transform_indices = #map}]} {
    %mul3A = arith.constant 625 : i32
    %mul3A_0 = arith.muli %arg1, %mul3A : i32
    %mul3A_1 = arith.constant 16 : i32
    %mul3A_2 = arith.muli %arg0, %mul3A_1 : i32
    %add3A = arith.addi %mul3A_2, %arg1 : i32
    %mul3A_3 = arith.constant 10000 : i32
    %mul3A_4 = arith.muli %add3A, %mul3A_3 : i32
    %add3A_5 = arith.constant 0 : i32
    %add3A_6 = arith.addi %mul3A_4, %add3A_5 : i32
    %dma_start3A = tpu.memref_slice %arg3[%add3A_6] : memref<320000xi32, #tpu.memory_space<hbm>> -> memref<2000xi32, #tpu.memory_space<hbm>>
    %dma_start3A_7 = tpu.memref_slice %arg3[%add3A_6] : memref<320000xi32, #tpu.memory_space<hbm>> -> memref<2000xi32, #tpu.memory_space<hbm>>
    tpu.enqueue_dma source(%dma_start3A_7 : memref<2000xi32, #tpu.memory_space<hbm>>) target(%arg8 : memref<2000xi32, #tpu.memory_space<vmem>>) target_semaphore(%arg17 : memref<!tpu.dma_semaphore, #tpu.memory_space<semaphore_mem>>)
    %dma_start3A_8 = tpu.memref_slice %arg4[%add3A_6] : memref<320000xi32, #tpu.memory_space<hbm>> -> memref<2000xi32, #tpu.memory_space<hbm>>
    %dma_start3A_9 = tpu.memref_slice %arg4[%add3A_6] : memref<320000xi32, #tpu.memory_space<hbm>> -> memref<2000xi32, #tpu.memory_space<hbm>>
    tpu.enqueue_dma source(%dma_start3A_9 : memref<2000xi32, #tpu.memory_space<hbm>>) target(%arg11 : memref<2000xi32, #tpu.memory_space<vmem>>) target_semaphore(%arg20 : memref<!tpu.dma_semaphore, #tpu.memory_space<semaphore_mem>>)
    "tpu.region"() ({
      %run_scoped3A = tpu.sem_alloc : memref<!tpu.dma_semaphore, #tpu.memory_space<semaphore_mem>>
      %dma_start3A_121 = arith.constant 0 : i32
      %dma_start3A_122 = tpu.memref_slice %arg29[%mul3A_0, %dma_start3A_121] : memref<10000x16xf32, #tpu.memory_space<vmem_shared>> -> memref<625x16xf32, #tpu.memory_space<vmem_shared>>
      %dma_start3A_123 = arith.constant 0 : i32
      %dma_start3A_124 = tpu.memref_slice %arg2[%mul3A_0, %dma_start3A_123] : memref<10000x16xf32, #tpu.memory_space<hbm>> -> memref<625x16xf32, #tpu.memory_space<hbm>>
      tpu.enqueue_dma source(%dma_start3A_124 : memref<625x16xf32, #tpu.memory_space<hbm>>) target(%dma_start3A_122 : memref<625x16xf32, #tpu.memory_space<vmem_shared>>) target_semaphore(%run_scoped3A : memref<!tpu.dma_semaphore, #tpu.memory_space<semaphore_mem>>)
      %dma_wait3A_125 = arith.constant 0 : i32
      %dma_wait3A_126 = tpu.memref_slice %arg29[%mul3A_0, %dma_wait3A_125] : memref<10000x16xf32, #tpu.memory_space<vmem_shared>> -> memref<625x16xf32, #tpu.memory_space<vmem_shared>>
      %dma_wait3A_127 = arith.constant 0 : i32
      %dma_wait3A_128 = tpu.memref_slice %arg2[%mul3A_0, %dma_wait3A_127] : memref<10000x16xf32, #tpu.memory_space<hbm>> -> memref<625x16xf32, #tpu.memory_space<hbm>>
      tpu.wait_dma2 semaphore(%run_scoped3A : memref<!tpu.dma_semaphore, #tpu.memory_space<semaphore_mem>>) src(%dma_wait3A_128 : memref<625x16xf32, #tpu.memory_space<hbm>>) dst(%dma_wait3A_126 : memref<625x16xf32, #tpu.memory_space<vmem_shared>>)
      tpu.yield
    }) : () -> ()
    "tpu.region"() ({
      %run_scoped3A = tpu.sem_alloc : memref<!tpu.dma_semaphore, #tpu.memory_space<semaphore_mem>>
      %dma_start3A_121 = arith.constant 0 : i32
      %dma_start3A_122 = tpu.memref_slice %arg30[%mul3A_0, %dma_start3A_121] : memref<10000x16xf32, #tpu.memory_space<vmem_shared>> -> memref<625x16xf32, #tpu.memory_space<vmem_shared>>
      %dma_start3A_123 = arith.constant 0 : i32
      %dma_start3A_124 = tpu.memref_slice %arg5[%mul3A_0, %dma_start3A_123] : memref<10000x16xf32, #tpu.memory_space<hbm>> -> memref<625x16xf32, #tpu.memory_space<hbm>>
      tpu.enqueue_dma source(%dma_start3A_124 : memref<625x16xf32, #tpu.memory_space<hbm>>) target(%dma_start3A_122 : memref<625x16xf32, #tpu.memory_space<vmem_shared>>) target_semaphore(%run_scoped3A : memref<!tpu.dma_semaphore, #tpu.memory_space<semaphore_mem>>)
      %dma_wait3A_125 = arith.constant 0 : i32
      %dma_wait3A_126 = tpu.memref_slice %arg30[%mul3A_0, %dma_wait3A_125] : memref<10000x16xf32, #tpu.memory_space<vmem_shared>> -> memref<625x16xf32, #tpu.memory_space<vmem_shared>>
      %dma_wait3A_127 = arith.constant 0 : i32
      %dma_wait3A_128 = tpu.memref_slice %arg5[%mul3A_0, %dma_wait3A_127] : memref<10000x16xf32, #tpu.memory_space<hbm>> -> memref<625x16xf32, #tpu.memory_space<hbm>>
      tpu.wait_dma2 semaphore(%run_scoped3A : memref<!tpu.dma_semaphore, #tpu.memory_space<semaphore_mem>>) src(%dma_wait3A_128 : memref<625x16xf32, #tpu.memory_space<hbm>>) dst(%dma_wait3A_126 : memref<625x16xf32, #tpu.memory_space<vmem_shared>>)
      tpu.yield
    }) : () -> ()
    %barrier3A = arith.constant 0 : index
    tpu.barrier barrier_id(%barrier3A)
    %dma_wait3A = tpu.memref_slice %arg3[%add3A_6] : memref<320000xi32, #tpu.memory_space<hbm>> -> memref<2000xi32, #tpu.memory_space<hbm>>
    %dma_wait3A_10 = tpu.memref_slice %arg3[%add3A_6] : memref<320000xi32, #tpu.memory_space<hbm>> -> memref<2000xi32, #tpu.memory_space<hbm>>
    tpu.wait_dma2 semaphore(%arg17 : memref<!tpu.dma_semaphore, #tpu.memory_space<semaphore_mem>>) src(%dma_wait3A_10 : memref<2000xi32, #tpu.memory_space<hbm>>) dst(%arg8 : memref<2000xi32, #tpu.memory_space<vmem>>)
    %dma_wait3A_11 = tpu.memref_slice %arg4[%add3A_6] : memref<320000xi32, #tpu.memory_space<hbm>> -> memref<2000xi32, #tpu.memory_space<hbm>>
    %dma_wait3A_12 = tpu.memref_slice %arg4[%add3A_6] : memref<320000xi32, #tpu.memory_space<hbm>> -> memref<2000xi32, #tpu.memory_space<hbm>>
    tpu.wait_dma2 semaphore(%arg20 : memref<!tpu.dma_semaphore, #tpu.memory_space<semaphore_mem>>) src(%dma_wait3A_12 : memref<2000xi32, #tpu.memory_space<hbm>>) dst(%arg11 : memref<2000xi32, #tpu.memory_space<vmem>>)
    %dma_start3A_13 = arith.constant 0 : i32
    %dma_start3A_14 = arith.constant 0 : i32
    %dma_start3A_15 = tpu.memref_slice %arg29[%dma_start3A_13, %dma_start3A_14] : memref<10000x16xf32, #tpu.memory_space<vmem_shared>> -> memref<10000x16xf32, #tpu.memory_space<vmem_shared>>
    tpu.enqueue_indirect_dma source(%dma_start3A_15 : memref<10000x16xf32, #tpu.memory_space<vmem_shared>>) target(%arg14 : memref<2000x16xf32, #tpu.memory_space<vmem>>) offsets(%arg8 : memref<2000xi32, #tpu.memory_space<vmem>>) semaphore(%arg23 : memref<!tpu.dma_semaphore, #tpu.memory_space<semaphore_mem>>)
    %dma_wait3A_16 = arith.constant 0 : i32
    %dma_wait3A_17 = arith.constant 0 : i32
    %dma_wait3A_18 = tpu.memref_slice %arg29[%dma_wait3A_16, %dma_wait3A_17] : memref<10000x16xf32, #tpu.memory_space<vmem_shared>> -> memref<10000x16xf32, #tpu.memory_space<vmem_shared>>
    tpu.wait_indirect_dma semaphore(%arg23 : memref<!tpu.dma_semaphore, #tpu.memory_space<semaphore_mem>>) src(%dma_wait3A_18 : memref<10000x16xf32, #tpu.memory_space<vmem_shared>>) dst(%arg14 : memref<2000x16xf32, #tpu.memory_space<vmem>>)
    %dma_start3A_19 = arith.constant 0 : i32
    %dma_start3A_20 = arith.constant 0 : i32
    %dma_start3A_21 = tpu.memref_slice %arg30[%dma_start3A_19, %dma_start3A_20] : memref<10000x16xf32, #tpu.memory_space<vmem_shared>> -> memref<10000x16xf32, #tpu.memory_space<vmem_shared>>
    tpu.enqueue_indirect_dma source(%arg14 : memref<2000x16xf32, #tpu.memory_space<vmem>>) target(%dma_start3A_21 : memref<10000x16xf32, #tpu.memory_space<vmem_shared>>) offsets(%arg11 : memref<2000xi32, #tpu.memory_space<vmem>>) semaphore(%arg26 : memref<!tpu.dma_semaphore, #tpu.memory_space<semaphore_mem>>) {add = true}
    %add3A_22 = arith.constant 2000 : i32
    %add3A_23 = arith.addi %mul3A_4, %add3A_22 : i32
    %dma_start3A_24 = tpu.memref_slice %arg3[%add3A_23] : memref<320000xi32, #tpu.memory_space<hbm>> -> memref<2000xi32, #tpu.memory_space<hbm>>
    %dma_start3A_25 = tpu.memref_slice %arg3[%add3A_23] : memref<320000xi32, #tpu.memory_space<hbm>> -> memref<2000xi32, #tpu.memory_space<hbm>>
    tpu.enqueue_dma source(%dma_start3A_25 : memref<2000xi32, #tpu.memory_space<hbm>>) target(%arg9 : memref<2000xi32, #tpu.memory_space<vmem>>) target_semaphore(%arg18 : memref<!tpu.dma_semaphore, #tpu.memory_space<semaphore_mem>>)
    %dma_start3A_26 = tpu.memref_slice %arg4[%add3A_23] : memref<320000xi32, #tpu.memory_space<hbm>> -> memref<2000xi32, #tpu.memory_space<hbm>>
    %dma_start3A_27 = tpu.memref_slice %arg4[%add3A_23] : memref<320000xi32, #tpu.memory_space<hbm>> -> memref<2000xi32, #tpu.memory_space<hbm>>
    tpu.enqueue_dma source(%dma_start3A_27 : memref<2000xi32, #tpu.memory_space<hbm>>) target(%arg12 : memref<2000xi32, #tpu.memory_space<vmem>>) target_semaphore(%arg21 : memref<!tpu.dma_semaphore, #tpu.memory_space<semaphore_mem>>)
    %dma_wait3A_28 = tpu.memref_slice %arg3[%add3A_23] : memref<320000xi32, #tpu.memory_space<hbm>> -> memref<2000xi32, #tpu.memory_space<hbm>>
    %dma_wait3A_29 = tpu.memref_slice %arg3[%add3A_23] : memref<320000xi32, #tpu.memory_space<hbm>> -> memref<2000xi32, #tpu.memory_space<hbm>>
    tpu.wait_dma2 semaphore(%arg18 : memref<!tpu.dma_semaphore, #tpu.memory_space<semaphore_mem>>) src(%dma_wait3A_29 : memref<2000xi32, #tpu.memory_space<hbm>>) dst(%arg9 : memref<2000xi32, #tpu.memory_space<vmem>>)
    %dma_wait3A_30 = tpu.memref_slice %arg4[%add3A_23] : memref<320000xi32, #tpu.memory_space<hbm>> -> memref<2000xi32, #tpu.memory_space<hbm>>
    %dma_wait3A_31 = tpu.memref_slice %arg4[%add3A_23] : memref<320000xi32, #tpu.memory_space<hbm>> -> memref<2000xi32, #tpu.memory_space<hbm>>
    tpu.wait_dma2 semaphore(%arg21 : memref<!tpu.dma_semaphore, #tpu.memory_space<semaphore_mem>>) src(%dma_wait3A_31 : memref<2000xi32, #tpu.memory_space<hbm>>) dst(%arg12 : memref<2000xi32, #tpu.memory_space<vmem>>)
    %dma_start3A_32 = arith.constant 0 : i32
    %dma_start3A_33 = arith.constant 0 : i32
    %dma_start3A_34 = tpu.memref_slice %arg29[%dma_start3A_32, %dma_start3A_33] : memref<10000x16xf32, #tpu.memory_space<vmem_shared>> -> memref<10000x16xf32, #tpu.memory_space<vmem_shared>>
    tpu.enqueue_indirect_dma source(%dma_start3A_34 : memref<10000x16xf32, #tpu.memory_space<vmem_shared>>) target(%arg15 : memref<2000x16xf32, #tpu.memory_space<vmem>>) offsets(%arg9 : memref<2000xi32, #tpu.memory_space<vmem>>) semaphore(%arg24 : memref<!tpu.dma_semaphore, #tpu.memory_space<semaphore_mem>>)
    %dma_wait3A_35 = arith.constant 0 : i32
    %dma_wait3A_36 = arith.constant 0 : i32
    %dma_wait3A_37 = tpu.memref_slice %arg29[%dma_wait3A_35, %dma_wait3A_36] : memref<10000x16xf32, #tpu.memory_space<vmem_shared>> -> memref<10000x16xf32, #tpu.memory_space<vmem_shared>>
    tpu.wait_indirect_dma semaphore(%arg24 : memref<!tpu.dma_semaphore, #tpu.memory_space<semaphore_mem>>) src(%dma_wait3A_37 : memref<10000x16xf32, #tpu.memory_space<vmem_shared>>) dst(%arg15 : memref<2000x16xf32, #tpu.memory_space<vmem>>)
    %dma_start3A_38 = arith.constant 0 : i32
    %dma_start3A_39 = arith.constant 0 : i32
    %dma_start3A_40 = tpu.memref_slice %arg30[%dma_start3A_38, %dma_start3A_39] : memref<10000x16xf32, #tpu.memory_space<vmem_shared>> -> memref<10000x16xf32, #tpu.memory_space<vmem_shared>>
    tpu.enqueue_indirect_dma source(%arg15 : memref<2000x16xf32, #tpu.memory_space<vmem>>) target(%dma_start3A_40 : memref<10000x16xf32, #tpu.memory_space<vmem_shared>>) offsets(%arg12 : memref<2000xi32, #tpu.memory_space<vmem>>) semaphore(%arg27 : memref<!tpu.dma_semaphore, #tpu.memory_space<semaphore_mem>>) {add = true}
    %add3A_41 = arith.constant 4000 : i32
    %add3A_42 = arith.addi %mul3A_4, %add3A_41 : i32
    %dma_start3A_43 = tpu.memref_slice %arg3[%add3A_42] : memref<320000xi32, #tpu.memory_space<hbm>> -> memref<2000xi32, #tpu.memory_space<hbm>>
    %dma_start3A_44 = tpu.memref_slice %arg3[%add3A_42] : memref<320000xi32, #tpu.memory_space<hbm>> -> memref<2000xi32, #tpu.memory_space<hbm>>
    tpu.enqueue_dma source(%dma_start3A_44 : memref<2000xi32, #tpu.memory_space<hbm>>) target(%arg10 : memref<2000xi32, #tpu.memory_space<vmem>>) target_semaphore(%arg19 : memref<!tpu.dma_semaphore, #tpu.memory_space<semaphore_mem>>)
    %dma_start3A_45 = tpu.memref_slice %arg4[%add3A_42] : memref<320000xi32, #tpu.memory_space<hbm>> -> memref<2000xi32, #tpu.memory_space<hbm>>
    %dma_start3A_46 = tpu.memref_slice %arg4[%add3A_42] : memref<320000xi32, #tpu.memory_space<hbm>> -> memref<2000xi32, #tpu.memory_space<hbm>>
    tpu.enqueue_dma source(%dma_start3A_46 : memref<2000xi32, #tpu.memory_space<hbm>>) target(%arg13 : memref<2000xi32, #tpu.memory_space<vmem>>) target_semaphore(%arg22 : memref<!tpu.dma_semaphore, #tpu.memory_space<semaphore_mem>>)
    %dma_wait3A_47 = tpu.memref_slice %arg3[%add3A_42] : memref<320000xi32, #tpu.memory_space<hbm>> -> memref<2000xi32, #tpu.memory_space<hbm>>
    %dma_wait3A_48 = tpu.memref_slice %arg3[%add3A_42] : memref<320000xi32, #tpu.memory_space<hbm>> -> memref<2000xi32, #tpu.memory_space<hbm>>
    tpu.wait_dma2 semaphore(%arg19 : memref<!tpu.dma_semaphore, #tpu.memory_space<semaphore_mem>>) src(%dma_wait3A_48 : memref<2000xi32, #tpu.memory_space<hbm>>) dst(%arg10 : memref<2000xi32, #tpu.memory_space<vmem>>)
    %dma_wait3A_49 = tpu.memref_slice %arg4[%add3A_42] : memref<320000xi32, #tpu.memory_space<hbm>> -> memref<2000xi32, #tpu.memory_space<hbm>>
    %dma_wait3A_50 = tpu.memref_slice %arg4[%add3A_42] : memref<320000xi32, #tpu.memory_space<hbm>> -> memref<2000xi32, #tpu.memory_space<hbm>>
    tpu.wait_dma2 semaphore(%arg22 : memref<!tpu.dma_semaphore, #tpu.memory_space<semaphore_mem>>) src(%dma_wait3A_50 : memref<2000xi32, #tpu.memory_space<hbm>>) dst(%arg13 : memref<2000xi32, #tpu.memory_space<vmem>>)
    %dma_start3A_51 = arith.constant 0 : i32
    %dma_start3A_52 = arith.constant 0 : i32
    %dma_start3A_53 = tpu.memref_slice %arg29[%dma_start3A_51, %dma_start3A_52] : memref<10000x16xf32, #tpu.memory_space<vmem_shared>> -> memref<10000x16xf32, #tpu.memory_space<vmem_shared>>
    tpu.enqueue_indirect_dma source(%dma_start3A_53 : memref<10000x16xf32, #tpu.memory_space<vmem_shared>>) target(%arg16 : memref<2000x16xf32, #tpu.memory_space<vmem>>) offsets(%arg10 : memref<2000xi32, #tpu.memory_space<vmem>>) semaphore(%arg25 : memref<!tpu.dma_semaphore, #tpu.memory_space<semaphore_mem>>)
    %dma_wait3A_54 = arith.constant 0 : i32
    %dma_wait3A_55 = arith.constant 0 : i32
    %dma_wait3A_56 = tpu.memref_slice %arg29[%dma_wait3A_54, %dma_wait3A_55] : memref<10000x16xf32, #tpu.memory_space<vmem_shared>> -> memref<10000x16xf32, #tpu.memory_space<vmem_shared>>
    tpu.wait_indirect_dma semaphore(%arg25 : memref<!tpu.dma_semaphore, #tpu.memory_space<semaphore_mem>>) src(%dma_wait3A_56 : memref<10000x16xf32, #tpu.memory_space<vmem_shared>>) dst(%arg16 : memref<2000x16xf32, #tpu.memory_space<vmem>>)
    %dma_start3A_57 = arith.constant 0 : i32
    %dma_start3A_58 = arith.constant 0 : i32
    %dma_start3A_59 = tpu.memref_slice %arg30[%dma_start3A_57, %dma_start3A_58] : memref<10000x16xf32, #tpu.memory_space<vmem_shared>> -> memref<10000x16xf32, #tpu.memory_space<vmem_shared>>
    tpu.enqueue_indirect_dma source(%arg16 : memref<2000x16xf32, #tpu.memory_space<vmem>>) target(%dma_start3A_59 : memref<10000x16xf32, #tpu.memory_space<vmem_shared>>) offsets(%arg13 : memref<2000xi32, #tpu.memory_space<vmem>>) semaphore(%arg28 : memref<!tpu.dma_semaphore, #tpu.memory_space<semaphore_mem>>) {add = true}
    %dma_wait3A_60 = arith.constant 0 : i32
    %dma_wait3A_61 = arith.constant 0 : i32
    %dma_wait3A_62 = tpu.memref_slice %arg30[%dma_wait3A_60, %dma_wait3A_61] : memref<10000x16xf32, #tpu.memory_space<vmem_shared>> -> memref<10000x16xf32, #tpu.memory_space<vmem_shared>>
    tpu.wait_indirect_dma semaphore(%arg26 : memref<!tpu.dma_semaphore, #tpu.memory_space<semaphore_mem>>) src(%arg14 : memref<2000x16xf32, #tpu.memory_space<vmem>>) dst(%dma_wait3A_62 : memref<10000x16xf32, #tpu.memory_space<vmem_shared>>)
    %add3A_63 = arith.constant 6000 : i32
    %add3A_64 = arith.addi %mul3A_4, %add3A_63 : i32
    %dma_start3A_65 = tpu.memref_slice %arg3[%add3A_64] : memref<320000xi32, #tpu.memory_space<hbm>> -> memref<2000xi32, #tpu.memory_space<hbm>>
    %dma_start3A_66 = tpu.memref_slice %arg3[%add3A_64] : memref<320000xi32, #tpu.memory_space<hbm>> -> memref<2000xi32, #tpu.memory_space<hbm>>
    tpu.enqueue_dma source(%dma_start3A_66 : memref<2000xi32, #tpu.memory_space<hbm>>) target(%arg8 : memref<2000xi32, #tpu.memory_space<vmem>>) target_semaphore(%arg17 : memref<!tpu.dma_semaphore, #tpu.memory_space<semaphore_mem>>)
    %dma_start3A_67 = tpu.memref_slice %arg4[%add3A_64] : memref<320000xi32, #tpu.memory_space<hbm>> -> memref<2000xi32, #tpu.memory_space<hbm>>
    %dma_start3A_68 = tpu.memref_slice %arg4[%add3A_64] : memref<320000xi32, #tpu.memory_space<hbm>> -> memref<2000xi32, #tpu.memory_space<hbm>>
    tpu.enqueue_dma source(%dma_start3A_68 : memref<2000xi32, #tpu.memory_space<hbm>>) target(%arg11 : memref<2000xi32, #tpu.memory_space<vmem>>) target_semaphore(%arg20 : memref<!tpu.dma_semaphore, #tpu.memory_space<semaphore_mem>>)
    %dma_wait3A_69 = tpu.memref_slice %arg3[%add3A_64] : memref<320000xi32, #tpu.memory_space<hbm>> -> memref<2000xi32, #tpu.memory_space<hbm>>
    %dma_wait3A_70 = tpu.memref_slice %arg3[%add3A_64] : memref<320000xi32, #tpu.memory_space<hbm>> -> memref<2000xi32, #tpu.memory_space<hbm>>
    tpu.wait_dma2 semaphore(%arg17 : memref<!tpu.dma_semaphore, #tpu.memory_space<semaphore_mem>>) src(%dma_wait3A_70 : memref<2000xi32, #tpu.memory_space<hbm>>) dst(%arg8 : memref<2000xi32, #tpu.memory_space<vmem>>)
    %dma_wait3A_71 = tpu.memref_slice %arg4[%add3A_64] : memref<320000xi32, #tpu.memory_space<hbm>> -> memref<2000xi32, #tpu.memory_space<hbm>>
    %dma_wait3A_72 = tpu.memref_slice %arg4[%add3A_64] : memref<320000xi32, #tpu.memory_space<hbm>> -> memref<2000xi32, #tpu.memory_space<hbm>>
    tpu.wait_dma2 semaphore(%arg20 : memref<!tpu.dma_semaphore, #tpu.memory_space<semaphore_mem>>) src(%dma_wait3A_72 : memref<2000xi32, #tpu.memory_space<hbm>>) dst(%arg11 : memref<2000xi32, #tpu.memory_space<vmem>>)
    %dma_start3A_73 = arith.constant 0 : i32
    %dma_start3A_74 = arith.constant 0 : i32
    %dma_start3A_75 = tpu.memref_slice %arg29[%dma_start3A_73, %dma_start3A_74] : memref<10000x16xf32, #tpu.memory_space<vmem_shared>> -> memref<10000x16xf32, #tpu.memory_space<vmem_shared>>
    tpu.enqueue_indirect_dma source(%dma_start3A_75 : memref<10000x16xf32, #tpu.memory_space<vmem_shared>>) target(%arg14 : memref<2000x16xf32, #tpu.memory_space<vmem>>) offsets(%arg8 : memref<2000xi32, #tpu.memory_space<vmem>>) semaphore(%arg23 : memref<!tpu.dma_semaphore, #tpu.memory_space<semaphore_mem>>)
    %dma_wait3A_76 = arith.constant 0 : i32
    %dma_wait3A_77 = arith.constant 0 : i32
    %dma_wait3A_78 = tpu.memref_slice %arg29[%dma_wait3A_76, %dma_wait3A_77] : memref<10000x16xf32, #tpu.memory_space<vmem_shared>> -> memref<10000x16xf32, #tpu.memory_space<vmem_shared>>
    tpu.wait_indirect_dma semaphore(%arg23 : memref<!tpu.dma_semaphore, #tpu.memory_space<semaphore_mem>>) src(%dma_wait3A_78 : memref<10000x16xf32, #tpu.memory_space<vmem_shared>>) dst(%arg14 : memref<2000x16xf32, #tpu.memory_space<vmem>>)
    %dma_start3A_79 = arith.constant 0 : i32
    %dma_start3A_80 = arith.constant 0 : i32
    %dma_start3A_81 = tpu.memref_slice %arg30[%dma_start3A_79, %dma_start3A_80] : memref<10000x16xf32, #tpu.memory_space<vmem_shared>> -> memref<10000x16xf32, #tpu.memory_space<vmem_shared>>
    tpu.enqueue_indirect_dma source(%arg14 : memref<2000x16xf32, #tpu.memory_space<vmem>>) target(%dma_start3A_81 : memref<10000x16xf32, #tpu.memory_space<vmem_shared>>) offsets(%arg11 : memref<2000xi32, #tpu.memory_space<vmem>>) semaphore(%arg26 : memref<!tpu.dma_semaphore, #tpu.memory_space<semaphore_mem>>) {add = true}
    %dma_wait3A_82 = arith.constant 0 : i32
    %dma_wait3A_83 = arith.constant 0 : i32
    %dma_wait3A_84 = tpu.memref_slice %arg30[%dma_wait3A_82, %dma_wait3A_83] : memref<10000x16xf32, #tpu.memory_space<vmem_shared>> -> memref<10000x16xf32, #tpu.memory_space<vmem_shared>>
    tpu.wait_indirect_dma semaphore(%arg27 : memref<!tpu.dma_semaphore, #tpu.memory_space<semaphore_mem>>) src(%arg15 : memref<2000x16xf32, #tpu.memory_space<vmem>>) dst(%dma_wait3A_84 : memref<10000x16xf32, #tpu.memory_space<vmem_shared>>)
    %add3A_85 = arith.constant 8000 : i32
    %add3A_86 = arith.addi %mul3A_4, %add3A_85 : i32
    %dma_start3A_87 = tpu.memref_slice %arg3[%add3A_86] : memref<320000xi32, #tpu.memory_space<hbm>> -> memref<2000xi32, #tpu.memory_space<hbm>>
    %dma_start3A_88 = tpu.memref_slice %arg3[%add3A_86] : memref<320000xi32, #tpu.memory_space<hbm>> -> memref<2000xi32, #tpu.memory_space<hbm>>
    tpu.enqueue_dma source(%dma_start3A_88 : memref<2000xi32, #tpu.memory_space<hbm>>) target(%arg9 : memref<2000xi32, #tpu.memory_space<vmem>>) target_semaphore(%arg18 : memref<!tpu.dma_semaphore, #tpu.memory_space<semaphore_mem>>)
    %dma_start3A_89 = tpu.memref_slice %arg4[%add3A_86] : memref<320000xi32, #tpu.memory_space<hbm>> -> memref<2000xi32, #tpu.memory_space<hbm>>
    %dma_start3A_90 = tpu.memref_slice %arg4[%add3A_86] : memref<320000xi32, #tpu.memory_space<hbm>> -> memref<2000xi32, #tpu.memory_space<hbm>>
    tpu.enqueue_dma source(%dma_start3A_90 : memref<2000xi32, #tpu.memory_space<hbm>>) target(%arg12 : memref<2000xi32, #tpu.memory_space<vmem>>) target_semaphore(%arg21 : memref<!tpu.dma_semaphore, #tpu.memory_space<semaphore_mem>>)
    %dma_wait3A_91 = tpu.memref_slice %arg3[%add3A_86] : memref<320000xi32, #tpu.memory_space<hbm>> -> memref<2000xi32, #tpu.memory_space<hbm>>
    %dma_wait3A_92 = tpu.memref_slice %arg3[%add3A_86] : memref<320000xi32, #tpu.memory_space<hbm>> -> memref<2000xi32, #tpu.memory_space<hbm>>
    tpu.wait_dma2 semaphore(%arg18 : memref<!tpu.dma_semaphore, #tpu.memory_space<semaphore_mem>>) src(%dma_wait3A_92 : memref<2000xi32, #tpu.memory_space<hbm>>) dst(%arg9 : memref<2000xi32, #tpu.memory_space<vmem>>)
    %dma_wait3A_93 = tpu.memref_slice %arg4[%add3A_86] : memref<320000xi32, #tpu.memory_space<hbm>> -> memref<2000xi32, #tpu.memory_space<hbm>>
    %dma_wait3A_94 = tpu.memref_slice %arg4[%add3A_86] : memref<320000xi32, #tpu.memory_space<hbm>> -> memref<2000xi32, #tpu.memory_space<hbm>>
    tpu.wait_dma2 semaphore(%arg21 : memref<!tpu.dma_semaphore, #tpu.memory_space<semaphore_mem>>) src(%dma_wait3A_94 : memref<2000xi32, #tpu.memory_space<hbm>>) dst(%arg12 : memref<2000xi32, #tpu.memory_space<vmem>>)
    %dma_start3A_95 = arith.constant 0 : i32
    %dma_start3A_96 = arith.constant 0 : i32
    %dma_start3A_97 = tpu.memref_slice %arg29[%dma_start3A_95, %dma_start3A_96] : memref<10000x16xf32, #tpu.memory_space<vmem_shared>> -> memref<10000x16xf32, #tpu.memory_space<vmem_shared>>
    tpu.enqueue_indirect_dma source(%dma_start3A_97 : memref<10000x16xf32, #tpu.memory_space<vmem_shared>>) target(%arg15 : memref<2000x16xf32, #tpu.memory_space<vmem>>) offsets(%arg9 : memref<2000xi32, #tpu.memory_space<vmem>>) semaphore(%arg24 : memref<!tpu.dma_semaphore, #tpu.memory_space<semaphore_mem>>)
    %dma_wait3A_98 = arith.constant 0 : i32
    %dma_wait3A_99 = arith.constant 0 : i32
    %dma_wait3A_100 = tpu.memref_slice %arg29[%dma_wait3A_98, %dma_wait3A_99] : memref<10000x16xf32, #tpu.memory_space<vmem_shared>> -> memref<10000x16xf32, #tpu.memory_space<vmem_shared>>
    tpu.wait_indirect_dma semaphore(%arg24 : memref<!tpu.dma_semaphore, #tpu.memory_space<semaphore_mem>>) src(%dma_wait3A_100 : memref<10000x16xf32, #tpu.memory_space<vmem_shared>>) dst(%arg15 : memref<2000x16xf32, #tpu.memory_space<vmem>>)
    %dma_start3A_101 = arith.constant 0 : i32
    %dma_start3A_102 = arith.constant 0 : i32
    %dma_start3A_103 = tpu.memref_slice %arg30[%dma_start3A_101, %dma_start3A_102] : memref<10000x16xf32, #tpu.memory_space<vmem_shared>> -> memref<10000x16xf32, #tpu.memory_space<vmem_shared>>
    tpu.enqueue_indirect_dma source(%arg15 : memref<2000x16xf32, #tpu.memory_space<vmem>>) target(%dma_start3A_103 : memref<10000x16xf32, #tpu.memory_space<vmem_shared>>) offsets(%arg12 : memref<2000xi32, #tpu.memory_space<vmem>>) semaphore(%arg27 : memref<!tpu.dma_semaphore, #tpu.memory_space<semaphore_mem>>) {add = true}
    %dma_wait3A_104 = arith.constant 0 : i32
    %dma_wait3A_105 = arith.constant 0 : i32
    %dma_wait3A_106 = tpu.memref_slice %arg30[%dma_wait3A_104, %dma_wait3A_105] : memref<10000x16xf32, #tpu.memory_space<vmem_shared>> -> memref<10000x16xf32, #tpu.memory_space<vmem_shared>>
    tpu.wait_indirect_dma semaphore(%arg28 : memref<!tpu.dma_semaphore, #tpu.memory_space<semaphore_mem>>) src(%arg16 : memref<2000x16xf32, #tpu.memory_space<vmem>>) dst(%dma_wait3A_106 : memref<10000x16xf32, #tpu.memory_space<vmem_shared>>)
    %dma_wait3A_107 = arith.constant 0 : i32
    %dma_wait3A_108 = arith.constant 0 : i32
    %dma_wait3A_109 = tpu.memref_slice %arg30[%dma_wait3A_107, %dma_wait3A_108] : memref<10000x16xf32, #tpu.memory_space<vmem_shared>> -> memref<10000x16xf32, #tpu.memory_space<vmem_shared>>
    tpu.wait_indirect_dma semaphore(%arg26 : memref<!tpu.dma_semaphore, #tpu.memory_space<semaphore_mem>>) src(%arg14 : memref<2000x16xf32, #tpu.memory_space<vmem>>) dst(%dma_wait3A_109 : memref<10000x16xf32, #tpu.memory_space<vmem_shared>>)
    %dma_wait3A_110 = arith.constant 0 : i32
    %dma_wait3A_111 = arith.constant 0 : i32
    %dma_wait3A_112 = tpu.memref_slice %arg30[%dma_wait3A_110, %dma_wait3A_111] : memref<10000x16xf32, #tpu.memory_space<vmem_shared>> -> memref<10000x16xf32, #tpu.memory_space<vmem_shared>>
    tpu.wait_indirect_dma semaphore(%arg27 : memref<!tpu.dma_semaphore, #tpu.memory_space<semaphore_mem>>) src(%arg15 : memref<2000x16xf32, #tpu.memory_space<vmem>>) dst(%dma_wait3A_112 : memref<10000x16xf32, #tpu.memory_space<vmem_shared>>)
    %barrier3A_113 = arith.constant 0 : index
    tpu.barrier barrier_id(%barrier3A_113)
    %eq3A = arith.constant 0 : i32
    %eq3A_114 = arith.cmpi eq, %arg0, %eq3A : i32
    %convert_element_type3A = arith.extui %eq3A_114 : i1 to i32
    %cond3A = arith.constant 0 : i32
    %cond3A_115 = arith.cmpi ne, %convert_element_type3A, %cond3A : i32
    scf.if %cond3A_115 {
      "tpu.region"() ({
        %run_scoped3A = tpu.sem_alloc : memref<!tpu.dma_semaphore, #tpu.memory_space<semaphore_mem>>
        %dma_start3A_121 = arith.constant 0 : i32
        %dma_start3A_122 = tpu.memref_slice %arg6[%mul3A_0, %dma_start3A_121] : memref<10000x16xf32, #tpu.memory_space<hbm>> -> memref<625x16xf32, #tpu.memory_space<hbm>>
        %dma_start3A_123 = arith.constant 0 : i32
        %dma_start3A_124 = tpu.memref_slice %arg30[%mul3A_0, %dma_start3A_123] : memref<10000x16xf32, #tpu.memory_space<vmem_shared>> -> memref<625x16xf32, #tpu.memory_space<vmem_shared>>
        tpu.enqueue_dma source(%dma_start3A_124 : memref<625x16xf32, #tpu.memory_space<vmem_shared>>) target(%dma_start3A_122 : memref<625x16xf32, #tpu.memory_space<hbm>>) target_semaphore(%run_scoped3A : memref<!tpu.dma_semaphore, #tpu.memory_space<semaphore_mem>>)
        %dma_wait3A_125 = arith.constant 0 : i32
        %dma_wait3A_126 = tpu.memref_slice %arg6[%mul3A_0, %dma_wait3A_125] : memref<10000x16xf32, #tpu.memory_space<hbm>> -> memref<625x16xf32, #tpu.memory_space<hbm>>
        %dma_wait3A_127 = arith.constant 0 : i32
        %dma_wait3A_128 = tpu.memref_slice %arg30[%mul3A_0, %dma_wait3A_127] : memref<10000x16xf32, #tpu.memory_space<vmem_shared>> -> memref<625x16xf32, #tpu.memory_space<vmem_shared>>
        tpu.wait_dma2 semaphore(%run_scoped3A : memref<!tpu.dma_semaphore, #tpu.memory_space<semaphore_mem>>) src(%dma_wait3A_128 : memref<625x16xf32, #tpu.memory_space<vmem_shared>>) dst(%dma_wait3A_126 : memref<625x16xf32, #tpu.memory_space<hbm>>)
        tpu.yield
      }) : () -> ()
    } else {
    }
    %eq3A_116 = arith.constant 1 : i32
    %eq3A_117 = arith.cmpi eq, %arg0, %eq3A_116 : i32
    %convert_element_type3A_118 = arith.extui %eq3A_117 : i1 to i32
    %cond3A_119 = arith.constant 0 : i32
    %cond3A_120 = arith.cmpi ne, %convert_element_type3A_118, %cond3A_119 : i32
    scf.if %cond3A_120 {
      "tpu.region"() ({
        %run_scoped3A = tpu.sem_alloc : memref<!tpu.dma_semaphore, #tpu.memory_space<semaphore_mem>>
        %dma_start3A_121 = arith.constant 0 : i32
        %dma_start3A_122 = tpu.memref_slice %arg7[%mul3A_0, %dma_start3A_121] : memref<10000x16xf32, #tpu.memory_space<hbm>> -> memref<625x16xf32, #tpu.memory_space<hbm>>
        %dma_start3A_123 = arith.constant 0 : i32
        %dma_start3A_124 = tpu.memref_slice %arg30[%mul3A_0, %dma_start3A_123] : memref<10000x16xf32, #tpu.memory_space<vmem_shared>> -> memref<625x16xf32, #tpu.memory_space<vmem_shared>>
        tpu.enqueue_dma source(%dma_start3A_124 : memref<625x16xf32, #tpu.memory_space<vmem_shared>>) target(%dma_start3A_122 : memref<625x16xf32, #tpu.memory_space<hbm>>) target_semaphore(%run_scoped3A : memref<!tpu.dma_semaphore, #tpu.memory_space<semaphore_mem>>)
        %dma_wait3A_125 = arith.constant 0 : i32
        %dma_wait3A_126 = tpu.memref_slice %arg7[%mul3A_0, %dma_wait3A_125] : memref<10000x16xf32, #tpu.memory_space<hbm>> -> memref<625x16xf32, #tpu.memory_space<hbm>>
        %dma_wait3A_127 = arith.constant 0 : i32
        %dma_wait3A_128 = tpu.memref_slice %arg30[%mul3A_0, %dma_wait3A_127] : memref<10000x16xf32, #tpu.memory_space<vmem_shared>> -> memref<625x16xf32, #tpu.memory_space<vmem_shared>>
        tpu.wait_dma2 semaphore(%run_scoped3A : memref<!tpu.dma_semaphore, #tpu.memory_space<semaphore_mem>>) src(%dma_wait3A_128 : memref<625x16xf32, #tpu.memory_space<vmem_shared>>) dst(%dma_wait3A_126 : memref<625x16xf32, #tpu.memory_space<hbm>>)
        tpu.yield
      }) : () -> ()
    } else {
    }
    return
  }
}

module attributes {stable_mosaic.version = 14 : i64} {
  func.func @_head_body(%arg0: memref<1250x1024xf32, #tpu.memory_space<vmem>>, %arg1: memref<1024x128xf32, #tpu.memory_space<vmem>>, %arg2: memref<1x128xf32, #tpu.memory_space<vmem>>, %arg3: memref<1250x128xf32, #tpu.memory_space<vmem>>, %arg4: memref<1250x128xf32, #tpu.memory_space<vmem>>, %arg5: memref<1250x128xf32, #tpu.memory_space<vmem>>, %arg6: memref<1250x128xf32, #tpu.memory_space<vmem>>, %arg7: memref<1250x128xf32, #tpu.memory_space<vmem>>, %arg8: memref<1250x128xf32, #tpu.memory_space<vmem>>, %arg9: memref<1250x128xf32, #tpu.memory_space<vmem>>) attributes {dimension_semantics = [], scalar_prefetch = 0 : i64, scratch_operands = 0 : i64, tpu.core_type = #tpu.core_type<tc>} {
    %get3A = arith.constant 0 : index
    %get3A_0 = arith.constant 0 : index
    %get3A_1 = vector.load %arg0[%get3A, %get3A_0] : memref<1250x1024xf32, #tpu.memory_space<vmem>>, vector<1250x1024xf32>
    %get3A_2 = arith.constant 0 : index
    %get3A_3 = arith.constant 0 : index
    %get3A_4 = vector.load %arg1[%get3A_2, %get3A_3] : memref<1024x128xf32, #tpu.memory_space<vmem>>, vector<1024x128xf32>
    %dot_general3A = arith.constant dense<0.000000e+00> : vector<1250x128xf32>
    %dot_general3A_5 = tpu.matmul %get3A_1, %get3A_4, %dot_general3A {dimension_numbers = #tpu.dot_dimension_numbers<[1], [0], [0], [1], [0, 0, 1, 1], [], []>, transpose_lhs_hint = false} : vector<1250x1024xf32>, vector<1024x128xf32>, vector<1250x128xf32> -> vector<1250x128xf32>
    %get3A_6 = arith.constant 0 : index
    %get3A_7 = arith.constant 0 : index
    %get3A_8 = vector.load %arg2[%get3A_6, %get3A_7] : memref<1x128xf32, #tpu.memory_space<vmem>>, vector<1x128xf32>
    %add3A = vector.broadcast %get3A_8 : vector<1x128xf32> to vector<1250x128xf32>
    %add3A_9 = arith.addf %dot_general3A_5, %add3A : vector<1250x128xf32>
    %max3A = arith.constant 0.000000e+00 : f32
    %max3A_10 = vector.broadcast %max3A : f32 to vector<1250x128xf32>
    %max3A_11 = arith.maximumf %add3A_9, %max3A_10 : vector<1250x128xf32>
    %get3A_12 = arith.constant 0 : index
    %get3A_13 = arith.constant 0 : index
    %get3A_14 = vector.load %arg3[%get3A_12, %get3A_13] : memref<1250x128xf32, #tpu.memory_space<vmem>>, vector<1250x128xf32>
    %get3A_15 = arith.constant 0 : index
    %get3A_16 = arith.constant 0 : index
    %get3A_17 = vector.load %arg4[%get3A_15, %get3A_16] : memref<1250x128xf32, #tpu.memory_space<vmem>>, vector<1250x128xf32>
    %add3A_18 = arith.addf %get3A_14, %get3A_17 : vector<1250x128xf32>
    %add3A_19 = arith.constant 1.000000e+00 : f32
    %add3A_20 = vector.broadcast %add3A_19 : f32 to vector<1250x128xf32>
    %add3A_21 = arith.addf %add3A_18, %add3A_20 : vector<1250x128xf32>
    %rsqrt3A = math.rsqrt %add3A_21 : vector<1250x128xf32>
    %get3A_22 = arith.constant 0 : index
    %get3A_23 = arith.constant 0 : index
    %get3A_24 = vector.load %arg5[%get3A_22, %get3A_23] : memref<1250x128xf32, #tpu.memory_space<vmem>>, vector<1250x128xf32>
    %get3A_25 = arith.constant 0 : index
    %get3A_26 = arith.constant 0 : index
    %get3A_27 = vector.load %arg6[%get3A_25, %get3A_26] : memref<1250x128xf32, #tpu.memory_space<vmem>>, vector<1250x128xf32>
    %add3A_28 = arith.addf %get3A_24, %get3A_27 : vector<1250x128xf32>
    %add3A_29 = arith.constant 1.000000e+00 : f32
    %add3A_30 = vector.broadcast %add3A_29 : f32 to vector<1250x128xf32>
    %add3A_31 = arith.addf %add3A_28, %add3A_30 : vector<1250x128xf32>
    %rsqrt3A_32 = math.rsqrt %add3A_31 : vector<1250x128xf32>
    %mul3A = arith.mulf %max3A_11, %rsqrt3A : vector<1250x128xf32>
    %swap3A = arith.constant 0 : index
    %swap3A_33 = arith.constant 0 : index
    %swap3A_34 = vector.load %arg7[%swap3A, %swap3A_33] : memref<1250x128xf32, #tpu.memory_space<vmem>>, vector<1250x128xf32>
    tpu.vector_store %arg7[%swap3A, %swap3A_33], %mul3A {strides = array<i32>} : memref<1250x128xf32, #tpu.memory_space<vmem>>, vector<1250x128xf32>,
    %swap3A_35 = arith.constant 0 : index
    %swap3A_36 = arith.constant 0 : index
    %swap3A_37 = vector.load %arg8[%swap3A_35, %swap3A_36] : memref<1250x128xf32, #tpu.memory_space<vmem>>, vector<1250x128xf32>
    tpu.vector_store %arg8[%swap3A_35, %swap3A_36], %rsqrt3A {strides = array<i32>} : memref<1250x128xf32, #tpu.memory_space<vmem>>, vector<1250x128xf32>,
    %swap3A_38 = arith.constant 0 : index
    %swap3A_39 = arith.constant 0 : index
    %swap3A_40 = vector.load %arg9[%swap3A_38, %swap3A_39] : memref<1250x128xf32, #tpu.memory_space<vmem>>, vector<1250x128xf32>
    tpu.vector_store %arg9[%swap3A_38, %swap3A_39], %rsqrt3A_32 {strides = array<i32>} : memref<1250x128xf32, #tpu.memory_space<vmem>>, vector<1250x128xf32>,
    return
  }
}

module attributes {stable_mosaic.version = 14 : i64} {
  func.func @_mid_body(%arg0: memref<1250x128xf32, #tpu.memory_space<vmem>>, %arg1: memref<1250x128xf32, #tpu.memory_space<vmem>>, %arg2: memref<1250x128xf32, #tpu.memory_space<vmem>>, %arg3: memref<1250x128xf32, #tpu.memory_space<vmem>>, %arg4: memref<1250x128xf32, #tpu.memory_space<vmem>>, %arg5: memref<128x128xf32, #tpu.memory_space<vmem>>, %arg6: memref<1x128xf32, #tpu.memory_space<vmem>>, %arg7: memref<1250x128xf32, #tpu.memory_space<vmem>>) attributes {dimension_semantics = [], scalar_prefetch = 0 : i64, scratch_operands = 0 : i64, tpu.core_type = #tpu.core_type<tc>} {
    %get3A = arith.constant 0 : index
    %get3A_0 = arith.constant 0 : index
    %get3A_1 = vector.load %arg0[%get3A, %get3A_0] : memref<1250x128xf32, #tpu.memory_space<vmem>>, vector<1250x128xf32>
    %get3A_2 = arith.constant 0 : index
    %get3A_3 = arith.constant 0 : index
    %get3A_4 = vector.load %arg1[%get3A_2, %get3A_3] : memref<1250x128xf32, #tpu.memory_space<vmem>>, vector<1250x128xf32>
    %add3A = arith.addf %get3A_1, %get3A_4 : vector<1250x128xf32>
    %get3A_5 = arith.constant 0 : index
    %get3A_6 = arith.constant 0 : index
    %get3A_7 = vector.load %arg2[%get3A_5, %get3A_6] : memref<1250x128xf32, #tpu.memory_space<vmem>>, vector<1250x128xf32>
    %add3A_8 = arith.addf %add3A, %get3A_7 : vector<1250x128xf32>
    %get3A_9 = arith.constant 0 : index
    %get3A_10 = arith.constant 0 : index
    %get3A_11 = vector.load %arg4[%get3A_9, %get3A_10] : memref<1250x128xf32, #tpu.memory_space<vmem>>, vector<1250x128xf32>
    %mul3A = arith.mulf %add3A_8, %get3A_11 : vector<1250x128xf32>
    %get3A_12 = arith.constant 0 : index
    %get3A_13 = arith.constant 0 : index
    %get3A_14 = vector.load %arg5[%get3A_12, %get3A_13] : memref<128x128xf32, #tpu.memory_space<vmem>>, vector<128x128xf32>
    %dot_general3A = arith.constant dense<0.000000e+00> : vector<1250x128xf32>
    %dot_general3A_15 = tpu.matmul %mul3A, %get3A_14, %dot_general3A {dimension_numbers = #tpu.dot_dimension_numbers<[1], [0], [0], [1], [0, 0, 1, 1], [], []>, transpose_lhs_hint = false} : vector<1250x128xf32>, vector<128x128xf32>, vector<1250x128xf32> -> vector<1250x128xf32>
    %get3A_16 = arith.constant 0 : index
    %get3A_17 = arith.constant 0 : index
    %get3A_18 = vector.load %arg6[%get3A_16, %get3A_17] : memref<1x128xf32, #tpu.memory_space<vmem>>, vector<1x128xf32>
    %add3A_19 = vector.broadcast %get3A_18 : vector<1x128xf32> to vector<1250x128xf32>
    %add3A_20 = arith.addf %dot_general3A_15, %add3A_19 : vector<1250x128xf32>
    %max3A = arith.constant 0.000000e+00 : f32
    %max3A_21 = vector.broadcast %max3A : f32 to vector<1250x128xf32>
    %max3A_22 = arith.maximumf %add3A_20, %max3A_21 : vector<1250x128xf32>
    %get3A_23 = arith.constant 0 : index
    %get3A_24 = arith.constant 0 : index
    %get3A_25 = vector.load %arg3[%get3A_23, %get3A_24] : memref<1250x128xf32, #tpu.memory_space<vmem>>, vector<1250x128xf32>
    %mul3A_26 = arith.mulf %max3A_22, %get3A_25 : vector<1250x128xf32>
    %swap3A = arith.constant 0 : index
    %swap3A_27 = arith.constant 0 : index
    %swap3A_28 = vector.load %arg7[%swap3A, %swap3A_27] : memref<1250x128xf32, #tpu.memory_space<vmem>>, vector<1250x128xf32>
    tpu.vector_store %arg7[%swap3A, %swap3A_27], %mul3A_26 {strides = array<i32>} : memref<1250x128xf32, #tpu.memory_space<vmem>>, vector<1250x128xf32>,
    return
  }
}

module attributes {stable_mosaic.version = 14 : i64} {
  func.func @_tail_body(%arg0: memref<1250x128xf32, #tpu.memory_space<vmem>>, %arg1: memref<1250x128xf32, #tpu.memory_space<vmem>>, %arg2: memref<1250x128xf32, #tpu.memory_space<vmem>>, %arg3: memref<1250x128xf32, #tpu.memory_space<vmem>>, %arg4: memref<128x128xf32, #tpu.memory_space<vmem>>, %arg5: memref<1x128xf32, #tpu.memory_space<vmem>>, %arg6: memref<128x512xf32, #tpu.memory_space<vmem>>, %arg7: memref<1x512xf32, #tpu.memory_space<vmem>>, %arg8: memref<1250x512xf32, #tpu.memory_space<vmem>>) attributes {dimension_semantics = [], scalar_prefetch = 0 : i64, scratch_operands = 0 : i64, tpu.core_type = #tpu.core_type<tc>} {
    %get3A = arith.constant 0 : index
    %get3A_0 = arith.constant 0 : index
    %get3A_1 = vector.load %arg0[%get3A, %get3A_0] : memref<1250x128xf32, #tpu.memory_space<vmem>>, vector<1250x128xf32>
    %get3A_2 = arith.constant 0 : index
    %get3A_3 = arith.constant 0 : index
    %get3A_4 = vector.load %arg1[%get3A_2, %get3A_3] : memref<1250x128xf32, #tpu.memory_space<vmem>>, vector<1250x128xf32>
    %add3A = arith.addf %get3A_1, %get3A_4 : vector<1250x128xf32>
    %get3A_5 = arith.constant 0 : index
    %get3A_6 = arith.constant 0 : index
    %get3A_7 = vector.load %arg2[%get3A_5, %get3A_6] : memref<1250x128xf32, #tpu.memory_space<vmem>>, vector<1250x128xf32>
    %add3A_8 = arith.addf %add3A, %get3A_7 : vector<1250x128xf32>
    %get3A_9 = arith.constant 0 : index
    %get3A_10 = arith.constant 0 : index
    %get3A_11 = vector.load %arg3[%get3A_9, %get3A_10] : memref<1250x128xf32, #tpu.memory_space<vmem>>, vector<1250x128xf32>
    %mul3A = arith.mulf %add3A_8, %get3A_11 : vector<1250x128xf32>
    %get3A_12 = arith.constant 0 : index
    %get3A_13 = arith.constant 0 : index
    %get3A_14 = vector.load %arg4[%get3A_12, %get3A_13] : memref<128x128xf32, #tpu.memory_space<vmem>>, vector<128x128xf32>
    %dot_general3A = arith.constant dense<0.000000e+00> : vector<1250x128xf32>
    %dot_general3A_15 = tpu.matmul %mul3A, %get3A_14, %dot_general3A {dimension_numbers = #tpu.dot_dimension_numbers<[1], [0], [0], [1], [0, 0, 1, 1], [], []>, transpose_lhs_hint = false} : vector<1250x128xf32>, vector<128x128xf32>, vector<1250x128xf32> -> vector<1250x128xf32>
    %get3A_16 = arith.constant 0 : index
    %get3A_17 = arith.constant 0 : index
    %get3A_18 = vector.load %arg5[%get3A_16, %get3A_17] : memref<1x128xf32, #tpu.memory_space<vmem>>, vector<1x128xf32>
    %add3A_19 = vector.broadcast %get3A_18 : vector<1x128xf32> to vector<1250x128xf32>
    %add3A_20 = arith.addf %dot_general3A_15, %add3A_19 : vector<1250x128xf32>
    %max3A = arith.constant 0.000000e+00 : f32
    %max3A_21 = vector.broadcast %max3A : f32 to vector<1250x128xf32>
    %max3A_22 = arith.maximumf %add3A_20, %max3A_21 : vector<1250x128xf32>
    %get3A_23 = arith.constant 0 : index
    %get3A_24 = arith.constant 0 : index
    %get3A_25 = vector.load %arg6[%get3A_23, %get3A_24] : memref<128x512xf32, #tpu.memory_space<vmem>>, vector<128x512xf32>
    %dot_general3A_26 = arith.constant dense<0.000000e+00> : vector<1250x512xf32>
    %dot_general3A_27 = tpu.matmul %max3A_22, %get3A_25, %dot_general3A_26 {dimension_numbers = #tpu.dot_dimension_numbers<[1], [0], [0], [1], [0, 0, 1, 1], [], []>, transpose_lhs_hint = false} : vector<1250x128xf32>, vector<128x512xf32>, vector<1250x512xf32> -> vector<1250x512xf32>
    %get3A_28 = arith.constant 0 : index
    %get3A_29 = arith.constant 0 : index
    %get3A_30 = vector.load %arg7[%get3A_28, %get3A_29] : memref<1x512xf32, #tpu.memory_space<vmem>>, vector<1x512xf32>
    %add3A_31 = vector.broadcast %get3A_30 : vector<1x512xf32> to vector<1250x512xf32>
    %add3A_32 = arith.addf %dot_general3A_27, %add3A_31 : vector<1250x512xf32>
    %swap3A = arith.constant 0 : index
    %swap3A_33 = arith.constant 0 : index
    %swap3A_34 = vector.load %arg8[%swap3A, %swap3A_33] : memref<1250x512xf32, #tpu.memory_space<vmem>>, vector<1250x512xf32>
    tpu.vector_store %arg8[%swap3A, %swap3A_33], %add3A_32 {strides = array<i32>} : memref<1250x512xf32, #tpu.memory_space<vmem>>, vector<1250x512xf32>,
    return
  }
}

</mosaic_0001>

<sc_bundles>
// kernel: kernel.11.cloned.1.call-start
scs
__scs_entry_jumppad:
0x0: {  	(pc) =	sbr.rel $0x88, $3  }
0x1: {  	(tag) =	ssettag $0x0;
	lr =	simm.s32 $0x1  }
0x2: {  	[smem:$0x3F97] =	sst lr;
	_ =	strace $0xD0000000  }
0x3: {  	_ = 	snop  }
0x4: {  	_ = 	snop  }
0x5: {  	_ = 	snop  }
0x6: {  	_ = 	snop  }
0x7: {  	_ = 	snop  }
__scs_overlays_trampoline_lowered:
0x8: {  	[smem:$0x3FA6] =	sst s0  }
0x9: {  	[smem:$0x3FA7] =	sst s1  }
0xa: {  	[smem:$0x3FA8] =	sst s2  }
0xb: {  	[smem:$0x3FA9] =	sst s3  }
0xc: {  	[smem:$0x3FAA] =	sst s4  }
0xd: {  	[smem:$0x3FAB] =	sst s5  }
0xe: {  	[smem:$0x3FAC] =	sst s6  }
0xf: {  	[smem:$0x3FAD] =	sst s7  }
0x10: {  	[smem:$0x3FAE] =	sst s8  }
0x11: {  	[smem:$0x3FAF] =	sst s9;
	s0 =	simm.s32 @!p0 $0x0  }
0x12: {  	s1 =	sld [smem:$0x3F95];
	s0 =	simm.s32 @p0 $0x1  }
0x13: {  	[smem:$0x3FB0] =	sst s0;
	s0 =	simm.s32 @!p1 $0x0  }
0x14: {  	s2 =	sld [smem:$0x3F94];
	s0 =	simm.s32 @p1 $0x1  }
0x15: {  	[smem:$0x3FB1] =	sst s0;
	s0 =	simm.s32 @!p2 $0x0  }
0x16: {  	s3 =	sld [smem:$0x3FDB];
	s0 =	simm.s32 @p2 $0x1  }
0x17: {  	s4 =	simm.s32 $0x1BF5;
	[smem:$0x3FB3] =	sst s0  }
0x18: {  	s0 =	sld [smem:$0x3F96];
	_ =	swait.ge [sflag:s4], $0x0  }
0x19: {  	s7 =	sld [smem:$0x3F97]  }
0x1a: {  	s8 =	sadd.s32 $0xFFFFE003, lr  }
0x1b: {  	s9 =	sadd.s32 $0xFFFFFEF7, lr;
	s5 =	simm.s32 $0xFFFFFFFF;
	p2 =	slt.u32 s8, $0xFFFFF086  }
0x1c: {  	p1 =	slt.u32 s9, $0xF7A;
	s5 =	simm.s32 @!p2 $0x0  }
0x1d: {  	s5 =	simm.s32 @p1 $0x1;
	p0 =	seq.s32 s7, s2  }
0x1e: {  	s7 =	smul.u32 @!p0 $0xF7A, s2;
	p2 =	seq.s32 @!p0 s5, $0x0  }
0x1f: {  	s9 =	smul.u32 $0xF7A, s1;
	s8 =	simm.s32 @!p0 $0x1BF5;
	p2 =	por !p2, p0  }
0x20: {  	[sflag:s8] =	ssyncset.s32 @!p0 $0xFFFFF086;
	s6 =	sadd.s32 @!p0 s3, s7;
	s7 =	simm.s32 @!p0 $0x108  }
0x21: {  	s3 =	sadd.s32 s3, s9;
	s6 =	sadd.s32 @!p0 $0x88, s6;
	s7 =	simm.s32 @p2 $0x1082  }
0x22: {  	[simem:s7], [sflag:s8] =	dma.local @!p0 [hbm:s6], $0xF7A  }
0x23: {  	s9 =	sor.u32 $0xD0000000, s2;
	s6 =	simm.s32 $0x108;
	_ =	swait.ge @!p0 [sflag:s8], $0x0  }
0x24: {  	s3 =	sadd.s32 $0x88, s3;
	s6 =	simm.s32 @!p1 $0x1082;
	[sflag:s4] =	ssyncset.s32 $0xFFFFF086  }
0x25: {  	[simem:s6], [sflag:s4] =	dma.local [hbm:s3], $0xF7A  }
0x26: {  	[smem:$0x3F97] =	sst s1;
	(tag) =	ssettag s2;
	_ =	strace s9  }
0x27: {  	s1 =	sld [smem:$0x3FA7]  }
0x28: {  	s2 =	sld [smem:$0x3FA8]  }
0x29: {  	s4 =	sld [smem:$0x3FAA]  }
0x2a: {  	p0 =	seq.s32 s5, $0x0;
	s5 =	sld [smem:$0x3FAB]  }
0x2b: {  	s6 =	sld [smem:$0x3FAC]  }
0x2c: {  	s7 =	sld [smem:$0x3FAD]  }
0x2d: {  	s3 =	simm.s32 $0x108;
	s8 =	sld [smem:$0x3FAE]  }
0x2e: {  	s3 =	simm.s32 @!p0 $0x1082;
	s9 =	sld [smem:$0x3FAF]  }
0x2f: {  	lr =	sadd.s32 s0, s3;
	s0 =	sld [smem:$0x3FA6]  }
0x30: {  	s3 =	sld [smem:$0x3FA9]  }
0x31: {  	[smem:$0x3FB2] =	sst s10  }
0x32: {  	s10 =	sld [smem:$0x3FB0];
	_ =	sdelay $0x3  }
0x33: {  	p0 =	seq.s32 s10, $0x1;
	s10 =	sld [smem:$0x3FB2];
	_ =	sdelay $0x3  }
0x34: {  	[smem:$0x3FB2] =	sst s10  }
0x35: {  	s10 =	sld [smem:$0x3FB1];
	_ =	sdelay $0x3  }
0x36: {  	p1 =	seq.s32 s10, $0x1;
	s10 =	sld [smem:$0x3FB2];
	_ =	sdelay $0x3  }
0x37: {  	[smem:$0x3FB2] =	sst s10  }
0x38: {  	s10 =	sld [smem:$0x3FB3]  }
0x39: {  	_ = 	snop;
	(pc) =	sbr.ind lr, $3  }
0x3a: {  	_ = 	snop  }
0x3b: {  	_ = 	snop  }
0x3c: {  	p2 =	seq.s32 s10, $0x1;
	s10 =	sld [smem:$0x3FB2]  }
0x3d: {  	_ =	shalt  }
0x3e: {  	_ =	shalt  }
0x3f: {  	_ =	shalt  }
0x40: {  	_ =	shalt  }
0x41: {  	_ =	shalt  }
0x42: {  	_ =	shalt  }
0x43: {  	_ =	shalt  }
0x44: {  	_ =	shalt  }
0x45: {  	_ =	shalt  }
0x46: {  	_ =	shalt  }
0x47: {  	_ =	shalt  }
0x48: {  	_ =	shalt  }
0x49: {  	_ =	shalt  }
0x4a: {  	_ =	shalt  }
0x4b: {  	_ =	shalt  }
0x4c: {  	_ =	shalt  }
0x4d: {  	_ =	shalt  }
0x4e: {  	_ =	shalt  }
0x4f: {  	_ =	shalt  }
0x50: {  	_ =	shalt  }
0x51: {  	_ =	shalt  }
0x52: {  	_ =	shalt  }
0x53: {  	_ =	shalt  }
0x54: {  	_ =	shalt  }
0x55: {  	_ =	shalt  }
0x56: {  	_ =	shalt  }
0x57: {  	_ =	shalt  }
0x58: {  	_ =	shalt  }
0x59: {  	_ =	shalt  }
0x5a: {  	_ =	shalt  }
0x5b: {  	_ =	shalt  }
0x5c: {  	_ =	shalt  }
0x5d: {  	_ =	shalt  }
0x5e: {  	_ =	shalt  }
0x5f: {  	_ =	shalt  }
0x60: {  	_ =	shalt  }
0x61: {  	_ =	shalt  }
0x62: {  	_ =	shalt  }
0x63: {  	_ =	shalt  }
0x64: {  	_ =	shalt  }
0x65: {  	_ =	shalt  }
0x66: {  	_ =	shalt  }
0x67: {  	_ =	shalt  }
0x68: {  	_ =	shalt  }
0x69: {  	_ =	shalt  }
0x6a: {  	_ =	shalt  }
0x6b: {  	_ =	shalt  }
0x6c: {  	_ =	shalt  }
0x6d: {  	_ =	shalt  }
0x6e: {  	_ =	shalt  }
0x6f: {  	_ =	shalt  }
0x70: {  	_ =	shalt  }
0x71: {  	_ =	shalt  }
0x72: {  	_ =	shalt  }
0x73: {  	_ =	shalt  }
0x74: {  	_ =	shalt  }
0x75: {  	_ =	shalt  }
0x76: {  	_ =	shalt  }
0x77: {  	_ =	shalt  }
0x78: {  	_ =	shalt  }
0x79: {  	_ =	shalt  }
0x7a: {  	_ =	shalt  }
0x7b: {  	_ =	shalt  }
0x7c: {  	_ =	shalt  }
0x7d: {  	_ =	shalt  }
0x7e: {  	_ =	shalt  }
0x7f: {  	_ =	shalt  }
0x80: {  	_ =	shalt  }
0x81: {  	_ =	shalt  }
0x82: {  	_ =	shalt  }
0x83: {  	_ =	shalt  }
0x84: {  	_ =	shalt  }
0x85: {  	_ =	shalt  }
0x86: {  	_ =	shalt  }
0x87: {  	_ =	shalt  }
.Lfunc_end0:
.L_simem_size_0:
called_computation.1_lowered:
.L_overlay_start_0:
0x88: {  	s2 =	sld [smem:$0x3FD9]  }
0x89: {  	s3 =	sld [smem:$0x3FFE];
	_ =	sdelay $0x1  }
0x8a: {  	s1 =	srdreg.scid  }
0x8b: {  	s0 =	sand.u32 $0x1, s1  }
0x8c: {  	s17 =	sshll.u32 s0, $0xA;
	s2 =	sadd.s32 s3, s2  }
0x8d: {  	s2 =	sadd.s32 s2, s17  }
0x8e: {  	[smem:$0x3FBE] =	sst s2  }
0x8f: {  	_ = 	snop  }
0x90: {  	s2 =	sld [smem:$0x3FD0];
	(tm) =	ssettm $0x1  }
0x91: {  	s18 =	sld [smem:$0x3FFB];
	_ =	sdelay $0x3  }
0x92: {  	_ =	strace s18  }
0x93: {  	s3 =	sld [smem:$0x3FFC];
	_ =	sdelay $0x3  }
0x94: {  	_ =	strace s3  }
0x95: {  	s3 =	sld [smem:$0x3FFD];
	_ =	sdelay $0x3  }
0x96: {  	_ =	strace s3  }
0x97: {  	_ =	strace $0x8FFFFFFF  }
0x98: {  	s19 =	sld [smem:$0x3FDB];
	_ =	sdelay $0x1  }
0x99: {  	s4 =	simm.s32 $_scs_section_size  }
0x9a: {  	s5 =	simm.s32 $_size__tile_overlayer_lowered;
	s6 =	simm.s32 $_tile_overlayer_lowered  }
0x9b: {  	s22 =	simm.s32 $0x1BFF;
	s21 =	sshll.u32 s6, $0x1;
	s3 =	sadd.s32 s4, s19  }
0x9c: {  	s7 =	simm.s32 $0x0;
	s20 =	sshll.u32 s5, $0x1;
	s5 =	sadd.s32 s21, s3  }
0x9d: {  	[timem:s7], [sflag:s22] =	dma.local [hbm:s5], s20  }
0x9e: {  	_ =	swait.ge [sflag:s22], s20  }
0x9f: {  	s4 =	ssub.s32 $0x0, s20;
	[sflag:s22] =	ssyncset.done $0x0  }
0xa0: {  	[sflag:s22] =	ssyncadd.s32 s4;
	_ =	sdelay $0x1  }
0xa1: {  	s23 =	simm.s32 $0x1B8B  }
0xa2: {  	_ =	swait.ge [sflag:s23], $0x1  }
0xa3: {  	[sflag:s23] =	ssyncset.done $0x0  }
0xa4: {  	s25 =	simm.s32 $0x1B8E;
	s24 =	sld [smem:$0x3FFE];
	[sflag:s23] =	ssyncadd.s32 $0xFFFFFFFF  }
0xa5: {  	s26 =	simm.s32 $execute0_lowered;
	[smem:$0x3FD2] =	sst s25  }
0xa6: {  	s5 =	sshll.u32 s26, $0x1;
	_ =	strace $0x80000049;
	[dreg:$0x1] =	wrdreg $0xFFFFFFFF  }
0xa7: {  	s28 =	simm.s32 $_size_execute0_lowered;
	s3 =	sadd.s32 s3, s5;
	[dreg:$0x0] =	wrdreg $0x0  }
0xa8: {  	s5 =	sshll.u32 s28, $0x1;
	[dreg:$0x2] =	wrdreg s3  }
0xa9: {  	[dreg:$0x3] =	wrdreg s5  }
0xaa: {  	[dreg:$0x4] =	wrdreg $0xC0  }
0xab: {  	_ =	task [dreg:s7], $0x5FFFF  }
0xac: {  	[dreg:$0x1] =	wrdreg $0xFFFFFFFF  }
0xad: {  	[dreg:$0x0] =	wrdreg $0x60  }
0xae: {  	[dreg:$0x2] =	wrdreg s24  }
0xaf: {  	[dreg:$0x3] =	wrdreg s2  }
0xb0: {  	[dreg:$0x4] =	wrdreg $0x1A5E00  }
0xb1: {  	[dreg:$0x5] =	wrdreg $0x1CCF00  }
0xb2: {  	[dreg:$0x6] =	wrdreg $0x9  }
0xb3: {  	_ =	task.clear_ibuf [dreg:s7], $0x7FFFF;
	_ =	strace $0x90000049  }
0xb4: {  	s29 =	simm.s32 $0x9;
	_ =	strace $0x8000004B  }
0xb5: {  	_ =	swait.ge [sflag:s29], $0x1  }
0xb6: {  	[sflag:s29] =	ssyncadd.s32 $0xFFFFFFFF  }
0xb7: {  	_ =	strace $0x9000004B  }
0xb8: {  	_ =	sfence  }
0xb9: {  	s30 =	sld [smem:$0x0];
	_ =	sdelay $0x2  }
0xba: {  	s31 =	sshll.u32 s1, $0xD;
	s1 =	sshrl.u32 s1, $0x2  }
0xbb: {  	s3 =	sand.u32 $0x4000, s31;
	s1 =	sadd.s32 s1, s30  }
0xbc: {  	s0 =	sor.u32 s3, s0;
	s1 =	sshll.u32 s1, $0x11  }
0xbd: {  	s0 =	sor.u32 s1, s0  }
0xbe: {  	s0 =	sadd.s32 $0x8F2B, s0  }
0xbf: {  	[sflag:s0] =	ssyncadd.remote.s32 $0x1  }
0xc0: {  	_ =	sfence.sel $0xFFFF  }
0xc1: {  	[dreg:$0x0] =	wrdreg $0xFFFFFFFF;
	(pc) =	sbr.abs _section_cstart, $3  }
0xc2: {  	[dreg:$0x1] =	wrdreg $0xFFFFFFFF  }
0xc3: {  	_ =	task.clear_ibuf [dreg:s7], $0x2FFFF;
	_ =	strace $0x9FFFFFFF  }
0xc4: {  	(tm) =	ssettm $0x7FFFFFFF  }
0xc5: {  	_ =	shalt  }
tec
execute0_lowered:
.L_overlay_start_1:
0x0: {  	(tag) =	ssettag $0x1  }
0x1: {  	s0 =	srdreg.scid;
	s1 =	rddreg [dreg:$0x0]  }
0x2: {  	s6 =	rddreg [dreg:$0x1];
	s13 =	stileid.u32  }
0x3: {  	s3 =	rddreg [dreg:$0x2];
	s30 =	simm.s32 $0x3;
	s31 =	simm.s32 $0x6  }
0x4: {  	s29 =	simm.s32 $0x9;
	s28 =	simm.s32 $0xC;
	s0 =	sand.u32 $0x1, s0  }
0x5: {  	s7 =	smul.u32 $0x2710, s13;
	s8 =	sadd.s32 $0x4400, s1;
	s2 =	sshll.u32 s0, $0x4  }
0x6: {  	s15 =	ssub.s32 $0x2, s0;
	p0 =	seq.s32 s0, $0x1;
	s0 =	simm.s32 $0x1D200  }
0x7: {  	s4 =	sor.u32 s13, s2;
	s2 =	rddreg [dreg:$0x3];
	s12 =	sshrl.u32 s7, $0x3  }
0x8: {  	s24 =	sadd.s32 s7, s3;
	s13 =	sshll.u32 s13, $0x6;
	s0 =	simm.s32 @!p0 $0x18200  }
0x9: {  	p0 =	por $0x0, $0x0;
	s5 =	smul.u32 $0x2710, s4;
	s4 =	simm.s32 $0x0  }
0xa: {  	s1 =	sadd.s32 s12, s1;
	s12 =	sshrl.u32 s15, $0x1;
	s26 =	sadd.s32 s7, s2  }
0xb: {  	s7 =	simm.s32 $0xD;
	[smem:$0x7FF] =	sst s4;
	s16 =	sadd.s32 $0x13200, s1  }
0xc: {  	s17 =	sadd.s32 $0xE200, s1;
	s12 =	ssub.s32 s15, s12;
	s15 =	simm.s32 $0x5  }
0xd: {  	s9 =	sshrl.u32 s5, $0x3;
	_ =	strace $0x8000004A;
	[dreg:$0x7] =	wrdreg s16  }
0xe: {  	[dreg:$0x8] =	wrdreg s17;
	s5 =	sor.u32 $0x1C0D, s13;
	s16 =	simm.s32 $0x1770  }
0xf: {  	s13 =	simm.s32 $0x8;
	s17 =	simm.s32 $0xA;
	s10 =	sadd.s32 s8, s9  }
0x10: {  	s14 =	sadd.s32 s6, s9;
	s11 =	sadd.s32 $0xFA, s9;
	[dreg:$0x5] =	wrdreg s10  }
0x11: {  	s20 =	sadd.s32 $0x1F4, s9;
	[dreg:$0x6] =	wrdreg s14;
	s18 =	sadd.s32 s8, s11  }
0x12: {  	s23 =	sadd.s32 $0x2EE, s9;
	s19 =	sadd.s32 s6, s11;
	[dreg:$0x9] =	wrdreg s18  }
0x13: {  	s9 =	sadd.s32 $0x3E8, s9;
	s21 =	sadd.s32 s8, s20;
	[dreg:$0xa] =	wrdreg s19  }
0x14: {  	s22 =	sadd.s32 s6, s20;
	s25 =	sadd.s32 s8, s23;
	[dreg:$0xb] =	wrdreg s21  }
0x15: {  	s10 =	sadd.s32 s6, s23;
	s8 =	sadd.s32 s8, s9;
	[dreg:$0xc] =	wrdreg s22  }
0x16: {  	s14 =	smax.u32 s12, $0x1;
	s23 =	simm.s32 $0x1;
	[dreg:$0xd] =	wrdreg s25  }
0x17: {  	s20 =	simm.s32 $0x2EE0;
	s11 =	simm.s32 $0x1F40;
	[dreg:$0xe] =	wrdreg s10  }
0x18: {  	s12 =	simm.s32 $0xABE0;
	[dreg:$0xf] =	wrdreg s8;
	p1 =	sne.s32 s14, $0x1  }
.Ltmp0:
0x19: {  	s10 =	sadd.s32 s6, s9;
	s6 =	sadd.s32 s0, s1;
	(pc) =	sbr.rel @!p1 .LBB2_5-.Ltmp0, $4  }
0x1a: {  	s19 =	sshrl.u32 s24, $0x3;
	s8 =	sshrl.u32 s26, $0x3;
	s22 =	simm.s32 $0x4  }
0x1b: {  	s9 =	simm.s32 $0x7D0;
	s21 =	simm.s32 $0x7;
	s18 =	simm.s32 $0x2  }
0x1c: {  	s24 =	simm.s32 $0xFA0;
	s25 =	simm.s32 $0x2710;
	s1 =	sadd.s32 $0xFFFFFFFF, s14  }
0x1d: {  	s26 =	simm.s32 $0x128E0;
	s14 =	simm.s32 $0xB;
	s0 =	rddreg [dreg:$0x5]  }
0x1e: {  	[dreg:$0x10] =	wrdreg s1  }
0x1f: {  	s1 =	rddreg [dreg:$0x6]  }
0x20: {  	[tilespmem:s4], [sflag:$0x1] =	stream.linear.gather [hbm4b:s0+s4], $0x7D0, $0x38;
	[tilespmem:$0x1F400] =	vst v63  }
0x21: {  	s0 =	rddreg [dreg:$0x7]  }
0x22: {  	[tilespmem:s16], [sflag:$0x4] =	stream.linear.gather [hbm4b:s1+s4], $0x7D0, $0x38;
	[tilespmem:$0x1F400] =	vst v63  }
0x23: {  	[spmem:s19], [sflag:s5] =	dma.local [hbm:s0], $0x4E2  }
0x24: {  	_ =	swait.ge [sflag:s7], $0x4E2  }
0x25: {  	[sflag:s7] =	ssyncset.done $0x0  }
0x26: {  	s1 =	rddreg [dreg:$0x8];
	[sflag:s7] =	ssyncadd.s32 $0xFFFFFB1E  }
0x27: {  	[spmem:s8], [sflag:s5] =	dma.local [hbm:s1], $0x4E2  }
0x28: {  	_ =	swait.ge [sflag:s7], $0x4E2  }
0x29: {  	[sflag:s7] =	ssyncset.done $0x0  }
0x2a: {  	[sflag:s7] =	ssyncadd.s32 $0xFFFFFB1E  }
0x2b: {  	[bflag:$0x0] =	sbarrier.arrive $0xFFFF  }
0x2c: {  	_ =	swait.ge [sflag:s23], $0x7D0  }
0x2d: {  	[sflag:s23] =	ssyncset.done $0x0  }
0x2e: {  	[sflag:s23] =	ssyncadd.s32 $0xFFFFF830  }
0x2f: {  	_ =	swait.ge [sflag:s22], $0x7D0  }
0x30: {  	[sflag:s22] =	ssyncset.done $0x0  }
0x31: {  	[sflag:s22] =	ssyncadd.s32 $0xFFFFF830  }
0x32: {  	[tilespmem:s20], [sflag:$0x7] =	stream.indirect.gather [spmem:s3], $0x10, s4, s9, $0xb8;
	[tilespmem:$0x1F400] =	vst v63  }
0x33: {  	_ =	swait.ge [sflag:s21], $0x7D00  }
0x34: {  	[sflag:s21] =	ssyncset.done $0x0  }
0x35: {  	[sflag:s21] =	ssyncadd.s32 $0xFFFF8300  }
0x36: {  	[spmem:s2] =	stream.indirect.scatter.add.f32 [tilespmem:s20], [sflag:$0xA], $0x10, s16, s9, $0xb8;
	[tilespmem:$0x1F400] =	vst v63  }
0x37: {  	s0 =	rddreg [dreg:$0x9]  }
0x38: {  	[tilespmem:s9], [sflag:$0x2] =	stream.linear.gather [hbm4b:s0+s4], $0x7D0, $0x38;
	[tilespmem:$0x1F400] =	vst v63  }
0x39: {  	s1 =	rddreg [dreg:$0xa]  }
0x3a: {  	[tilespmem:s11], [sflag:$0x5] =	stream.linear.gather [hbm4b:s1+s4], $0x7D0, $0x38;
	[tilespmem:$0x1F400] =	vst v63  }
0x3b: {  	_ =	swait.ge [sflag:s18], $0x7D0  }
0x3c: {  	[sflag:s18] =	ssyncset.done $0x0  }
0x3d: {  	[sflag:s18] =	ssyncadd.s32 $0xFFFFF830  }
0x3e: {  	_ =	swait.ge [sflag:s15], $0x7D0  }
0x3f: {  	[sflag:s15] =	ssyncset.done $0x0  }
0x40: {  	[sflag:s15] =	ssyncadd.s32 $0xFFFFF830  }
0x41: {  	[tilespmem:s12], [sflag:$0x8] =	stream.indirect.gather [spmem:s3], $0x10, s9, s9, $0xb8;
	[tilespmem:$0x1F400] =	vst v63  }
0x42: {  	_ =	swait.ge [sflag:s13], $0x7D00  }
0x43: {  	[sflag:s13] =	ssyncset.done $0x0  }
0x44: {  	[sflag:s13] =	ssyncadd.s32 $0xFFFF8300  }
0x45: {  	[spmem:s2] =	stream.indirect.scatter.add.f32 [tilespmem:s12], [sflag:$0xB], $0x10, s11, s9, $0xb8;
	[tilespmem:$0x1F400] =	vst v63  }
0x46: {  	s0 =	rddreg [dreg:$0xb]  }
0x47: {  	[tilespmem:s24], [sflag:$0x3] =	stream.linear.gather [hbm4b:s0+s4], $0x7D0, $0x38;
	[tilespmem:$0x1F400] =	vst v63  }
0x48: {  	s1 =	rddreg [dreg:$0xc]  }
0x49: {  	[tilespmem:s25], [sflag:$0x6] =	stream.linear.gather [hbm4b:s1+s4], $0x7D0, $0x38;
	[tilespmem:$0x1F400] =	vst v63  }
0x4a: {  	_ =	swait.ge [sflag:s30], $0x7D0  }
0x4b: {  	[sflag:s30] =	ssyncset.done $0x0  }
0x4c: {  	[sflag:s30] =	ssyncadd.s32 $0xFFFFF830  }
0x4d: {  	_ =	swait.ge [sflag:s31], $0x7D0  }
0x4e: {  	[sflag:s31] =	ssyncset.done $0x0  }
0x4f: {  	[sflag:s31] =	ssyncadd.s32 $0xFFFFF830  }
0x50: {  	[tilespmem:s26], [sflag:$0x9] =	stream.indirect.gather [spmem:s3], $0x10, s24, s9, $0xb8;
	[tilespmem:$0x1F400] =	vst v63  }
0x51: {  	_ =	swait.ge [sflag:s29], $0x7D00  }
0x52: {  	[sflag:s29] =	ssyncset.done $0x0  }
0x53: {  	[sflag:s29] =	ssyncadd.s32 $0xFFFF8300  }
0x54: {  	[spmem:s2] =	stream.indirect.scatter.add.f32 [tilespmem:s26], [sflag:$0xC], $0x10, s25, s9, $0xb8;
	[tilespmem:$0x1F400] =	vst v63  }
0x55: {  	_ =	swait.ge [sflag:s17], $0x7D00  }
0x56: {  	[sflag:s17] =	ssyncset.done $0x0  }
0x57: {  	s24 =	rddreg [dreg:$0xd];
	[sflag:s17] =	ssyncadd.s32 $0xFFFF8300  }
0x58: {  	[tilespmem:s4], [sflag:$0x1] =	stream.linear.gather [hbm4b:s24+s4], $0x7D0, $0x38;
	[tilespmem:$0x1F400] =	vst v63  }
0x59: {  	s26 =	rddreg [dreg:$0xe]  }
0x5a: {  	[tilespmem:s16], [sflag:$0x4] =	stream.linear.gather [hbm4b:s26+s4], $0x7D0, $0x38;
	[tilespmem:$0x1F400] =	vst v63  }
0x5b: {  	_ =	swait.ge [sflag:s23], $0x7D0  }
0x5c: {  	[sflag:s23] =	ssyncset.done $0x0  }
0x5d: {  	[sflag:s23] =	ssyncadd.s32 $0xFFFFF830  }
0x5e: {  	_ =	swait.ge [sflag:s22], $0x7D0  }
0x5f: {  	[sflag:s22] =	ssyncset.done $0x0  }
0x60: {  	[sflag:s22] =	ssyncadd.s32 $0xFFFFF830  }
0x61: {  	[tilespmem:s20], [sflag:$0x7] =	stream.indirect.gather [spmem:s3], $0x10, s4, s9, $0xb8;
	[tilespmem:$0x1F400] =	vst v63  }
0x62: {  	_ =	swait.ge [sflag:s21], $0x7D00  }
0x63: {  	[sflag:s21] =	ssyncset.done $0x0  }
0x64: {  	[sflag:s21] =	ssyncadd.s32 $0xFFFF8300  }
0x65: {  	[spmem:s2] =	stream.indirect.scatter.add.f32 [tilespmem:s20], [sflag:$0xA], $0x10, s16, s9, $0xb8;
	[tilespmem:$0x1F400] =	vst v63  }
0x66: {  	_ =	swait.ge [sflag:s14], $0x7D00  }
0x67: {  	[sflag:s14] =	ssyncset.done $0x0  }
0x68: {  	s24 =	rddreg [dreg:$0xf];
	[sflag:s14] =	ssyncadd.s32 $0xFFFF8300  }
0x69: {  	[tilespmem:s9], [sflag:$0x2] =	stream.linear.gather [hbm4b:s24+s4], $0x7D0, $0x38;
	[tilespmem:$0x1F400] =	vst v63  }
0x6a: {  	_ = 	snop  }
0x6b: {  	[tilespmem:s11], [sflag:$0x5] =	stream.linear.gather [hbm4b:s10+s4], $0x7D0, $0x38;
	[tilespmem:$0x1F400] =	vst v63  }
0x6c: {  	_ =	swait.ge [sflag:s18], $0x7D0  }
0x6d: {  	[sflag:s18] =	ssyncset.done $0x0  }
0x6e: {  	[sflag:s18] =	ssyncadd.s32 $0xFFFFF830  }
0x6f: {  	_ =	swait.ge [sflag:s15], $0x7D0  }
0x70: {  	[sflag:s15] =	ssyncset.done $0x0  }
0x71: {  	[sflag:s15] =	ssyncadd.s32 $0xFFFFF830  }
0x72: {  	[tilespmem:s12], [sflag:$0x8] =	stream.indirect.gather [spmem:s3], $0x10, s9, s9, $0xb8;
	[tilespmem:$0x1F400] =	vst v63  }
0x73: {  	_ =	swait.ge [sflag:s13], $0x7D00  }
0x74: {  	[sflag:s13] =	ssyncset.done $0x0  }
0x75: {  	[sflag:s13] =	ssyncadd.s32 $0xFFFF8300  }
0x76: {  	[spmem:s2] =	stream.indirect.scatter.add.f32 [tilespmem:s12], [sflag:$0xB], $0x10, s11, s9, $0xb8;
	[tilespmem:$0x1F400] =	vst v63  }
0x77: {  	_ =	swait.ge [sflag:s28], $0x7D00  }
0x78: {  	[sflag:s28] =	ssyncset.done $0x0  }
0x79: {  	[sflag:s28] =	ssyncadd.s32 $0xFFFF8300  }
0x7a: {  	_ =	swait.ge [sflag:s17], $0x7D00  }
0x7b: {  	[sflag:s17] =	ssyncset.done $0x0  }
0x7c: {  	[sflag:s17] =	ssyncadd.s32 $0xFFFF8300  }
0x7d: {  	_ =	swait.ge [sflag:s14], $0x7D00  }
0x7e: {  	[sflag:s14] =	ssyncset.done $0x0  }
0x7f: {  	[sflag:s14] =	ssyncadd.s32 $0xFFFF8300  }
0x80: {  	[bflag:$0x0] =	sbarrier.arrive $0xFFFF  }
0x81: {  	[hbm:s6], [sflag:s5] =	dma.local [spmem:s8], $0x4E2  }
0x82: {  	s26 =	rddreg [dreg:$0x10]  }
0x83: {  	p1 =	sne.s32 s26, $0x1  }
.Ltmp1:
0x84: {  	_ = 	snop;
	(pc) =	sbr.rel @!p1 .LBB2_2-.Ltmp1, $4  }
0x85: {  	p0 =	por $0x1, $0x1  }
0x86: {  	s30 =	simm.s32 $0x3;
	s31 =	simm.s32 $0x6;
	s29 =	simm.s32 $0x9  }
0x87: {  	s28 =	simm.s32 $0xC;
	_ =	swait.ge [sflag:s7], $0x4E2;
	s1 =	sadd.s32 $0xFFFFFFFF, s26  }
0x88: {  	s0 =	rddreg [dreg:$0x5];
	[sflag:s7] =	ssyncset.done $0x0;
	s26 =	simm.s32 $0xFA0  }
.LBB2_3:
0x89: {  	s24 =	smov.u32 s6;
	s6 =	rddreg [dreg:$0x7];
	[sflag:s7] =	ssyncadd.s32 $0xFFFFFB1E  }
0x8a: {  	[tilespmem:s4], [sflag:$0x1] =	stream.linear.gather [hbm4b:s0+s4], $0x7D0, $0x38;
	[tilespmem:$0x1F400] =	vst v63  }
0x8b: {  	s25 =	smov.u32 s10;
	s10 =	rddreg [dreg:$0x6]  }
0x8c: {  	[tilespmem:s16], [sflag:$0x4] =	stream.linear.gather [hbm4b:s10+s4], $0x7D0, $0x38;
	[tilespmem:$0x1F400] =	vst v63  }
0x8d: {  	[spmem:s19], [sflag:s5] =	dma.local [hbm:s6], $0x4E2  }
0x8e: {  	_ =	swait.ge [sflag:s7], $0x4E2  }
0x8f: {  	[sflag:s7] =	ssyncset.done $0x0  }
0x90: {  	s6 =	rddreg [dreg:$0x8];
	[sflag:s7] =	ssyncadd.s32 $0xFFFFFB1E  }
0x91: {  	[spmem:s8], [sflag:s5] =	dma.local [hbm:s6], $0x4E2  }
0x92: {  	_ =	swait.ge [sflag:s7], $0x4E2  }
0x93: {  	[sflag:s7] =	ssyncset.done $0x0  }
0x94: {  	[sflag:s7] =	ssyncadd.s32 $0xFFFFFB1E  }
0x95: {  	[bflag:$0x0] =	sbarrier.arrive $0xFFFF  }
0x96: {  	_ =	swait.ge [sflag:s23], $0x7D0  }
0x97: {  	[sflag:s23] =	ssyncset.done $0x0  }
0x98: {  	[sflag:s23] =	ssyncadd.s32 $0xFFFFF830  }
0x99: {  	_ =	swait.ge [sflag:s22], $0x7D0  }
0x9a: {  	[sflag:s22] =	ssyncset.done $0x0  }
0x9b: {  	[sflag:s22] =	ssyncadd.s32 $0xFFFFF830  }
0x9c: {  	[tilespmem:s20], [sflag:$0x7] =	stream.indirect.gather [spmem:s3], $0x10, s4, s9, $0xb8;
	[tilespmem:$0x1F400] =	vst v63  }
0x9d: {  	_ =	swait.ge [sflag:s21], $0x7D00  }
0x9e: {  	[sflag:s21] =	ssyncset.done $0x0  }
0x9f: {  	[sflag:s21] =	ssyncadd.s32 $0xFFFF8300  }
0xa0: {  	[spmem:s2] =	stream.indirect.scatter.add.f32 [tilespmem:s20], [sflag:$0xA], $0x10, s16, s9, $0xb8;
	[tilespmem:$0x1F400] =	vst v63  }
0xa1: {  	s0 =	rddreg [dreg:$0x9]  }
0xa2: {  	[tilespmem:s9], [sflag:$0x2] =	stream.linear.gather [hbm4b:s0+s4], $0x7D0, $0x38;
	[tilespmem:$0x1F400] =	vst v63  }
0xa3: {  	s6 =	rddreg [dreg:$0xa]  }
0xa4: {  	[tilespmem:s11], [sflag:$0x5] =	stream.linear.gather [hbm4b:s6+s4], $0x7D0, $0x38;
	[tilespmem:$0x1F400] =	vst v63  }
0xa5: {  	_ =	swait.ge [sflag:s18], $0x7D0  }
0xa6: {  	[sflag:s18] =	ssyncset.done $0x0  }
0xa7: {  	[sflag:s18] =	ssyncadd.s32 $0xFFFFF830  }
0xa8: {  	_ =	swait.ge [sflag:s15], $0x7D0  }
0xa9: {  	[sflag:s15] =	ssyncset.done $0x0  }
0xaa: {  	[sflag:s15] =	ssyncadd.s32 $0xFFFFF830  }
0xab: {  	[tilespmem:s12], [sflag:$0x8] =	stream.indirect.gather [spmem:s3], $0x10, s9, s9, $0xb8;
	[tilespmem:$0x1F400] =	vst v63  }
0xac: {  	_ =	swait.ge [sflag:s13], $0x7D00  }
0xad: {  	[sflag:s13] =	ssyncset.done $0x0  }
0xae: {  	[sflag:s13] =	ssyncadd.s32 $0xFFFF8300  }
0xaf: {  	[spmem:s2] =	stream.indirect.scatter.add.f32 [tilespmem:s12], [sflag:$0xB], $0x10, s11, s9, $0xb8;
	[tilespmem:$0x1F400] =	vst v63  }
0xb0: {  	s0 =	rddreg [dreg:$0xb]  }
0xb1: {  	[tilespmem:s26], [sflag:$0x3] =	stream.linear.gather [hbm4b:s0+s4], $0x7D0, $0x38;
	[tilespmem:$0x1F400] =	vst v63  }
0xb2: {  	s10 =	smov.u32 s25;
	s25 =	simm.s32 $0x2710;
	s6 =	rddreg [dreg:$0xc]  }
0xb3: {  	[tilespmem:s25], [sflag:$0x6] =	stream.linear.gather [hbm4b:s6+s4], $0x7D0, $0x38;
	[tilespmem:$0x1F400] =	vst v63  }
0xb4: {  	_ =	swait.ge [sflag:s30], $0x7D0  }
0xb5: {  	[sflag:s30] =	ssyncset.done $0x0  }
0xb6: {  	[sflag:s30] =	ssyncadd.s32 $0xFFFFF830  }
0xb7: {  	_ =	swait.ge [sflag:s31], $0x7D0  }
0xb8: {  	[sflag:s31] =	ssyncset.done $0x0  }
0xb9: {  	s6 =	simm.s32 $0x128E0;
	[sflag:s31] =	ssyncadd.s32 $0xFFFFF830  }
0xba: {  	[tilespmem:s6], [sflag:$0x9] =	stream.indirect.gather [spmem:s3], $0x10, s26, s9, $0xb8;
	[tilespmem:$0x1F400] =	vst v63  }
0xbb: {  	_ =	swait.ge [sflag:s29], $0x7D00  }
0xbc: {  	[sflag:s29] =	ssyncset.done $0x0  }
0xbd: {  	[sflag:s29] =	ssyncadd.s32 $0xFFFF8300  }
0xbe: {  	[spmem:s2] =	stream.indirect.scatter.add.f32 [tilespmem:s6], [sflag:$0xC], $0x10, s25, s9, $0xb8;
	[tilespmem:$0x1F400] =	vst v63  }
0xbf: {  	_ =	swait.ge [sflag:s17], $0x7D00  }
0xc0: {  	[sflag:s17] =	ssyncset.done $0x0  }
0xc1: {  	s0 =	rddreg [dreg:$0xd];
	[sflag:s17] =	ssyncadd.s32 $0xFFFF8300  }
0xc2: {  	[tilespmem:s4], [sflag:$0x1] =	stream.linear.gather [hbm4b:s0+s4], $0x7D0, $0x38;
	[tilespmem:$0x1F400] =	vst v63  }
0xc3: {  	s6 =	rddreg [dreg:$0xe]  }
0xc4: {  	[tilespmem:s16], [sflag:$0x4] =	stream.linear.gather [hbm4b:s6+s4], $0x7D0, $0x38;
	[tilespmem:$0x1F400] =	vst v63  }
0xc5: {  	_ =	swait.ge [sflag:s23], $0x7D0  }
0xc6: {  	[sflag:s23] =	ssyncset.done $0x0  }
0xc7: {  	[sflag:s23] =	ssyncadd.s32 $0xFFFFF830  }
0xc8: {  	_ =	swait.ge [sflag:s22], $0x7D0  }
0xc9: {  	[sflag:s22] =	ssyncset.done $0x0  }
0xca: {  	[sflag:s22] =	ssyncadd.s32 $0xFFFFF830  }
0xcb: {  	[tilespmem:s20], [sflag:$0x7] =	stream.indirect.gather [spmem:s3], $0x10, s4, s9, $0xb8;
	[tilespmem:$0x1F400] =	vst v63  }
0xcc: {  	_ =	swait.ge [sflag:s21], $0x7D00  }
0xcd: {  	[sflag:s21] =	ssyncset.done $0x0  }
0xce: {  	[sflag:s21] =	ssyncadd.s32 $0xFFFF8300  }
0xcf: {  	[spmem:s2] =	stream.indirect.scatter.add.f32 [tilespmem:s20], [sflag:$0xA], $0x10, s16, s9, $0xb8;
	[tilespmem:$0x1F400] =	vst v63  }
0xd0: {  	_ =	swait.ge [sflag:s14], $0x7D00  }
0xd1: {  	[sflag:s14] =	ssyncset.done $0x0  }
0xd2: {  	s0 =	rddreg [dreg:$0xf];
	[sflag:s14] =	ssyncadd.s32 $0xFFFF8300  }
0xd3: {  	[tilespmem:s9], [sflag:$0x2] =	stream.linear.gather [hbm4b:s0+s4], $0x7D0, $0x38;
	[tilespmem:$0x1F400] =	vst v63  }
0xd4: {  	_ = 	snop  }
0xd5: {  	[tilespmem:s11], [sflag:$0x5] =	stream.linear.gather [hbm4b:s10+s4], $0x7D0, $0x38;
	[tilespmem:$0x1F400] =	vst v63  }
0xd6: {  	_ =	swait.ge [sflag:s18], $0x7D0  }
0xd7: {  	[sflag:s18] =	ssyncset.done $0x0  }
0xd8: {  	[sflag:s18] =	ssyncadd.s32 $0xFFFFF830  }
0xd9: {  	_ =	swait.ge [sflag:s15], $0x7D0  }
0xda: {  	[sflag:s15] =	ssyncset.done $0x0  }
0xdb: {  	[sflag:s15] =	ssyncadd.s32 $0xFFFFF830  }
0xdc: {  	[tilespmem:s12], [sflag:$0x8] =	stream.indirect.gather [spmem:s3], $0x10, s9, s9, $0xb8;
	[tilespmem:$0x1F400] =	vst v63  }
0xdd: {  	_ =	swait.ge [sflag:s13], $0x7D00  }
0xde: {  	[sflag:s13] =	ssyncset.done $0x0  }
0xdf: {  	[sflag:s13] =	ssyncadd.s32 $0xFFFF8300  }
0xe0: {  	[spmem:s2] =	stream.indirect.scatter.add.f32 [tilespmem:s12], [sflag:$0xB], $0x10, s11, s9, $0xb8;
	[tilespmem:$0x1F400] =	vst v63  }
0xe1: {  	_ =	swait.ge [sflag:s28], $0x7D00  }
0xe2: {  	[sflag:s28] =	ssyncset.done $0x0  }
0xe3: {  	[sflag:s28] =	ssyncadd.s32 $0xFFFF8300  }
0xe4: {  	_ =	swait.ge [sflag:s17], $0x7D00  }
0xe5: {  	[sflag:s17] =	ssyncset.done $0x0  }
0xe6: {  	[sflag:s17] =	ssyncadd.s32 $0xFFFF8300  }
0xe7: {  	_ =	swait.ge [sflag:s14], $0x7D00  }
0xe8: {  	p1 =	sne.s32 s1, $0x1;
	[sflag:s14] =	ssyncset.done $0x0  }
.Ltmp2:
0xe9: {  	[sflag:s14] =	ssyncadd.s32 $0xFFFF8300;
	(pc) =	sbr.rel @p1 .LBB2_3-.Ltmp2, $4  }
0xea: {  	[bflag:$0x0] =	sbarrier.arrive $0xFFFF  }
0xeb: {  	[hbm:s24], [sflag:s5] =	dma.local [spmem:s8], $0x4E2  }
0xec: {  	s1 =	sadd.s32 $0xFFFFFFFF, s1;
	_ =	swait.ge [sflag:s7], $0x4E2  }
0xed: {  	s6 =	smov.u32 s24;
	s0 =	rddreg [dreg:$0x5];
	[sflag:s7] =	ssyncset.done $0x0  }
0xee: {  	s24 =	simm.s32 $0xFA0;
	s26 =	simm.s32 $0x128E0;
	s28 =	simm.s32 $0xC  }
0xef: {  	s29 =	simm.s32 $0x9;
	s30 =	simm.s32 $0x3;
	s31 =	simm.s32 $0x6  }
.LBB2_5:
0xf0: {  	[sflag:s7] =	ssyncadd.s32 @p0 $0xFFFFFB1E;
	s1 =	rddreg [dreg:$0x7]  }
0xf1: {  	[tilespmem:s4], [sflag:$0x1] =	stream.linear.gather [hbm4b:s0+s4], $0x7D0, $0x38;
	[tilespmem:$0x1F400] =	vst v63  }
0xf2: {  	s0 =	rddreg [dreg:$0x6]  }
0xf3: {  	[tilespmem:s16], [sflag:$0x4] =	stream.linear.gather [hbm4b:s0+s4], $0x7D0, $0x38;
	[tilespmem:$0x1F400] =	vst v63  }
0xf4: {  	[spmem:s19], [sflag:s5] =	dma.local [hbm:s1], $0x4E2  }
0xf5: {  	_ =	swait.ge [sflag:s7], $0x4E2  }
0xf6: {  	[sflag:s7] =	ssyncset.done $0x0  }
0xf7: {  	s19 =	rddreg [dreg:$0x8];
	[sflag:s7] =	ssyncadd.s32 $0xFFFFFB1E  }
0xf8: {  	[spmem:s8], [sflag:s5] =	dma.local [hbm:s19], $0x4E2  }
0xf9: {  	_ =	swait.ge [sflag:s7], $0x4E2  }
0xfa: {  	[sflag:s7] =	ssyncset.done $0x0  }
0xfb: {  	[sflag:s7] =	ssyncadd.s32 $0xFFFFFB1E  }
0xfc: {  	[bflag:$0x0] =	sbarrier.arrive $0xFFFF  }
0xfd: {  	_ =	swait.ge [sflag:s23], $0x7D0  }
0xfe: {  	[sflag:s23] =	ssyncset.done $0x0  }
0xff: {  	[sflag:s23] =	ssyncadd.s32 $0xFFFFF830  }
0x100: {  	_ =	swait.ge [sflag:s22], $0x7D0  }
0x101: {  	[sflag:s22] =	ssyncset.done $0x0  }
0x102: {  	[sflag:s22] =	ssyncadd.s32 $0xFFFFF830  }
0x103: {  	[tilespmem:s20], [sflag:$0x7] =	stream.indirect.gather [spmem:s3], $0x10, s4, s9, $0xb8;
	[tilespmem:$0x1F400] =	vst v63  }
0x104: {  	_ =	swait.ge [sflag:s21], $0x7D00  }
0x105: {  	[sflag:s21] =	ssyncset.done $0x0  }
0x106: {  	[sflag:s21] =	ssyncadd.s32 $0xFFFF8300  }
0x107: {  	[spmem:s2] =	stream.indirect.scatter.add.f32 [tilespmem:s20], [sflag:$0xA], $0x10, s16, s9, $0xb8;
	[tilespmem:$0x1F400] =	vst v63  }
0x108: {  	s1 =	rddreg [dreg:$0x9]  }
0x109: {  	[tilespmem:s9], [sflag:$0x2] =	stream.linear.gather [hbm4b:s1+s4], $0x7D0, $0x38;
	[tilespmem:$0x1F400] =	vst v63  }
0x10a: {  	s19 =	rddreg [dreg:$0xa]  }
0x10b: {  	[tilespmem:s11], [sflag:$0x5] =	stream.linear.gather [hbm4b:s19+s4], $0x7D0, $0x38;
	[tilespmem:$0x1F400] =	vst v63  }
0x10c: {  	_ =	swait.ge [sflag:s18], $0x7D0  }
0x10d: {  	[sflag:s18] =	ssyncset.done $0x0  }
0x10e: {  	[sflag:s18] =	ssyncadd.s32 $0xFFFFF830  }
0x10f: {  	_ =	swait.ge [sflag:s15], $0x7D0  }
0x110: {  	[sflag:s15] =	ssyncset.done $0x0  }
0x111: {  	[sflag:s15] =	ssyncadd.s32 $0xFFFFF830  }
0x112: {  	[tilespmem:s12], [sflag:$0x8] =	stream.indirect.gather [spmem:s3], $0x10, s9, s9, $0xb8;
	[tilespmem:$0x1F400] =	vst v63  }
0x113: {  	_ =	swait.ge [sflag:s13], $0x7D00  }
0x114: {  	[sflag:s13] =	ssyncset.done $0x0  }
0x115: {  	[sflag:s13] =	ssyncadd.s32 $0xFFFF8300  }
0x116: {  	[spmem:s2] =	stream.indirect.scatter.add.f32 [tilespmem:s12], [sflag:$0xB], $0x10, s11, s9, $0xb8;
	[tilespmem:$0x1F400] =	vst v63  }
0x117: {  	s1 =	rddreg [dreg:$0xb]  }
0x118: {  	[tilespmem:s24], [sflag:$0x3] =	stream.linear.gather [hbm4b:s1+s4], $0x7D0, $0x38;
	[tilespmem:$0x1F400] =	vst v63  }
0x119: {  	s19 =	rddreg [dreg:$0xc]  }
0x11a: {  	[tilespmem:s25], [sflag:$0x6] =	stream.linear.gather [hbm4b:s19+s4], $0x7D0, $0x38;
	[tilespmem:$0x1F400] =	vst v63  }
0x11b: {  	_ =	swait.ge [sflag:s30], $0x7D0  }
0x11c: {  	[sflag:s30] =	ssyncset.done $0x0  }
0x11d: {  	[sflag:s30] =	ssyncadd.s32 $0xFFFFF830  }
0x11e: {  	_ =	swait.ge [sflag:s31], $0x7D0  }
0x11f: {  	[sflag:s31] =	ssyncset.done $0x0  }
0x120: {  	[sflag:s31] =	ssyncadd.s32 $0xFFFFF830  }
0x121: {  	[tilespmem:s26], [sflag:$0x9] =	stream.indirect.gather [spmem:s3], $0x10, s24, s9, $0xb8;
	[tilespmem:$0x1F400] =	vst v63  }
0x122: {  	_ =	swait.ge [sflag:s29], $0x7D00  }
0x123: {  	[sflag:s29] =	ssyncset.done $0x0  }
0x124: {  	[sflag:s29] =	ssyncadd.s32 $0xFFFF8300  }
0x125: {  	[spmem:s2] =	stream.indirect.scatter.add.f32 [tilespmem:s26], [sflag:$0xC], $0x10, s25, s9, $0xb8;
	[tilespmem:$0x1F400] =	vst v63  }
0x126: {  	_ =	swait.ge [sflag:s17], $0x7D00  }
0x127: {  	[sflag:s17] =	ssyncset.done $0x0  }
0x128: {  	s26 =	rddreg [dreg:$0xd];
	[sflag:s17] =	ssyncadd.s32 $0xFFFF8300  }
0x129: {  	[tilespmem:s4], [sflag:$0x1] =	stream.linear.gather [hbm4b:s26+s4], $0x7D0, $0x38;
	[tilespmem:$0x1F400] =	vst v63  }
0x12a: {  	s29 =	rddreg [dreg:$0xe]  }
0x12b: {  	[tilespmem:s16], [sflag:$0x4] =	stream.linear.gather [hbm4b:s29+s4], $0x7D0, $0x38;
	[tilespmem:$0x1F400] =	vst v63  }
0x12c: {  	_ =	swait.ge [sflag:s23], $0x7D0  }
0x12d: {  	[sflag:s23] =	ssyncset.done $0x0  }
0x12e: {  	[sflag:s23] =	ssyncadd.s32 $0xFFFFF830  }
0x12f: {  	_ =	swait.ge [sflag:s22], $0x7D0  }
0x130: {  	[sflag:s22] =	ssyncset.done $0x0  }
0x131: {  	[sflag:s22] =	ssyncadd.s32 $0xFFFFF830  }
0x132: {  	[tilespmem:s20], [sflag:$0x7] =	stream.indirect.gather [spmem:s3], $0x10, s4, s9, $0xb8;
	[tilespmem:$0x1F400] =	vst v63  }
0x133: {  	_ =	swait.ge [sflag:s21], $0x7D00  }
0x134: {  	[sflag:s21] =	ssyncset.done $0x0  }
0x135: {  	[sflag:s21] =	ssyncadd.s32 $0xFFFF8300  }
0x136: {  	[spmem:s2] =	stream.indirect.scatter.add.f32 [tilespmem:s20], [sflag:$0xA], $0x10, s16, s9, $0xb8;
	[tilespmem:$0x1F400] =	vst v63  }
0x137: {  	_ =	swait.ge [sflag:s14], $0x7D00  }
0x138: {  	[sflag:s14] =	ssyncset.done $0x0  }
0x139: {  	s30 =	rddreg [dreg:$0xf];
	[sflag:s14] =	ssyncadd.s32 $0xFFFF8300  }
0x13a: {  	[tilespmem:s9], [sflag:$0x2] =	stream.linear.gather [hbm4b:s30+s4], $0x7D0, $0x38;
	[tilespmem:$0x1F400] =	vst v63  }
0x13b: {  	_ = 	snop  }
0x13c: {  	[tilespmem:s11], [sflag:$0x5] =	stream.linear.gather [hbm4b:s10+s4], $0x7D0, $0x38;
	[tilespmem:$0x1F400] =	vst v63  }
0x13d: {  	_ =	swait.ge [sflag:s18], $0x7D0  }
0x13e: {  	[sflag:s18] =	ssyncset.done $0x0  }
0x13f: {  	[sflag:s18] =	ssyncadd.s32 $0xFFFFF830  }
0x140: {  	_ =	swait.ge [sflag:s15], $0x7D0  }
0x141: {  	[sflag:s15] =	ssyncset.done $0x0  }
0x142: {  	[sflag:s15] =	ssyncadd.s32 $0xFFFFF830  }
0x143: {  	[tilespmem:s12], [sflag:$0x8] =	stream.indirect.gather [spmem:s3], $0x10, s9, s9, $0xb8;
	[tilespmem:$0x1F400] =	vst v63  }
0x144: {  	_ =	swait.ge [sflag:s13], $0x7D00  }
0x145: {  	[sflag:s13] =	ssyncset.done $0x0  }
0x146: {  	[sflag:s13] =	ssyncadd.s32 $0xFFFF8300  }
0x147: {  	[spmem:s2] =	stream.indirect.scatter.add.f32 [tilespmem:s12], [sflag:$0xB], $0x10, s11, s9, $0xb8;
	[tilespmem:$0x1F400] =	vst v63  }
0x148: {  	_ =	swait.ge [sflag:s28], $0x7D00  }
0x149: {  	[sflag:s28] =	ssyncset.done $0x0  }
0x14a: {  	[sflag:s28] =	ssyncadd.s32 $0xFFFF8300  }
0x14b: {  	_ =	swait.ge [sflag:s17], $0x7D00  }
0x14c: {  	[sflag:s17] =	ssyncset.done $0x0  }
0x14d: {  	[sflag:s17] =	ssyncadd.s32 $0xFFFF8300  }
0x14e: {  	_ =	swait.ge [sflag:s14], $0x7D00  }
0x14f: {  	[sflag:s14] =	ssyncset.done $0x0  }
0x150: {  	[sflag:s14] =	ssyncadd.s32 $0xFFFF8300  }
0x151: {  	[bflag:$0x0] =	sbarrier.arrive $0xFFFF  }
0x152: {  	[hbm:s6], [sflag:s5] =	dma.local [spmem:s8], $0x4E2  }
0x153: {  	_ =	swait.ge [sflag:s7], $0x4E2  }
0x154: {  	[sflag:s7] =	ssyncset.done $0x0  }
0x155: {  	[sflag:s7] =	ssyncadd.s32 $0xFFFFFB1E  }
0x156: {  	_ =	sfence.sel $0x180000  }
0x157: {  	[bflag:$0x0] =	sbarrier.arrive $0xFFFF  }
0x158: {  	_ =	strace $0x9000004A  }
0x159: {  	s31 =	stileid.u32;
	[bflag:$0x2] =	sbarrier.arrive $0xFFFF  }
0x15a: {  	p0 =	sne.s32 s31, $0x0;
	s0 =	rddreg [dreg:$0x4]  }
0x15b: {  	s0 =	sadd.s32 @!p0 $0x100000, s0  }
0x15c: {  	[sflag:s0] =	ssyncadd.tile.s32 @!p0 $0x1;
	_ =	shalt  }
.LBB2_2:
.Ltmp3:
0x15d: {  	(pc) =	sbr.rel .LBB2_5-.Ltmp3, $3  }
0x15e: {  	_ =	sdelay $0x1  }
0x15f: {  	s24 =	simm.s32 $0xFA0;
	s26 =	simm.s32 $0x128E0;
	s28 =	simm.s32 $0xC  }
0x160: {  	s29 =	simm.s32 $0x9;
	s30 =	simm.s32 $0x3;
	s31 =	simm.s32 $0x6  }
.Lfunc_end2:
_tile_overlayer_lowered:
.L_overlay_start_2:
0x161: {  	(tag) =	ssettag $0x2  }
0x162: {  	s0 =	rddreg [dreg:$0x0];
	s2 =	stileid.u32  }
0x163: {  	s1 =	rddreg [dreg:$0x1];
	p0 =	sne.s32 s2, $0x0  }
0x164: {  	s3 =	rddreg [dreg:$0x2];
	[bflag:$0x3] =	sbarrier.arrive $0xFFFF;
	s2 =	simm.s32 @!p0 $0x1C0D  }
0x165: {  	[timem:s3], [sflag:s2] =	dma.local @!p0 [hbm:s0], s1  }
0x166: {  	s0 =	simm.s32 @!p0 $0xD  }
0x167: {  	_ =	swait.ge @!p0 [sflag:s0], s1  }
0x168: {  	s1 =	ssub.s32 @!p0 $0x0, s1;
	[sflag:s0] =	ssyncset.done @!p0 $0x0  }
0x169: {  	[sflag:s0] =	ssyncadd.s32 @!p0 s1  }
0x16a: {  	[bflag:$0x3] =	sbarrier.arrive $0xFFFF  }
0x16b: {  	_ =	shalt  }

// kernel: kernel.14.cloned.1.call-start
scs
__scs_entry_jumppad:
0x0: {  	(pc) =	sbr.rel $0x88, $3  }
0x1: {  	(tag) =	ssettag $0x0;
	lr =	simm.s32 $0x1  }
0x2: {  	[smem:$0x3F97] =	sst lr;
	_ =	strace $0xD0000000  }
0x3: {  	_ = 	snop  }
0x4: {  	_ = 	snop  }
0x5: {  	_ = 	snop  }
0x6: {  	_ = 	snop  }
0x7: {  	_ = 	snop  }
__scs_overlays_trampoline_lowered:
0x8: {  	[smem:$0x3FA6] =	sst s0  }
0x9: {  	[smem:$0x3FA7] =	sst s1  }
0xa: {  	[smem:$0x3FA8] =	sst s2  }
0xb: {  	[smem:$0x3FA9] =	sst s3  }
0xc: {  	[smem:$0x3FAA] =	sst s4  }
0xd: {  	[smem:$0x3FAB] =	sst s5  }
0xe: {  	[smem:$0x3FAC] =	sst s6  }
0xf: {  	[smem:$0x3FAD] =	sst s7  }
0x10: {  	[smem:$0x3FAE] =	sst s8  }
0x11: {  	[smem:$0x3FAF] =	sst s9;
	s0 =	simm.s32 @!p0 $0x0  }
0x12: {  	s1 =	sld [smem:$0x3F95];
	s0 =	simm.s32 @p0 $0x1  }
0x13: {  	[smem:$0x3FB0] =	sst s0;
	s0 =	simm.s32 @!p1 $0x0  }
0x14: {  	s2 =	sld [smem:$0x3F94];
	s0 =	simm.s32 @p1 $0x1  }
0x15: {  	[smem:$0x3FB1] =	sst s0;
	s0 =	simm.s32 @!p2 $0x0  }
0x16: {  	s3 =	sld [smem:$0x3FDB];
	s0 =	simm.s32 @p2 $0x1  }
0x17: {  	s4 =	simm.s32 $0x1BF5;
	[smem:$0x3FB3] =	sst s0  }
0x18: {  	s0 =	sld [smem:$0x3F96];
	_ =	swait.ge [sflag:s4], $0x0  }
0x19: {  	s7 =	sld [smem:$0x3F97]  }
0x1a: {  	s8 =	sadd.s32 $0xFFFFE003, lr  }
0x1b: {  	s9 =	sadd.s32 $0xFFFFFEF7, lr;
	s5 =	simm.s32 $0xFFFFFFFF;
	p2 =	slt.u32 s8, $0xFFFFF086  }
0x1c: {  	p1 =	slt.u32 s9, $0xF7A;
	s5 =	simm.s32 @!p2 $0x0  }
0x1d: {  	s5 =	simm.s32 @p1 $0x1;
	p0 =	seq.s32 s7, s2  }
0x1e: {  	s7 =	smul.u32 @!p0 $0xF7A, s2;
	p2 =	seq.s32 @!p0 s5, $0x0  }
0x1f: {  	s9 =	smul.u32 $0xF7A, s1;
	s8 =	simm.s32 @!p0 $0x1BF5;
	p2 =	por !p2, p0  }
0x20: {  	[sflag:s8] =	ssyncset.s32 @!p0 $0xFFFFF086;
	s6 =	sadd.s32 @!p0 s3, s7;
	s7 =	simm.s32 @!p0 $0x108  }
0x21: {  	s3 =	sadd.s32 s3, s9;
	s6 =	sadd.s32 @!p0 $0x88, s6;
	s7 =	simm.s32 @p2 $0x1082  }
0x22: {  	[simem:s7], [sflag:s8] =	dma.local @!p0 [hbm:s6], $0xF7A  }
0x23: {  	s9 =	sor.u32 $0xD0000000, s2;
	s6 =	simm.s32 $0x108;
	_ =	swait.ge @!p0 [sflag:s8], $0x0  }
0x24: {  	s3 =	sadd.s32 $0x88, s3;
	s6 =	simm.s32 @!p1 $0x1082;
	[sflag:s4] =	ssyncset.s32 $0xFFFFF086  }
0x25: {  	[simem:s6], [sflag:s4] =	dma.local [hbm:s3], $0xF7A  }
0x26: {  	[smem:$0x3F97] =	sst s1;
	(tag) =	ssettag s2;
	_ =	strace s9  }
0x27: {  	s1 =	sld [smem:$0x3FA7]  }
0x28: {  	s2 =	sld [smem:$0x3FA8]  }
0x29: {  	s4 =	sld [smem:$0x3FAA]  }
0x2a: {  	p0 =	seq.s32 s5, $0x0;
	s5 =	sld [smem:$0x3FAB]  }
0x2b: {  	s6 =	sld [smem:$0x3FAC]  }
0x2c: {  	s7 =	sld [smem:$0x3FAD]  }
0x2d: {  	s3 =	simm.s32 $0x108;
	s8 =	sld [smem:$0x3FAE]  }
0x2e: {  	s3 =	simm.s32 @!p0 $0x1082;
	s9 =	sld [smem:$0x3FAF]  }
0x2f: {  	lr =	sadd.s32 s0, s3;
	s0 =	sld [smem:$0x3FA6]  }
0x30: {  	s3 =	sld [smem:$0x3FA9]  }
0x31: {  	[smem:$0x3FB2] =	sst s10  }
0x32: {  	s10 =	sld [smem:$0x3FB0];
	_ =	sdelay $0x3  }
0x33: {  	p0 =	seq.s32 s10, $0x1;
	s10 =	sld [smem:$0x3FB2];
	_ =	sdelay $0x3  }
0x34: {  	[smem:$0x3FB2] =	sst s10  }
0x35: {  	s10 =	sld [smem:$0x3FB1];
	_ =	sdelay $0x3  }
0x36: {  	p1 =	seq.s32 s10, $0x1;
	s10 =	sld [smem:$0x3FB2];
	_ =	sdelay $0x3  }
0x37: {  	[smem:$0x3FB2] =	sst s10  }
0x38: {  	s10 =	sld [smem:$0x3FB3]  }
0x39: {  	_ = 	snop;
	(pc) =	sbr.ind lr, $3  }
0x3a: {  	_ = 	snop  }
0x3b: {  	_ = 	snop  }
0x3c: {  	p2 =	seq.s32 s10, $0x1;
	s10 =	sld [smem:$0x3FB2]  }
0x3d: {  	_ =	shalt  }
0x3e: {  	_ =	shalt  }
0x3f: {  	_ =	shalt  }
0x40: {  	_ =	shalt  }
0x41: {  	_ =	shalt  }
0x42: {  	_ =	shalt  }
0x43: {  	_ =	shalt  }
0x44: {  	_ =	shalt  }
0x45: {  	_ =	shalt  }
0x46: {  	_ =	shalt  }
0x47: {  	_ =	shalt  }
0x48: {  	_ =	shalt  }
0x49: {  	_ =	shalt  }
0x4a: {  	_ =	shalt  }
0x4b: {  	_ =	shalt  }
0x4c: {  	_ =	shalt  }
0x4d: {  	_ =	shalt  }
0x4e: {  	_ =	shalt  }
0x4f: {  	_ =	shalt  }
0x50: {  	_ =	shalt  }
0x51: {  	_ =	shalt  }
0x52: {  	_ =	shalt  }
0x53: {  	_ =	shalt  }
0x54: {  	_ =	shalt  }
0x55: {  	_ =	shalt  }
0x56: {  	_ =	shalt  }
0x57: {  	_ =	shalt  }
0x58: {  	_ =	shalt  }
0x59: {  	_ =	shalt  }
0x5a: {  	_ =	shalt  }
0x5b: {  	_ =	shalt  }
0x5c: {  	_ =	shalt  }
0x5d: {  	_ =	shalt  }
0x5e: {  	_ =	shalt  }
0x5f: {  	_ =	shalt  }
0x60: {  	_ =	shalt  }
0x61: {  	_ =	shalt  }
0x62: {  	_ =	shalt  }
0x63: {  	_ =	shalt  }
0x64: {  	_ =	shalt  }
0x65: {  	_ =	shalt  }
0x66: {  	_ =	shalt  }
0x67: {  	_ =	shalt  }
0x68: {  	_ =	shalt  }
0x69: {  	_ =	shalt  }
0x6a: {  	_ =	shalt  }
0x6b: {  	_ =	shalt  }
0x6c: {  	_ =	shalt  }
0x6d: {  	_ =	shalt  }
0x6e: {  	_ =	shalt  }
0x6f: {  	_ =	shalt  }
0x70: {  	_ =	shalt  }
0x71: {  	_ =	shalt  }
0x72: {  	_ =	shalt  }
0x73: {  	_ =	shalt  }
0x74: {  	_ =	shalt  }
0x75: {  	_ =	shalt  }
0x76: {  	_ =	shalt  }
0x77: {  	_ =	shalt  }
0x78: {  	_ =	shalt  }
0x79: {  	_ =	shalt  }
0x7a: {  	_ =	shalt  }
0x7b: {  	_ =	shalt  }
0x7c: {  	_ =	shalt  }
0x7d: {  	_ =	shalt  }
0x7e: {  	_ =	shalt  }
0x7f: {  	_ =	shalt  }
0x80: {  	_ =	shalt  }
0x81: {  	_ =	shalt  }
0x82: {  	_ =	shalt  }
0x83: {  	_ =	shalt  }
0x84: {  	_ =	shalt  }
0x85: {  	_ =	shalt  }
0x86: {  	_ =	shalt  }
0x87: {  	_ =	shalt  }
.Lfunc_end0:
.L_simem_size_0:
called_computation.2_lowered:
.L_overlay_start_0:
0x88: {  	s2 =	sld [smem:$0x3FD9]  }
0x89: {  	s3 =	sld [smem:$0x3FFE];
	_ =	sdelay $0x1  }
0x8a: {  	s1 =	srdreg.scid  }
0x8b: {  	s0 =	sand.u32 $0x1, s1  }
0x8c: {  	s17 =	sshll.u32 s0, $0xA;
	s2 =	sadd.s32 s3, s2  }
0x8d: {  	s2 =	sadd.s32 s2, s17  }
0x8e: {  	[smem:$0x3FBE] =	sst s2  }
0x8f: {  	_ = 	snop  }
0x90: {  	s2 =	sld [smem:$0x3FD0];
	(tm) =	ssettm $0x1  }
0x91: {  	s18 =	sld [smem:$0x3FFB];
	_ =	sdelay $0x3  }
0x92: {  	_ =	strace s18  }
0x93: {  	s3 =	sld [smem:$0x3FFC];
	_ =	sdelay $0x3  }
0x94: {  	_ =	strace s3  }
0x95: {  	s3 =	sld [smem:$0x3FFD];
	_ =	sdelay $0x3  }
0x96: {  	_ =	strace s3  }
0x97: {  	_ =	strace $0x8FFFFFFF  }
0x98: {  	s19 =	sld [smem:$0x3FDB];
	_ =	sdelay $0x1  }
0x99: {  	s4 =	simm.s32 $_scs_section_size  }
0x9a: {  	s5 =	simm.s32 $_size__tile_overlayer_lowered;
	s6 =	simm.s32 $_tile_overlayer_lowered  }
0x9b: {  	s22 =	simm.s32 $0x1BFF;
	s21 =	sshll.u32 s6, $0x1;
	s3 =	sadd.s32 s4, s19  }
0x9c: {  	s7 =	simm.s32 $0x0;
	s20 =	sshll.u32 s5, $0x1;
	s5 =	sadd.s32 s21, s3  }
0x9d: {  	[timem:s7], [sflag:s22] =	dma.local [hbm:s5], s20  }
0x9e: {  	_ =	swait.ge [sflag:s22], s20  }
0x9f: {  	s4 =	ssub.s32 $0x0, s20;
	[sflag:s22] =	ssyncset.done $0x0  }
0xa0: {  	[sflag:s22] =	ssyncadd.s32 s4;
	_ =	sdelay $0x1  }
0xa1: {  	s23 =	simm.s32 $0x1B8B  }
0xa2: {  	_ =	swait.ge [sflag:s23], $0x1  }
0xa3: {  	[sflag:s23] =	ssyncset.done $0x0  }
0xa4: {  	s25 =	simm.s32 $0x1B8E;
	s24 =	sld [smem:$0x3FFE];
	[sflag:s23] =	ssyncadd.s32 $0xFFFFFFFF  }
0xa5: {  	s26 =	simm.s32 $execute0_lowered;
	[smem:$0x3FD2] =	sst s25  }
0xa6: {  	s5 =	sshll.u32 s26, $0x1;
	_ =	strace $0x8000004C;
	[dreg:$0x1] =	wrdreg $0xFFFFFFFF  }
0xa7: {  	s28 =	simm.s32 $_size_execute0_lowered;
	s3 =	sadd.s32 s3, s5;
	[dreg:$0x0] =	wrdreg $0x0  }
0xa8: {  	s5 =	sshll.u32 s28, $0x1;
	[dreg:$0x2] =	wrdreg s3  }
0xa9: {  	[dreg:$0x3] =	wrdreg s5  }
0xaa: {  	[dreg:$0x4] =	wrdreg $0xC0  }
0xab: {  	_ =	task [dreg:s7], $0x5FFFF  }
0xac: {  	[dreg:$0x1] =	wrdreg $0xFFFFFFFF  }
0xad: {  	[dreg:$0x0] =	wrdreg $0x60  }
0xae: {  	[dreg:$0x2] =	wrdreg s24  }
0xaf: {  	[dreg:$0x3] =	wrdreg s2  }
0xb0: {  	[dreg:$0x4] =	wrdreg $0x1A5E00  }
0xb1: {  	[dreg:$0x5] =	wrdreg $0x1CCF00  }
0xb2: {  	[dreg:$0x6] =	wrdreg $0x9  }
0xb3: {  	_ =	task.clear_ibuf [dreg:s7], $0x7FFFF;
	_ =	strace $0x9000004C  }
0xb4: {  	s29 =	simm.s32 $0x9;
	_ =	strace $0x8000004E  }
0xb5: {  	_ =	swait.ge [sflag:s29], $0x1  }
0xb6: {  	[sflag:s29] =	ssyncadd.s32 $0xFFFFFFFF  }
0xb7: {  	_ =	strace $0x9000004E  }
0xb8: {  	_ =	sfence  }
0xb9: {  	s30 =	sld [smem:$0x0];
	_ =	sdelay $0x2  }
0xba: {  	s31 =	sshll.u32 s1, $0xD;
	s1 =	sshrl.u32 s1, $0x2  }
0xbb: {  	s3 =	sand.u32 $0x4000, s31;
	s1 =	sadd.s32 s1, s30  }
0xbc: {  	s0 =	sor.u32 s3, s0;
	s1 =	sshll.u32 s1, $0x11  }
0xbd: {  	s0 =	sor.u32 s1, s0  }
0xbe: {  	s0 =	sadd.s32 $0x8F2B, s0  }
0xbf: {  	[sflag:s0] =	ssyncadd.remote.s32 $0x1  }
0xc0: {  	_ =	sfence.sel $0xFFFF  }
0xc1: {  	[dreg:$0x0] =	wrdreg $0xFFFFFFFF;
	(pc) =	sbr.abs _section_cstart, $3  }
0xc2: {  	[dreg:$0x1] =	wrdreg $0xFFFFFFFF  }
0xc3: {  	_ =	task.clear_ibuf [dreg:s7], $0x2FFFF;
	_ =	strace $0x9FFFFFFF  }
0xc4: {  	(tm) =	ssettm $0x7FFFFFFF  }
0xc5: {  	_ =	shalt  }
tec
execute0_lowered:
.L_overlay_start_1:
0x0: {  	(tag) =	ssettag $0x1  }
0x1: {  	s0 =	srdreg.scid;
	s1 =	rddreg [dreg:$0x0]  }
0x2: {  	s6 =	rddreg [dreg:$0x1];
	s13 =	stileid.u32  }
0x3: {  	s3 =	rddreg [dreg:$0x2];
	s30 =	simm.s32 $0x3;
	s31 =	simm.s32 $0x6  }
0x4: {  	s29 =	simm.s32 $0x9;
	s28 =	simm.s32 $0xC;
	s0 =	sand.u32 $0x1, s0  }
0x5: {  	s7 =	smul.u32 $0x2710, s13;
	s8 =	sadd.s32 $0x4400, s1;
	s2 =	sshll.u32 s0, $0x4  }
0x6: {  	s15 =	ssub.s32 $0x2, s0;
	p0 =	seq.s32 s0, $0x1;
	s0 =	simm.s32 $0x1D200  }
0x7: {  	s4 =	sor.u32 s13, s2;
	s2 =	rddreg [dreg:$0x3];
	s12 =	sshrl.u32 s7, $0x3  }
0x8: {  	s24 =	sadd.s32 s7, s3;
	s13 =	sshll.u32 s13, $0x6;
	s0 =	simm.s32 @!p0 $0x18200  }
0x9: {  	p0 =	por $0x0, $0x0;
	s5 =	smul.u32 $0x2710, s4;
	s4 =	simm.s32 $0x0  }
0xa: {  	s1 =	sadd.s32 s12, s1;
	s12 =	sshrl.u32 s15, $0x1;
	s26 =	sadd.s32 s7, s2  }
0xb: {  	s7 =	simm.s32 $0xD;
	[smem:$0x7FF] =	sst s4;
	s16 =	sadd.s32 $0x13200, s1  }
0xc: {  	s17 =	sadd.s32 $0xE200, s1;
	s12 =	ssub.s32 s15, s12;
	s15 =	simm.s32 $0x5  }
0xd: {  	s9 =	sshrl.u32 s5, $0x3;
	_ =	strace $0x8000004D;
	[dreg:$0x7] =	wrdreg s16  }
0xe: {  	[dreg:$0x8] =	wrdreg s17;
	s5 =	sor.u32 $0x1C0D, s13;
	s16 =	simm.s32 $0x1770  }
0xf: {  	s13 =	simm.s32 $0x8;
	s17 =	simm.s32 $0xA;
	s10 =	sadd.s32 s8, s9  }
0x10: {  	s14 =	sadd.s32 s6, s9;
	s11 =	sadd.s32 $0xFA, s9;
	[dreg:$0x5] =	wrdreg s10  }
0x11: {  	s20 =	sadd.s32 $0x1F4, s9;
	[dreg:$0x6] =	wrdreg s14;
	s18 =	sadd.s32 s8, s11  }
0x12: {  	s23 =	sadd.s32 $0x2EE, s9;
	s19 =	sadd.s32 s6, s11;
	[dreg:$0x9] =	wrdreg s18  }
0x13: {  	s9 =	sadd.s32 $0x3E8, s9;
	s21 =	sadd.s32 s8, s20;
	[dreg:$0xa] =	wrdreg s19  }
0x14: {  	s22 =	sadd.s32 s6, s20;
	s25 =	sadd.s32 s8, s23;
	[dreg:$0xb] =	wrdreg s21  }
0x15: {  	s10 =	sadd.s32 s6, s23;
	s8 =	sadd.s32 s8, s9;
	[dreg:$0xc] =	wrdreg s22  }
0x16: {  	s14 =	smax.u32 s12, $0x1;
	s23 =	simm.s32 $0x1;
	[dreg:$0xd] =	wrdreg s25  }
0x17: {  	s20 =	simm.s32 $0x2EE0;
	s11 =	simm.s32 $0x1F40;
	[dreg:$0xe] =	wrdreg s10  }
0x18: {  	s12 =	simm.s32 $0xABE0;
	[dreg:$0xf] =	wrdreg s8;
	p1 =	sne.s32 s14, $0x1  }
.Ltmp0:
0x19: {  	s10 =	sadd.s32 s6, s9;
	s6 =	sadd.s32 s0, s1;
	(pc) =	sbr.rel @!p1 .LBB2_5-.Ltmp0, $4  }
0x1a: {  	s19 =	sshrl.u32 s24, $0x3;
	s8 =	sshrl.u32 s26, $0x3;
	s22 =	simm.s32 $0x4  }
0x1b: {  	s9 =	simm.s32 $0x7D0;
	s21 =	simm.s32 $0x7;
	s18 =	simm.s32 $0x2  }
0x1c: {  	s24 =	simm.s32 $0xFA0;
	s25 =	simm.s32 $0x2710;
	s1 =	sadd.s32 $0xFFFFFFFF, s14  }
0x1d: {  	s26 =	simm.s32 $0x128E0;
	s14 =	simm.s32 $0xB;
	s0 =	rddreg [dreg:$0x5]  }
0x1e: {  	[dreg:$0x10] =	wrdreg s1  }
0x1f: {  	s1 =	rddreg [dreg:$0x6]  }
0x20: {  	[tilespmem:s4], [sflag:$0x1] =	stream.linear.gather [hbm4b:s0+s4], $0x7D0, $0x38;
	[tilespmem:$0x1F400] =	vst v63  }
0x21: {  	s0 =	rddreg [dreg:$0x7]  }
0x22: {  	[tilespmem:s16], [sflag:$0x4] =	stream.linear.gather [hbm4b:s1+s4], $0x7D0, $0x38;
	[tilespmem:$0x1F400] =	vst v63  }
0x23: {  	[spmem:s19], [sflag:s5] =	dma.local [hbm:s0], $0x4E2  }
0x24: {  	_ =	swait.ge [sflag:s7], $0x4E2  }
0x25: {  	[sflag:s7] =	ssyncset.done $0x0  }
0x26: {  	s1 =	rddreg [dreg:$0x8];
	[sflag:s7] =	ssyncadd.s32 $0xFFFFFB1E  }
0x27: {  	[spmem:s8], [sflag:s5] =	dma.local [hbm:s1], $0x4E2  }
0x28: {  	_ =	swait.ge [sflag:s7], $0x4E2  }
0x29: {  	[sflag:s7] =	ssyncset.done $0x0  }
0x2a: {  	[sflag:s7] =	ssyncadd.s32 $0xFFFFFB1E  }
0x2b: {  	[bflag:$0x0] =	sbarrier.arrive $0xFFFF  }
0x2c: {  	_ =	swait.ge [sflag:s23], $0x7D0  }
0x2d: {  	[sflag:s23] =	ssyncset.done $0x0  }
0x2e: {  	[sflag:s23] =	ssyncadd.s32 $0xFFFFF830  }
0x2f: {  	_ =	swait.ge [sflag:s22], $0x7D0  }
0x30: {  	[sflag:s22] =	ssyncset.done $0x0  }
0x31: {  	[sflag:s22] =	ssyncadd.s32 $0xFFFFF830  }
0x32: {  	[tilespmem:s20], [sflag:$0x7] =	stream.indirect.gather [spmem:s3], $0x10, s4, s9, $0xb8;
	[tilespmem:$0x1F400] =	vst v63  }
0x33: {  	_ =	swait.ge [sflag:s21], $0x7D00  }
0x34: {  	[sflag:s21] =	ssyncset.done $0x0  }
0x35: {  	[sflag:s21] =	ssyncadd.s32 $0xFFFF8300  }
0x36: {  	[spmem:s2] =	stream.indirect.scatter.add.f32 [tilespmem:s20], [sflag:$0xA], $0x10, s16, s9, $0xb8;
	[tilespmem:$0x1F400] =	vst v63  }
0x37: {  	s0 =	rddreg [dreg:$0x9]  }
0x38: {  	[tilespmem:s9], [sflag:$0x2] =	stream.linear.gather [hbm4b:s0+s4], $0x7D0, $0x38;
	[tilespmem:$0x1F400] =	vst v63  }
0x39: {  	s1 =	rddreg [dreg:$0xa]  }
0x3a: {  	[tilespmem:s11], [sflag:$0x5] =	stream.linear.gather [hbm4b:s1+s4], $0x7D0, $0x38;
	[tilespmem:$0x1F400] =	vst v63  }
0x3b: {  	_ =	swait.ge [sflag:s18], $0x7D0  }
0x3c: {  	[sflag:s18] =	ssyncset.done $0x0  }
0x3d: {  	[sflag:s18] =	ssyncadd.s32 $0xFFFFF830  }
0x3e: {  	_ =	swait.ge [sflag:s15], $0x7D0  }
0x3f: {  	[sflag:s15] =	ssyncset.done $0x0  }
0x40: {  	[sflag:s15] =	ssyncadd.s32 $0xFFFFF830  }
0x41: {  	[tilespmem:s12], [sflag:$0x8] =	stream.indirect.gather [spmem:s3], $0x10, s9, s9, $0xb8;
	[tilespmem:$0x1F400] =	vst v63  }
0x42: {  	_ =	swait.ge [sflag:s13], $0x7D00  }
0x43: {  	[sflag:s13] =	ssyncset.done $0x0  }
0x44: {  	[sflag:s13] =	ssyncadd.s32 $0xFFFF8300  }
0x45: {  	[spmem:s2] =	stream.indirect.scatter.add.f32 [tilespmem:s12], [sflag:$0xB], $0x10, s11, s9, $0xb8;
	[tilespmem:$0x1F400] =	vst v63  }
0x46: {  	s0 =	rddreg [dreg:$0xb]  }
0x47: {  	[tilespmem:s24], [sflag:$0x3] =	stream.linear.gather [hbm4b:s0+s4], $0x7D0, $0x38;
	[tilespmem:$0x1F400] =	vst v63  }
0x48: {  	s1 =	rddreg [dreg:$0xc]  }
0x49: {  	[tilespmem:s25], [sflag:$0x6] =	stream.linear.gather [hbm4b:s1+s4], $0x7D0, $0x38;
	[tilespmem:$0x1F400] =	vst v63  }
0x4a: {  	_ =	swait.ge [sflag:s30], $0x7D0  }
0x4b: {  	[sflag:s30] =	ssyncset.done $0x0  }
0x4c: {  	[sflag:s30] =	ssyncadd.s32 $0xFFFFF830  }
0x4d: {  	_ =	swait.ge [sflag:s31], $0x7D0  }
0x4e: {  	[sflag:s31] =	ssyncset.done $0x0  }
0x4f: {  	[sflag:s31] =	ssyncadd.s32 $0xFFFFF830  }
0x50: {  	[tilespmem:s26], [sflag:$0x9] =	stream.indirect.gather [spmem:s3], $0x10, s24, s9, $0xb8;
	[tilespmem:$0x1F400] =	vst v63  }
0x51: {  	_ =	swait.ge [sflag:s29], $0x7D00  }
0x52: {  	[sflag:s29] =	ssyncset.done $0x0  }
0x53: {  	[sflag:s29] =	ssyncadd.s32 $0xFFFF8300  }
0x54: {  	[spmem:s2] =	stream.indirect.scatter.add.f32 [tilespmem:s26], [sflag:$0xC], $0x10, s25, s9, $0xb8;
	[tilespmem:$0x1F400] =	vst v63  }
0x55: {  	_ =	swait.ge [sflag:s17], $0x7D00  }
0x56: {  	[sflag:s17] =	ssyncset.done $0x0  }
0x57: {  	s24 =	rddreg [dreg:$0xd];
	[sflag:s17] =	ssyncadd.s32 $0xFFFF8300  }
0x58: {  	[tilespmem:s4], [sflag:$0x1] =	stream.linear.gather [hbm4b:s24+s4], $0x7D0, $0x38;
	[tilespmem:$0x1F400] =	vst v63  }
0x59: {  	s26 =	rddreg [dreg:$0xe]  }
0x5a: {  	[tilespmem:s16], [sflag:$0x4] =	stream.linear.gather [hbm4b:s26+s4], $0x7D0, $0x38;
	[tilespmem:$0x1F400] =	vst v63  }
0x5b: {  	_ =	swait.ge [sflag:s23], $0x7D0  }
0x5c: {  	[sflag:s23] =	ssyncset.done $0x0  }
0x5d: {  	[sflag:s23] =	ssyncadd.s32 $0xFFFFF830  }
0x5e: {  	_ =	swait.ge [sflag:s22], $0x7D0  }
0x5f: {  	[sflag:s22] =	ssyncset.done $0x0  }
0x60: {  	[sflag:s22] =	ssyncadd.s32 $0xFFFFF830  }
0x61: {  	[tilespmem:s20], [sflag:$0x7] =	stream.indirect.gather [spmem:s3], $0x10, s4, s9, $0xb8;
	[tilespmem:$0x1F400] =	vst v63  }
0x62: {  	_ =	swait.ge [sflag:s21], $0x7D00  }
0x63: {  	[sflag:s21] =	ssyncset.done $0x0  }
0x64: {  	[sflag:s21] =	ssyncadd.s32 $0xFFFF8300  }
0x65: {  	[spmem:s2] =	stream.indirect.scatter.add.f32 [tilespmem:s20], [sflag:$0xA], $0x10, s16, s9, $0xb8;
	[tilespmem:$0x1F400] =	vst v63  }
0x66: {  	_ =	swait.ge [sflag:s14], $0x7D00  }
0x67: {  	[sflag:s14] =	ssyncset.done $0x0  }
0x68: {  	s24 =	rddreg [dreg:$0xf];
	[sflag:s14] =	ssyncadd.s32 $0xFFFF8300  }
0x69: {  	[tilespmem:s9], [sflag:$0x2] =	stream.linear.gather [hbm4b:s24+s4], $0x7D0, $0x38;
	[tilespmem:$0x1F400] =	vst v63  }
0x6a: {  	_ = 	snop  }
0x6b: {  	[tilespmem:s11], [sflag:$0x5] =	stream.linear.gather [hbm4b:s10+s4], $0x7D0, $0x38;
	[tilespmem:$0x1F400] =	vst v63  }
0x6c: {  	_ =	swait.ge [sflag:s18], $0x7D0  }
0x6d: {  	[sflag:s18] =	ssyncset.done $0x0  }
0x6e: {  	[sflag:s18] =	ssyncadd.s32 $0xFFFFF830  }
0x6f: {  	_ =	swait.ge [sflag:s15], $0x7D0  }
0x70: {  	[sflag:s15] =	ssyncset.done $0x0  }
0x71: {  	[sflag:s15] =	ssyncadd.s32 $0xFFFFF830  }
0x72: {  	[tilespmem:s12], [sflag:$0x8] =	stream.indirect.gather [spmem:s3], $0x10, s9, s9, $0xb8;
	[tilespmem:$0x1F400] =	vst v63  }
0x73: {  	_ =	swait.ge [sflag:s13], $0x7D00  }
0x74: {  	[sflag:s13] =	ssyncset.done $0x0  }
0x75: {  	[sflag:s13] =	ssyncadd.s32 $0xFFFF8300  }
0x76: {  	[spmem:s2] =	stream.indirect.scatter.add.f32 [tilespmem:s12], [sflag:$0xB], $0x10, s11, s9, $0xb8;
	[tilespmem:$0x1F400] =	vst v63  }
0x77: {  	_ =	swait.ge [sflag:s28], $0x7D00  }
0x78: {  	[sflag:s28] =	ssyncset.done $0x0  }
0x79: {  	[sflag:s28] =	ssyncadd.s32 $0xFFFF8300  }
0x7a: {  	_ =	swait.ge [sflag:s17], $0x7D00  }
0x7b: {  	[sflag:s17] =	ssyncset.done $0x0  }
0x7c: {  	[sflag:s17] =	ssyncadd.s32 $0xFFFF8300  }
0x7d: {  	_ =	swait.ge [sflag:s14], $0x7D00  }
0x7e: {  	[sflag:s14] =	ssyncset.done $0x0  }
0x7f: {  	[sflag:s14] =	ssyncadd.s32 $0xFFFF8300  }
0x80: {  	[bflag:$0x0] =	sbarrier.arrive $0xFFFF  }
0x81: {  	[hbm:s6], [sflag:s5] =	dma.local [spmem:s8], $0x4E2  }
0x82: {  	s26 =	rddreg [dreg:$0x10]  }
0x83: {  	p1 =	sne.s32 s26, $0x1  }
.Ltmp1:
0x84: {  	_ = 	snop;
	(pc) =	sbr.rel @!p1 .LBB2_2-.Ltmp1, $4  }
0x85: {  	p0 =	por $0x1, $0x1  }
0x86: {  	s30 =	simm.s32 $0x3;
	s31 =	simm.s32 $0x6;
	s29 =	simm.s32 $0x9  }
0x87: {  	s28 =	simm.s32 $0xC;
	_ =	swait.ge [sflag:s7], $0x4E2;
	s1 =	sadd.s32 $0xFFFFFFFF, s26  }
0x88: {  	s0 =	rddreg [dreg:$0x5];
	[sflag:s7] =	ssyncset.done $0x0;
	s26 =	simm.s32 $0xFA0  }
.LBB2_3:
0x89: {  	s24 =	smov.u32 s6;
	s6 =	rddreg [dreg:$0x7];
	[sflag:s7] =	ssyncadd.s32 $0xFFFFFB1E  }
0x8a: {  	[tilespmem:s4], [sflag:$0x1] =	stream.linear.gather [hbm4b:s0+s4], $0x7D0, $0x38;
	[tilespmem:$0x1F400] =	vst v63  }
0x8b: {  	s25 =	smov.u32 s10;
	s10 =	rddreg [dreg:$0x6]  }
0x8c: {  	[tilespmem:s16], [sflag:$0x4] =	stream.linear.gather [hbm4b:s10+s4], $0x7D0, $0x38;
	[tilespmem:$0x1F400] =	vst v63  }
0x8d: {  	[spmem:s19], [sflag:s5] =	dma.local [hbm:s6], $0x4E2  }
0x8e: {  	_ =	swait.ge [sflag:s7], $0x4E2  }
0x8f: {  	[sflag:s7] =	ssyncset.done $0x0  }
0x90: {  	s6 =	rddreg [dreg:$0x8];
	[sflag:s7] =	ssyncadd.s32 $0xFFFFFB1E  }
0x91: {  	[spmem:s8], [sflag:s5] =	dma.local [hbm:s6], $0x4E2  }
0x92: {  	_ =	swait.ge [sflag:s7], $0x4E2  }
0x93: {  	[sflag:s7] =	ssyncset.done $0x0  }
0x94: {  	[sflag:s7] =	ssyncadd.s32 $0xFFFFFB1E  }
0x95: {  	[bflag:$0x0] =	sbarrier.arrive $0xFFFF  }
0x96: {  	_ =	swait.ge [sflag:s23], $0x7D0  }
0x97: {  	[sflag:s23] =	ssyncset.done $0x0  }
0x98: {  	[sflag:s23] =	ssyncadd.s32 $0xFFFFF830  }
0x99: {  	_ =	swait.ge [sflag:s22], $0x7D0  }
0x9a: {  	[sflag:s22] =	ssyncset.done $0x0  }
0x9b: {  	[sflag:s22] =	ssyncadd.s32 $0xFFFFF830  }
0x9c: {  	[tilespmem:s20], [sflag:$0x7] =	stream.indirect.gather [spmem:s3], $0x10, s4, s9, $0xb8;
	[tilespmem:$0x1F400] =	vst v63  }
0x9d: {  	_ =	swait.ge [sflag:s21], $0x7D00  }
0x9e: {  	[sflag:s21] =	ssyncset.done $0x0  }
0x9f: {  	[sflag:s21] =	ssyncadd.s32 $0xFFFF8300  }
0xa0: {  	[spmem:s2] =	stream.indirect.scatter.add.f32 [tilespmem:s20], [sflag:$0xA], $0x10, s16, s9, $0xb8;
	[tilespmem:$0x1F400] =	vst v63  }
0xa1: {  	s0 =	rddreg [dreg:$0x9]  }
0xa2: {  	[tilespmem:s9], [sflag:$0x2] =	stream.linear.gather [hbm4b:s0+s4], $0x7D0, $0x38;
	[tilespmem:$0x1F400] =	vst v63  }
0xa3: {  	s6 =	rddreg [dreg:$0xa]  }
0xa4: {  	[tilespmem:s11], [sflag:$0x5] =	stream.linear.gather [hbm4b:s6+s4], $0x7D0, $0x38;
	[tilespmem:$0x1F400] =	vst v63  }
0xa5: {  	_ =	swait.ge [sflag:s18], $0x7D0  }
0xa6: {  	[sflag:s18] =	ssyncset.done $0x0  }
0xa7: {  	[sflag:s18] =	ssyncadd.s32 $0xFFFFF830  }
0xa8: {  	_ =	swait.ge [sflag:s15], $0x7D0  }
0xa9: {  	[sflag:s15] =	ssyncset.done $0x0  }
0xaa: {  	[sflag:s15] =	ssyncadd.s32 $0xFFFFF830  }
0xab: {  	[tilespmem:s12], [sflag:$0x8] =	stream.indirect.gather [spmem:s3], $0x10, s9, s9, $0xb8;
	[tilespmem:$0x1F400] =	vst v63  }
0xac: {  	_ =	swait.ge [sflag:s13], $0x7D00  }
0xad: {  	[sflag:s13] =	ssyncset.done $0x0  }
0xae: {  	[sflag:s13] =	ssyncadd.s32 $0xFFFF8300  }
0xaf: {  	[spmem:s2] =	stream.indirect.scatter.add.f32 [tilespmem:s12], [sflag:$0xB], $0x10, s11, s9, $0xb8;
	[tilespmem:$0x1F400] =	vst v63  }
0xb0: {  	s0 =	rddreg [dreg:$0xb]  }
0xb1: {  	[tilespmem:s26], [sflag:$0x3] =	stream.linear.gather [hbm4b:s0+s4], $0x7D0, $0x38;
	[tilespmem:$0x1F400] =	vst v63  }
0xb2: {  	s10 =	smov.u32 s25;
	s25 =	simm.s32 $0x2710;
	s6 =	rddreg [dreg:$0xc]  }
0xb3: {  	[tilespmem:s25], [sflag:$0x6] =	stream.linear.gather [hbm4b:s6+s4], $0x7D0, $0x38;
	[tilespmem:$0x1F400] =	vst v63  }
0xb4: {  	_ =	swait.ge [sflag:s30], $0x7D0  }
0xb5: {  	[sflag:s30] =	ssyncset.done $0x0  }
0xb6: {  	[sflag:s30] =	ssyncadd.s32 $0xFFFFF830  }
0xb7: {  	_ =	swait.ge [sflag:s31], $0x7D0  }
0xb8: {  	[sflag:s31] =	ssyncset.done $0x0  }
0xb9: {  	s6 =	simm.s32 $0x128E0;
	[sflag:s31] =	ssyncadd.s32 $0xFFFFF830  }
0xba: {  	[tilespmem:s6], [sflag:$0x9] =	stream.indirect.gather [spmem:s3], $0x10, s26, s9, $0xb8;
	[tilespmem:$0x1F400] =	vst v63  }
0xbb: {  	_ =	swait.ge [sflag:s29], $0x7D00  }
0xbc: {  	[sflag:s29] =	ssyncset.done $0x0  }
0xbd: {  	[sflag:s29] =	ssyncadd.s32 $0xFFFF8300  }
0xbe: {  	[spmem:s2] =	stream.indirect.scatter.add.f32 [tilespmem:s6], [sflag:$0xC], $0x10, s25, s9, $0xb8;
	[tilespmem:$0x1F400] =	vst v63  }
0xbf: {  	_ =	swait.ge [sflag:s17], $0x7D00  }
0xc0: {  	[sflag:s17] =	ssyncset.done $0x0  }
0xc1: {  	s0 =	rddreg [dreg:$0xd];
	[sflag:s17] =	ssyncadd.s32 $0xFFFF8300  }
0xc2: {  	[tilespmem:s4], [sflag:$0x1] =	stream.linear.gather [hbm4b:s0+s4], $0x7D0, $0x38;
	[tilespmem:$0x1F400] =	vst v63  }
0xc3: {  	s6 =	rddreg [dreg:$0xe]  }
0xc4: {  	[tilespmem:s16], [sflag:$0x4] =	stream.linear.gather [hbm4b:s6+s4], $0x7D0, $0x38;
	[tilespmem:$0x1F400] =	vst v63  }
0xc5: {  	_ =	swait.ge [sflag:s23], $0x7D0  }
0xc6: {  	[sflag:s23] =	ssyncset.done $0x0  }
0xc7: {  	[sflag:s23] =	ssyncadd.s32 $0xFFFFF830  }
0xc8: {  	_ =	swait.ge [sflag:s22], $0x7D0  }
0xc9: {  	[sflag:s22] =	ssyncset.done $0x0  }
0xca: {  	[sflag:s22] =	ssyncadd.s32 $0xFFFFF830  }
0xcb: {  	[tilespmem:s20], [sflag:$0x7] =	stream.indirect.gather [spmem:s3], $0x10, s4, s9, $0xb8;
	[tilespmem:$0x1F400] =	vst v63  }
0xcc: {  	_ =	swait.ge [sflag:s21], $0x7D00  }
0xcd: {  	[sflag:s21] =	ssyncset.done $0x0  }
0xce: {  	[sflag:s21] =	ssyncadd.s32 $0xFFFF8300  }
0xcf: {  	[spmem:s2] =	stream.indirect.scatter.add.f32 [tilespmem:s20], [sflag:$0xA], $0x10, s16, s9, $0xb8;
	[tilespmem:$0x1F400] =	vst v63  }
0xd0: {  	_ =	swait.ge [sflag:s14], $0x7D00  }
0xd1: {  	[sflag:s14] =	ssyncset.done $0x0  }
0xd2: {  	s0 =	rddreg [dreg:$0xf];
	[sflag:s14] =	ssyncadd.s32 $0xFFFF8300  }
0xd3: {  	[tilespmem:s9], [sflag:$0x2] =	stream.linear.gather [hbm4b:s0+s4], $0x7D0, $0x38;
	[tilespmem:$0x1F400] =	vst v63  }
0xd4: {  	_ = 	snop  }
0xd5: {  	[tilespmem:s11], [sflag:$0x5] =	stream.linear.gather [hbm4b:s10+s4], $0x7D0, $0x38;
	[tilespmem:$0x1F400] =	vst v63  }
0xd6: {  	_ =	swait.ge [sflag:s18], $0x7D0  }
0xd7: {  	[sflag:s18] =	ssyncset.done $0x0  }
0xd8: {  	[sflag:s18] =	ssyncadd.s32 $0xFFFFF830  }
0xd9: {  	_ =	swait.ge [sflag:s15], $0x7D0  }
0xda: {  	[sflag:s15] =	ssyncset.done $0x0  }
0xdb: {  	[sflag:s15] =	ssyncadd.s32 $0xFFFFF830  }
0xdc: {  	[tilespmem:s12], [sflag:$0x8] =	stream.indirect.gather [spmem:s3], $0x10, s9, s9, $0xb8;
	[tilespmem:$0x1F400] =	vst v63  }
0xdd: {  	_ =	swait.ge [sflag:s13], $0x7D00  }
0xde: {  	[sflag:s13] =	ssyncset.done $0x0  }
0xdf: {  	[sflag:s13] =	ssyncadd.s32 $0xFFFF8300  }
0xe0: {  	[spmem:s2] =	stream.indirect.scatter.add.f32 [tilespmem:s12], [sflag:$0xB], $0x10, s11, s9, $0xb8;
	[tilespmem:$0x1F400] =	vst v63  }
0xe1: {  	_ =	swait.ge [sflag:s28], $0x7D00  }
0xe2: {  	[sflag:s28] =	ssyncset.done $0x0  }
0xe3: {  	[sflag:s28] =	ssyncadd.s32 $0xFFFF8300  }
0xe4: {  	_ =	swait.ge [sflag:s17], $0x7D00  }
0xe5: {  	[sflag:s17] =	ssyncset.done $0x0  }
0xe6: {  	[sflag:s17] =	ssyncadd.s32 $0xFFFF8300  }
0xe7: {  	_ =	swait.ge [sflag:s14], $0x7D00  }
0xe8: {  	p1 =	sne.s32 s1, $0x1;
	[sflag:s14] =	ssyncset.done $0x0  }
.Ltmp2:
0xe9: {  	[sflag:s14] =	ssyncadd.s32 $0xFFFF8300;
	(pc) =	sbr.rel @p1 .LBB2_3-.Ltmp2, $4  }
0xea: {  	[bflag:$0x0] =	sbarrier.arrive $0xFFFF  }
0xeb: {  	[hbm:s24], [sflag:s5] =	dma.local [spmem:s8], $0x4E2  }
0xec: {  	s1 =	sadd.s32 $0xFFFFFFFF, s1;
	_ =	swait.ge [sflag:s7], $0x4E2  }
0xed: {  	s6 =	smov.u32 s24;
	s0 =	rddreg [dreg:$0x5];
	[sflag:s7] =	ssyncset.done $0x0  }
0xee: {  	s24 =	simm.s32 $0xFA0;
	s26 =	simm.s32 $0x128E0;
	s28 =	simm.s32 $0xC  }
0xef: {  	s29 =	simm.s32 $0x9;
	s30 =	simm.s32 $0x3;
	s31 =	simm.s32 $0x6  }
.LBB2_5:
0xf0: {  	[sflag:s7] =	ssyncadd.s32 @p0 $0xFFFFFB1E;
	s1 =	rddreg [dreg:$0x7]  }
0xf1: {  	[tilespmem:s4], [sflag:$0x1] =	stream.linear.gather [hbm4b:s0+s4], $0x7D0, $0x38;
	[tilespmem:$0x1F400] =	vst v63  }
0xf2: {  	s0 =	rddreg [dreg:$0x6]  }
0xf3: {  	[tilespmem:s16], [sflag:$0x4] =	stream.linear.gather [hbm4b:s0+s4], $0x7D0, $0x38;
	[tilespmem:$0x1F400] =	vst v63  }
0xf4: {  	[spmem:s19], [sflag:s5] =	dma.local [hbm:s1], $0x4E2  }
0xf5: {  	_ =	swait.ge [sflag:s7], $0x4E2  }
0xf6: {  	[sflag:s7] =	ssyncset.done $0x0  }
0xf7: {  	s19 =	rddreg [dreg:$0x8];
	[sflag:s7] =	ssyncadd.s32 $0xFFFFFB1E  }
0xf8: {  	[spmem:s8], [sflag:s5] =	dma.local [hbm:s19], $0x4E2  }
0xf9: {  	_ =	swait.ge [sflag:s7], $0x4E2  }
0xfa: {  	[sflag:s7] =	ssyncset.done $0x0  }
0xfb: {  	[sflag:s7] =	ssyncadd.s32 $0xFFFFFB1E  }
0xfc: {  	[bflag:$0x0] =	sbarrier.arrive $0xFFFF  }
0xfd: {  	_ =	swait.ge [sflag:s23], $0x7D0  }
0xfe: {  	[sflag:s23] =	ssyncset.done $0x0  }
0xff: {  	[sflag:s23] =	ssyncadd.s32 $0xFFFFF830  }
0x100: {  	_ =	swait.ge [sflag:s22], $0x7D0  }
0x101: {  	[sflag:s22] =	ssyncset.done $0x0  }
0x102: {  	[sflag:s22] =	ssyncadd.s32 $0xFFFFF830  }
0x103: {  	[tilespmem:s20], [sflag:$0x7] =	stream.indirect.gather [spmem:s3], $0x10, s4, s9, $0xb8;
	[tilespmem:$0x1F400] =	vst v63  }
0x104: {  	_ =	swait.ge [sflag:s21], $0x7D00  }
0x105: {  	[sflag:s21] =	ssyncset.done $0x0  }
0x106: {  	[sflag:s21] =	ssyncadd.s32 $0xFFFF8300  }
0x107: {  	[spmem:s2] =	stream.indirect.scatter.add.f32 [tilespmem:s20], [sflag:$0xA], $0x10, s16, s9, $0xb8;
	[tilespmem:$0x1F400] =	vst v63  }
0x108: {  	s1 =	rddreg [dreg:$0x9]  }
0x109: {  	[tilespmem:s9], [sflag:$0x2] =	stream.linear.gather [hbm4b:s1+s4], $0x7D0, $0x38;
	[tilespmem:$0x1F400] =	vst v63  }
0x10a: {  	s19 =	rddreg [dreg:$0xa]  }
0x10b: {  	[tilespmem:s11], [sflag:$0x5] =	stream.linear.gather [hbm4b:s19+s4], $0x7D0, $0x38;
	[tilespmem:$0x1F400] =	vst v63  }
0x10c: {  	_ =	swait.ge [sflag:s18], $0x7D0  }
0x10d: {  	[sflag:s18] =	ssyncset.done $0x0  }
0x10e: {  	[sflag:s18] =	ssyncadd.s32 $0xFFFFF830  }
0x10f: {  	_ =	swait.ge [sflag:s15], $0x7D0  }
0x110: {  	[sflag:s15] =	ssyncset.done $0x0  }
0x111: {  	[sflag:s15] =	ssyncadd.s32 $0xFFFFF830  }
0x112: {  	[tilespmem:s12], [sflag:$0x8] =	stream.indirect.gather [spmem:s3], $0x10, s9, s9, $0xb8;
	[tilespmem:$0x1F400] =	vst v63  }
0x113: {  	_ =	swait.ge [sflag:s13], $0x7D00  }
0x114: {  	[sflag:s13] =	ssyncset.done $0x0  }
0x115: {  	[sflag:s13] =	ssyncadd.s32 $0xFFFF8300  }
0x116: {  	[spmem:s2] =	stream.indirect.scatter.add.f32 [tilespmem:s12], [sflag:$0xB], $0x10, s11, s9, $0xb8;
	[tilespmem:$0x1F400] =	vst v63  }
0x117: {  	s1 =	rddreg [dreg:$0xb]  }
0x118: {  	[tilespmem:s24], [sflag:$0x3] =	stream.linear.gather [hbm4b:s1+s4], $0x7D0, $0x38;
	[tilespmem:$0x1F400] =	vst v63  }
0x119: {  	s19 =	rddreg [dreg:$0xc]  }
0x11a: {  	[tilespmem:s25], [sflag:$0x6] =	stream.linear.gather [hbm4b:s19+s4], $0x7D0, $0x38;
	[tilespmem:$0x1F400] =	vst v63  }
0x11b: {  	_ =	swait.ge [sflag:s30], $0x7D0  }
0x11c: {  	[sflag:s30] =	ssyncset.done $0x0  }
0x11d: {  	[sflag:s30] =	ssyncadd.s32 $0xFFFFF830  }
0x11e: {  	_ =	swait.ge [sflag:s31], $0x7D0  }
0x11f: {  	[sflag:s31] =	ssyncset.done $0x0  }
0x120: {  	[sflag:s31] =	ssyncadd.s32 $0xFFFFF830  }
0x121: {  	[tilespmem:s26], [sflag:$0x9] =	stream.indirect.gather [spmem:s3], $0x10, s24, s9, $0xb8;
	[tilespmem:$0x1F400] =	vst v63  }
0x122: {  	_ =	swait.ge [sflag:s29], $0x7D00  }
0x123: {  	[sflag:s29] =	ssyncset.done $0x0  }
0x124: {  	[sflag:s29] =	ssyncadd.s32 $0xFFFF8300  }
0x125: {  	[spmem:s2] =	stream.indirect.scatter.add.f32 [tilespmem:s26], [sflag:$0xC], $0x10, s25, s9, $0xb8;
	[tilespmem:$0x1F400] =	vst v63  }
0x126: {  	_ =	swait.ge [sflag:s17], $0x7D00  }
0x127: {  	[sflag:s17] =	ssyncset.done $0x0  }
0x128: {  	s26 =	rddreg [dreg:$0xd];
	[sflag:s17] =	ssyncadd.s32 $0xFFFF8300  }
0x129: {  	[tilespmem:s4], [sflag:$0x1] =	stream.linear.gather [hbm4b:s26+s4], $0x7D0, $0x38;
	[tilespmem:$0x1F400] =	vst v63  }
0x12a: {  	s29 =	rddreg [dreg:$0xe]  }
0x12b: {  	[tilespmem:s16], [sflag:$0x4] =	stream.linear.gather [hbm4b:s29+s4], $0x7D0, $0x38;
	[tilespmem:$0x1F400] =	vst v63  }
0x12c: {  	_ =	swait.ge [sflag:s23], $0x7D0  }
0x12d: {  	[sflag:s23] =	ssyncset.done $0x0  }
0x12e: {  	[sflag:s23] =	ssyncadd.s32 $0xFFFFF830  }
0x12f: {  	_ =	swait.ge [sflag:s22], $0x7D0  }
0x130: {  	[sflag:s22] =	ssyncset.done $0x0  }
0x131: {  	[sflag:s22] =	ssyncadd.s32 $0xFFFFF830  }
0x132: {  	[tilespmem:s20], [sflag:$0x7] =	stream.indirect.gather [spmem:s3], $0x10, s4, s9, $0xb8;
	[tilespmem:$0x1F400] =	vst v63  }
0x133: {  	_ =	swait.ge [sflag:s21], $0x7D00  }
0x134: {  	[sflag:s21] =	ssyncset.done $0x0  }
0x135: {  	[sflag:s21] =	ssyncadd.s32 $0xFFFF8300  }
0x136: {  	[spmem:s2] =	stream.indirect.scatter.add.f32 [tilespmem:s20], [sflag:$0xA], $0x10, s16, s9, $0xb8;
	[tilespmem:$0x1F400] =	vst v63  }
0x137: {  	_ =	swait.ge [sflag:s14], $0x7D00  }
0x138: {  	[sflag:s14] =	ssyncset.done $0x0  }
0x139: {  	s30 =	rddreg [dreg:$0xf];
	[sflag:s14] =	ssyncadd.s32 $0xFFFF8300  }
0x13a: {  	[tilespmem:s9], [sflag:$0x2] =	stream.linear.gather [hbm4b:s30+s4], $0x7D0, $0x38;
	[tilespmem:$0x1F400] =	vst v63  }
0x13b: {  	_ = 	snop  }
0x13c: {  	[tilespmem:s11], [sflag:$0x5] =	stream.linear.gather [hbm4b:s10+s4], $0x7D0, $0x38;
	[tilespmem:$0x1F400] =	vst v63  }
0x13d: {  	_ =	swait.ge [sflag:s18], $0x7D0  }
0x13e: {  	[sflag:s18] =	ssyncset.done $0x0  }
0x13f: {  	[sflag:s18] =	ssyncadd.s32 $0xFFFFF830  }
0x140: {  	_ =	swait.ge [sflag:s15], $0x7D0  }
0x141: {  	[sflag:s15] =	ssyncset.done $0x0  }
0x142: {  	[sflag:s15] =	ssyncadd.s32 $0xFFFFF830  }
0x143: {  	[tilespmem:s12], [sflag:$0x8] =	stream.indirect.gather [spmem:s3], $0x10, s9, s9, $0xb8;
	[tilespmem:$0x1F400] =	vst v63  }
0x144: {  	_ =	swait.ge [sflag:s13], $0x7D00  }
0x145: {  	[sflag:s13] =	ssyncset.done $0x0  }
0x146: {  	[sflag:s13] =	ssyncadd.s32 $0xFFFF8300  }
0x147: {  	[spmem:s2] =	stream.indirect.scatter.add.f32 [tilespmem:s12], [sflag:$0xB], $0x10, s11, s9, $0xb8;
	[tilespmem:$0x1F400] =	vst v63  }
0x148: {  	_ =	swait.ge [sflag:s28], $0x7D00  }
0x149: {  	[sflag:s28] =	ssyncset.done $0x0  }
0x14a: {  	[sflag:s28] =	ssyncadd.s32 $0xFFFF8300  }
0x14b: {  	_ =	swait.ge [sflag:s17], $0x7D00  }
0x14c: {  	[sflag:s17] =	ssyncset.done $0x0  }
0x14d: {  	[sflag:s17] =	ssyncadd.s32 $0xFFFF8300  }
0x14e: {  	_ =	swait.ge [sflag:s14], $0x7D00  }
0x14f: {  	[sflag:s14] =	ssyncset.done $0x0  }
0x150: {  	[sflag:s14] =	ssyncadd.s32 $0xFFFF8300  }
0x151: {  	[bflag:$0x0] =	sbarrier.arrive $0xFFFF  }
0x152: {  	[hbm:s6], [sflag:s5] =	dma.local [spmem:s8], $0x4E2  }
0x153: {  	_ =	swait.ge [sflag:s7], $0x4E2  }
0x154: {  	[sflag:s7] =	ssyncset.done $0x0  }
0x155: {  	[sflag:s7] =	ssyncadd.s32 $0xFFFFFB1E  }
0x156: {  	_ =	sfence.sel $0x180000  }
0x157: {  	[bflag:$0x0] =	sbarrier.arrive $0xFFFF  }
0x158: {  	_ =	strace $0x9000004D  }
0x159: {  	s31 =	stileid.u32;
	[bflag:$0x2] =	sbarrier.arrive $0xFFFF  }
0x15a: {  	p0 =	sne.s32 s31, $0x0;
	s0 =	rddreg [dreg:$0x4]  }
0x15b: {  	s0 =	sadd.s32 @!p0 $0x100000, s0  }
0x15c: {  	[sflag:s0] =	ssyncadd.tile.s32 @!p0 $0x1;
	_ =	shalt  }
.LBB2_2:
.Ltmp3:
0x15d: {  	(pc) =	sbr.rel .LBB2_5-.Ltmp3, $3  }
0x15e: {  	_ =	sdelay $0x1  }
0x15f: {  	s24 =	simm.s32 $0xFA0;
	s26 =	simm.s32 $0x128E0;
	s28 =	simm.s32 $0xC  }
0x160: {  	s29 =	simm.s32 $0x9;
	s30 =	simm.s32 $0x3;
	s31 =	simm.s32 $0x6  }
.Lfunc_end2:
_tile_overlayer_lowered:
.L_overlay_start_2:
0x161: {  	(tag) =	ssettag $0x2  }
0x162: {  	s0 =	rddreg [dreg:$0x0];
	s2 =	stileid.u32  }
0x163: {  	s1 =	rddreg [dreg:$0x1];
	p0 =	sne.s32 s2, $0x0  }
0x164: {  	s3 =	rddreg [dreg:$0x2];
	[bflag:$0x3] =	sbarrier.arrive $0xFFFF;
	s2 =	simm.s32 @!p0 $0x1C0D  }
0x165: {  	[timem:s3], [sflag:s2] =	dma.local @!p0 [hbm:s0], s1  }
0x166: {  	s0 =	simm.s32 @!p0 $0xD  }
0x167: {  	_ =	swait.ge @!p0 [sflag:s0], s1  }
0x168: {  	s1 =	ssub.s32 @!p0 $0x0, s1;
	[sflag:s0] =	ssyncset.done @!p0 $0x0  }
0x169: {  	[sflag:s0] =	ssyncadd.s32 @!p0 s1  }
0x16a: {  	[bflag:$0x3] =	sbarrier.arrive $0xFFFF  }
0x16b: {  	_ =	shalt  }

// kernel: kernel.8.cloned.1.call-start
scs
__scs_entry_jumppad:
0x0: {  	(pc) =	sbr.rel $0x88, $3  }
0x1: {  	(tag) =	ssettag $0x0;
	lr =	simm.s32 $0x1  }
0x2: {  	[smem:$0x3F97] =	sst lr;
	_ =	strace $0xD0000000  }
0x3: {  	_ = 	snop  }
0x4: {  	_ = 	snop  }
0x5: {  	_ = 	snop  }
0x6: {  	_ = 	snop  }
0x7: {  	_ = 	snop  }
__scs_overlays_trampoline_lowered:
0x8: {  	[smem:$0x3FA6] =	sst s0  }
0x9: {  	[smem:$0x3FA7] =	sst s1  }
0xa: {  	[smem:$0x3FA8] =	sst s2  }
0xb: {  	[smem:$0x3FA9] =	sst s3  }
0xc: {  	[smem:$0x3FAA] =	sst s4  }
0xd: {  	[smem:$0x3FAB] =	sst s5  }
0xe: {  	[smem:$0x3FAC] =	sst s6  }
0xf: {  	[smem:$0x3FAD] =	sst s7  }
0x10: {  	[smem:$0x3FAE] =	sst s8  }
0x11: {  	[smem:$0x3FAF] =	sst s9;
	s0 =	simm.s32 @!p0 $0x0  }
0x12: {  	s1 =	sld [smem:$0x3F95];
	s0 =	simm.s32 @p0 $0x1  }
0x13: {  	[smem:$0x3FB0] =	sst s0;
	s0 =	simm.s32 @!p1 $0x0  }
0x14: {  	s2 =	sld [smem:$0x3F94];
	s0 =	simm.s32 @p1 $0x1  }
0x15: {  	[smem:$0x3FB1] =	sst s0;
	s0 =	simm.s32 @!p2 $0x0  }
0x16: {  	s3 =	sld [smem:$0x3FDB];
	s0 =	simm.s32 @p2 $0x1  }
0x17: {  	s4 =	simm.s32 $0x1BF5;
	[smem:$0x3FB3] =	sst s0  }
0x18: {  	s0 =	sld [smem:$0x3F96];
	_ =	swait.ge [sflag:s4], $0x0  }
0x19: {  	s7 =	sld [smem:$0x3F97]  }
0x1a: {  	s8 =	sadd.s32 $0xFFFFE003, lr  }
0x1b: {  	s9 =	sadd.s32 $0xFFFFFEF7, lr;
	s5 =	simm.s32 $0xFFFFFFFF;
	p2 =	slt.u32 s8, $0xFFFFF086  }
0x1c: {  	p1 =	slt.u32 s9, $0xF7A;
	s5 =	simm.s32 @!p2 $0x0  }
0x1d: {  	s5 =	simm.s32 @p1 $0x1;
	p0 =	seq.s32 s7, s2  }
0x1e: {  	s7 =	smul.u32 @!p0 $0xF7A, s2;
	p2 =	seq.s32 @!p0 s5, $0x0  }
0x1f: {  	s9 =	smul.u32 $0xF7A, s1;
	s8 =	simm.s32 @!p0 $0x1BF5;
	p2 =	por !p2, p0  }
0x20: {  	[sflag:s8] =	ssyncset.s32 @!p0 $0xFFFFF086;
	s6 =	sadd.s32 @!p0 s3, s7;
	s7 =	simm.s32 @!p0 $0x108  }
0x21: {  	s3 =	sadd.s32 s3, s9;
	s6 =	sadd.s32 @!p0 $0x88, s6;
	s7 =	simm.s32 @p2 $0x1082  }
0x22: {  	[simem:s7], [sflag:s8] =	dma.local @!p0 [hbm:s6], $0xF7A  }
0x23: {  	s9 =	sor.u32 $0xD0000000, s2;
	s6 =	simm.s32 $0x108;
	_ =	swait.ge @!p0 [sflag:s8], $0x0  }
0x24: {  	s3 =	sadd.s32 $0x88, s3;
	s6 =	simm.s32 @!p1 $0x1082;
	[sflag:s4] =	ssyncset.s32 $0xFFFFF086  }
0x25: {  	[simem:s6], [sflag:s4] =	dma.local [hbm:s3], $0xF7A  }
0x26: {  	[smem:$0x3F97] =	sst s1;
	(tag) =	ssettag s2;
	_ =	strace s9  }
0x27: {  	s1 =	sld [smem:$0x3FA7]  }
0x28: {  	s2 =	sld [smem:$0x3FA8]  }
0x29: {  	s4 =	sld [smem:$0x3FAA]  }
0x2a: {  	p0 =	seq.s32 s5, $0x0;
	s5 =	sld [smem:$0x3FAB]  }
0x2b: {  	s6 =	sld [smem:$0x3FAC]  }
0x2c: {  	s7 =	sld [smem:$0x3FAD]  }
0x2d: {  	s3 =	simm.s32 $0x108;
	s8 =	sld [smem:$0x3FAE]  }
0x2e: {  	s3 =	simm.s32 @!p0 $0x1082;
	s9 =	sld [smem:$0x3FAF]  }
0x2f: {  	lr =	sadd.s32 s0, s3;
	s0 =	sld [smem:$0x3FA6]  }
0x30: {  	s3 =	sld [smem:$0x3FA9]  }
0x31: {  	[smem:$0x3FB2] =	sst s10  }
0x32: {  	s10 =	sld [smem:$0x3FB0];
	_ =	sdelay $0x3  }
0x33: {  	p0 =	seq.s32 s10, $0x1;
	s10 =	sld [smem:$0x3FB2];
	_ =	sdelay $0x3  }
0x34: {  	[smem:$0x3FB2] =	sst s10  }
0x35: {  	s10 =	sld [smem:$0x3FB1];
	_ =	sdelay $0x3  }
0x36: {  	p1 =	seq.s32 s10, $0x1;
	s10 =	sld [smem:$0x3FB2];
	_ =	sdelay $0x3  }
0x37: {  	[smem:$0x3FB2] =	sst s10  }
0x38: {  	s10 =	sld [smem:$0x3FB3]  }
0x39: {  	_ = 	snop;
	(pc) =	sbr.ind lr, $3  }
0x3a: {  	_ = 	snop  }
0x3b: {  	_ = 	snop  }
0x3c: {  	p2 =	seq.s32 s10, $0x1;
	s10 =	sld [smem:$0x3FB2]  }
0x3d: {  	_ =	shalt  }
0x3e: {  	_ =	shalt  }
0x3f: {  	_ =	shalt  }
0x40: {  	_ =	shalt  }
0x41: {  	_ =	shalt  }
0x42: {  	_ =	shalt  }
0x43: {  	_ =	shalt  }
0x44: {  	_ =	shalt  }
0x45: {  	_ =	shalt  }
0x46: {  	_ =	shalt  }
0x47: {  	_ =	shalt  }
0x48: {  	_ =	shalt  }
0x49: {  	_ =	shalt  }
0x4a: {  	_ =	shalt  }
0x4b: {  	_ =	shalt  }
0x4c: {  	_ =	shalt  }
0x4d: {  	_ =	shalt  }
0x4e: {  	_ =	shalt  }
0x4f: {  	_ =	shalt  }
0x50: {  	_ =	shalt  }
0x51: {  	_ =	shalt  }
0x52: {  	_ =	shalt  }
0x53: {  	_ =	shalt  }
0x54: {  	_ =	shalt  }
0x55: {  	_ =	shalt  }
0x56: {  	_ =	shalt  }
0x57: {  	_ =	shalt  }
0x58: {  	_ =	shalt  }
0x59: {  	_ =	shalt  }
0x5a: {  	_ =	shalt  }
0x5b: {  	_ =	shalt  }
0x5c: {  	_ =	shalt  }
0x5d: {  	_ =	shalt  }
0x5e: {  	_ =	shalt  }
0x5f: {  	_ =	shalt  }
0x60: {  	_ =	shalt  }
0x61: {  	_ =	shalt  }
0x62: {  	_ =	shalt  }
0x63: {  	_ =	shalt  }
0x64: {  	_ =	shalt  }
0x65: {  	_ =	shalt  }
0x66: {  	_ =	shalt  }
0x67: {  	_ =	shalt  }
0x68: {  	_ =	shalt  }
0x69: {  	_ =	shalt  }
0x6a: {  	_ =	shalt  }
0x6b: {  	_ =	shalt  }
0x6c: {  	_ =	shalt  }
0x6d: {  	_ =	shalt  }
0x6e: {  	_ =	shalt  }
0x6f: {  	_ =	shalt  }
0x70: {  	_ =	shalt  }
0x71: {  	_ =	shalt  }
0x72: {  	_ =	shalt  }
0x73: {  	_ =	shalt  }
0x74: {  	_ =	shalt  }
0x75: {  	_ =	shalt  }
0x76: {  	_ =	shalt  }
0x77: {  	_ =	shalt  }
0x78: {  	_ =	shalt  }
0x79: {  	_ =	shalt  }
0x7a: {  	_ =	shalt  }
0x7b: {  	_ =	shalt  }
0x7c: {  	_ =	shalt  }
0x7d: {  	_ =	shalt  }
0x7e: {  	_ =	shalt  }
0x7f: {  	_ =	shalt  }
0x80: {  	_ =	shalt  }
0x81: {  	_ =	shalt  }
0x82: {  	_ =	shalt  }
0x83: {  	_ =	shalt  }
0x84: {  	_ =	shalt  }
0x85: {  	_ =	shalt  }
0x86: {  	_ =	shalt  }
0x87: {  	_ =	shalt  }
.Lfunc_end0:
.L_simem_size_0:
called_computation_lowered:
.L_overlay_start_0:
0x88: {  	s2 =	sld [smem:$0x3FD9]  }
0x89: {  	s3 =	sld [smem:$0x3FFE];
	_ =	sdelay $0x1  }
0x8a: {  	s1 =	srdreg.scid  }
0x8b: {  	s0 =	sand.u32 $0x1, s1  }
0x8c: {  	s17 =	sshll.u32 s0, $0xA;
	s2 =	sadd.s32 s3, s2  }
0x8d: {  	s2 =	sadd.s32 s2, s17  }
0x8e: {  	[smem:$0x3FBE] =	sst s2  }
0x8f: {  	_ = 	snop  }
0x90: {  	s2 =	sld [smem:$0x3FD0];
	(tm) =	ssettm $0x1  }
0x91: {  	s18 =	sld [smem:$0x3FFB];
	_ =	sdelay $0x3  }
0x92: {  	_ =	strace s18  }
0x93: {  	s3 =	sld [smem:$0x3FFC];
	_ =	sdelay $0x3  }
0x94: {  	_ =	strace s3  }
0x95: {  	s3 =	sld [smem:$0x3FFD];
	_ =	sdelay $0x3  }
0x96: {  	_ =	strace s3  }
0x97: {  	_ =	strace $0x8FFFFFFF  }
0x98: {  	s19 =	sld [smem:$0x3FDB];
	_ =	sdelay $0x1  }
0x99: {  	s4 =	simm.s32 $_scs_section_size  }
0x9a: {  	s5 =	simm.s32 $_size__tile_overlayer_lowered;
	s6 =	simm.s32 $_tile_overlayer_lowered  }
0x9b: {  	s22 =	simm.s32 $0x1BFF;
	s21 =	sshll.u32 s6, $0x1;
	s3 =	sadd.s32 s4, s19  }
0x9c: {  	s7 =	simm.s32 $0x0;
	s20 =	sshll.u32 s5, $0x1;
	s5 =	sadd.s32 s21, s3  }
0x9d: {  	[timem:s7], [sflag:s22] =	dma.local [hbm:s5], s20  }
0x9e: {  	_ =	swait.ge [sflag:s22], s20  }
0x9f: {  	s4 =	ssub.s32 $0x0, s20;
	[sflag:s22] =	ssyncset.done $0x0  }
0xa0: {  	[sflag:s22] =	ssyncadd.s32 s4;
	_ =	sdelay $0x1  }
0xa1: {  	s23 =	simm.s32 $0x1B8B  }
0xa2: {  	_ =	swait.ge [sflag:s23], $0x1  }
0xa3: {  	[sflag:s23] =	ssyncset.done $0x0  }
0xa4: {  	s25 =	simm.s32 $0x1B8E;
	s24 =	sld [smem:$0x3FFE];
	[sflag:s23] =	ssyncadd.s32 $0xFFFFFFFF  }
0xa5: {  	s26 =	simm.s32 $execute0_lowered;
	[smem:$0x3FD2] =	sst s25  }
0xa6: {  	s5 =	sshll.u32 s26, $0x1;
	_ =	strace $0x80000046;
	[dreg:$0x1] =	wrdreg $0xFFFFFFFF  }
0xa7: {  	s28 =	simm.s32 $_size_execute0_lowered;
	s3 =	sadd.s32 s3, s5;
	[dreg:$0x0] =	wrdreg $0x0  }
0xa8: {  	s5 =	sshll.u32 s28, $0x1;
	[dreg:$0x2] =	wrdreg s3  }
0xa9: {  	[dreg:$0x3] =	wrdreg s5  }
0xaa: {  	[dreg:$0x4] =	wrdreg $0xC0  }
0xab: {  	_ =	task [dreg:s7], $0x5FFFF  }
0xac: {  	[dreg:$0x1] =	wrdreg $0xFFFFFFFF  }
0xad: {  	[dreg:$0x0] =	wrdreg $0x60  }
0xae: {  	[dreg:$0x2] =	wrdreg s24  }
0xaf: {  	[dreg:$0x3] =	wrdreg s2  }
0xb0: {  	[dreg:$0x4] =	wrdreg $0xBB800  }
0xb1: {  	[dreg:$0x5] =	wrdreg $0xE2900  }
0xb2: {  	[dreg:$0x6] =	wrdreg $0x9  }
0xb3: {  	_ =	task.clear_ibuf [dreg:s7], $0x7FFFF;
	_ =	strace $0x90000046  }
0xb4: {  	s29 =	simm.s32 $0x9;
	_ =	strace $0x80000048  }
0xb5: {  	_ =	swait.ge [sflag:s29], $0x1  }
0xb6: {  	[sflag:s29] =	ssyncadd.s32 $0xFFFFFFFF  }
0xb7: {  	_ =	strace $0x90000048  }
0xb8: {  	_ =	sfence  }
0xb9: {  	s30 =	sld [smem:$0x0];
	_ =	sdelay $0x2  }
0xba: {  	s31 =	sshll.u32 s1, $0xD;
	s1 =	sshrl.u32 s1, $0x2  }
0xbb: {  	s3 =	sand.u32 $0x4000, s31;
	s1 =	sadd.s32 s1, s30  }
0xbc: {  	s0 =	sor.u32 s3, s0;
	s1 =	sshll.u32 s1, $0x11  }
0xbd: {  	s0 =	sor.u32 s1, s0  }
0xbe: {  	s0 =	sadd.s32 $0x8F2B, s0  }
0xbf: {  	[sflag:s0] =	ssyncadd.remote.s32 $0x1  }
0xc0: {  	_ =	sfence.sel $0xFFFF  }
0xc1: {  	[dreg:$0x0] =	wrdreg $0xFFFFFFFF;
	(pc) =	sbr.abs _section_cstart, $3  }
0xc2: {  	[dreg:$0x1] =	wrdreg $0xFFFFFFFF  }
0xc3: {  	_ =	task.clear_ibuf [dreg:s7], $0x2FFFF;
	_ =	strace $0x9FFFFFFF  }
0xc4: {  	(tm) =	ssettm $0x7FFFFFFF  }
0xc5: {  	_ =	shalt  }
tec
execute0_lowered:
.L_overlay_start_1:
0x0: {  	(tag) =	ssettag $0x1  }
0x1: {  	s0 =	rddreg [dreg:$0x0]  }
0x2: {  	s1 =	rddreg [dreg:$0x1]  }
0x3: {  	s3 =	rddreg [dreg:$0x2]  }
0x4: {  	s2 =	rddreg [dreg:$0x3]  }
0x5: {  	s31 =	rddreg [dreg:$0x4];
	s4 =	simm.s32 $0x0  }
0x6: {  	s5 =	srdreg.scid;
	s25 =	stileid.u32;
	s30 =	simm.s32 $0x5  }
0x7: {  	s29 =	simm.s32 $0x36B0;
	[smem:$0x7FF] =	sst s4;
	s5 =	sand.u32 $0x1, s5  }
0x8: {  	s6 =	smul.u32 $0x2710, s25;
	s8 =	sadd.s32 $0x4400, s0;
	s9 =	sadd.s32 $0x13200, s0  }
0x9: {  	s11 =	sadd.s32 $0x14200, s0;
	s12 =	sadd.s32 $0x19200, s0;
	s13 =	sadd.s32 $0x1E200, s0  }
0xa: {  	_ =	strace $0x80000047;
	s7 =	sshll.u32 s5, $0x4;
	[dreg:$0x5] =	wrdreg s9  }
0xb: {  	s14 =	ssub.s32 $0x2, s5;
	p0 =	seq.s32 s5, $0x1;
	s5 =	simm.s32 $0x11  }
0xc: {  	s7 =	sor.u32 s25, s7;
	s9 =	sshrl.u32 s6, $0x3;
	s15 =	sshrl.u32 s14, $0x1  }
0xd: {  	s11 =	smov.u32 @p0 s12;
	s12 =	simm.s32 $0x2;
	s7 =	smul.u32 $0x2710, s7  }
0xe: {  	s10 =	sadd.s32 s9, s0;
	s0 =	sadd.s32 $0x23200, s0;
	s14 =	ssub.s32 s14, s15  }
0xf: {  	s15 =	simm.s32 $0xF;
	s28 =	sadd.s32 $0xE200, s10;
	s7 =	sshrl.u32 s7, $0x3  }
0x10: {  	s13 =	smov.u32 @p0 s0;
	s10 =	simm.s32 $0x7D0;
	s16 =	sadd.s32 s8, s7  }
0x11: {  	s19 =	sadd.s32 s1, s7;
	s17 =	sadd.s32 $0xFA, s7;
	[dreg:$0x6] =	wrdreg s16  }
0x12: {  	s0 =	simm.s32 $0x4;
	[dreg:$0x7] =	wrdreg s19;
	s20 =	sadd.s32 s8, s17  }
0x13: {  	s22 =	sadd.s32 $0x1F4, s7;
	s21 =	sadd.s32 s1, s17;
	[dreg:$0x8] =	wrdreg s20  }
0x14: {  	p0 =	por $0x0, $0x0;
	s23 =	sadd.s32 s8, s22;
	[dreg:$0x9] =	wrdreg s21  }
0x15: {  	s26 =	sadd.s32 $0x2EE, s7;
	s24 =	sadd.s32 s1, s22;
	[dreg:$0xa] =	wrdreg s23  }
0x16: {  	s7 =	sadd.s32 $0x3E8, s7;
	s18 =	sadd.s32 s8, s26;
	[dreg:$0xb] =	wrdreg s24  }
0x17: {  	s17 =	sadd.s32 s6, s3;
	s19 =	sadd.s32 s1, s26;
	[dreg:$0xc] =	wrdreg s18  }
0x18: {  	s8 =	sadd.s32 s8, s7;
	s1 =	sadd.s32 s1, s7;
	[dreg:$0xd] =	wrdreg s19  }
0x19: {  	s22 =	sadd.s32 s13, s9;
	s13 =	simm.s32 $0x1;
	[dreg:$0xe] =	wrdreg s8  }
0x1a: {  	s26 =	simm.s32 $0x6;
	s16 =	simm.s32 $0xE;
	[dreg:$0xf] =	wrdreg s1  }
0x1b: {  	s20 =	sadd.s32 s11, s9;
	s21 =	sadd.s32 s6, s2;
	s23 =	smax.u32 s14, $0x1  }
0x1c: {  	[dreg:$0x11] =	wrdreg s22;
	s11 =	simm.s32 $0x3E80;
	p1 =	sne.s32 s23, $0x1  }
.Ltmp0:
0x1d: {  	s7 =	sshrl.u32 s17, $0x3;
	s1 =	simm.s32 $0x3;
	(pc) =	sbr.rel @!p1 .LBB2_5-.Ltmp0, $4  }
0x1e: {  	s24 =	simm.s32 $0x7;
	s8 =	simm.s32 $0x9;
	s22 =	simm.s32 $0x8  }
0x1f: {  	s9 =	simm.s32 $0xA;
	s19 =	simm.s32 $0xB;
	s18 =	simm.s32 $0xC  }
0x20: {  	s17 =	simm.s32 $0xD;
	s14 =	simm.s32 $0x10;
	[dreg:$0x10] =	wrdreg s20  }
0x21: {  	s6 =	sshrl.u32 s21, $0x3;
	s20 =	sadd.s32 $0xFFFFFFFF, s23;
	s23 =	rddreg [dreg:$0x6]  }
0x22: {  	[tilespmem:s4], [sflag:$0x1] =	stream.linear.gather [hbm4b:s23+s4], $0x7D0, $0x38;
	[tilespmem:$0x109A0] =	vst v63  }
0x23: {  	s31 =	smov.u32 s20;
	s20 =	rddreg [dreg:$0x7]  }
0x24: {  	[tilespmem:s10], [sflag:$0x2] =	stream.linear.gather [hbm4b:s20+s4], $0x7D0, $0x38;
	[tilespmem:$0x109A0] =	vst v63  }
0x25: {  	s21 =	rddreg [dreg:$0x5]  }
0x26: {  	[tilespmem:s11], [sflag:$0x11] =	stream.linear.gather [hbm4b:s21+s4], $0x7D00, $0x38;
	[tilespmem:$0x109A0] =	vst v63  }
0x27: {  	_ =	swait.ge [sflag:s5], $0x7D00  }
0x28: {  	s25 =	sshll.u32 s25, $0x6;
	[sflag:s5] =	ssyncset.done $0x0  }
0x29: {  	s20 =	sor.u32 $0x1C11, s25;
	[sflag:s5] =	ssyncadd.s32 $0xFFFF8300  }
0x2a: {  	[spmem:s7], [sflag:s20] =	dma.local [hbm:s28], $0x4E2  }
0x2b: {  	_ =	swait.ge [sflag:s5], $0x4E2  }
0x2c: {  	[sflag:s5] =	ssyncset.done $0x0  }
0x2d: {  	[sflag:s5] =	ssyncadd.s32 $0xFFFFFB1E  }
0x2e: {  	[spmem:s6], [sflag:s20] =	dma.local [hbm:s28], $0x4E2  }
0x2f: {  	_ =	swait.ge [sflag:s5], $0x4E2  }
0x30: {  	[sflag:s5] =	ssyncset.done $0x0  }
0x31: {  	[sflag:s5] =	ssyncadd.s32 $0xFFFFFB1E  }
0x32: {  	[bflag:$0x0] =	sbarrier.arrive $0xFFFF  }
0x33: {  	_ =	swait.ge [sflag:s13], $0x7D0  }
0x34: {  	[sflag:s13] =	ssyncset.done $0x0  }
0x35: {  	[sflag:s13] =	ssyncadd.s32 $0xFFFFF830  }
0x36: {  	[spmem:s3] =	stream.indirect.scatter.add.f32 [tilespmem:s11], [sflag:$0x9], $0x10, s4, s10, $0xb8;
	[tilespmem:$0x109A0] =	vst v63  }
0x37: {  	s25 =	simm.s32 $0xFA0;
	s21 =	rddreg [dreg:$0x8]  }
0x38: {  	[tilespmem:s25], [sflag:$0x3] =	stream.linear.gather [hbm4b:s21+s4], $0x7D0, $0x38;
	[tilespmem:$0x109A0] =	vst v63  }
0x39: {  	_ =	swait.ge [sflag:s12], $0x7D0  }
0x3a: {  	[sflag:s12] =	ssyncset.done $0x0  }
0x3b: {  	[sflag:s12] =	ssyncadd.s32 $0xFFFFF830  }
0x3c: {  	[spmem:s2] =	stream.indirect.scatter.add.f32 [tilespmem:s11], [sflag:$0xA], $0x10, s10, s10, $0xb8;
	[tilespmem:$0x109A0] =	vst v63  }
0x3d: {  	s21 =	simm.s32 $0x1770;
	s23 =	rddreg [dreg:$0x9]  }
0x3e: {  	[tilespmem:s21], [sflag:$0x4] =	stream.linear.gather [hbm4b:s23+s4], $0x7D0, $0x38;
	[tilespmem:$0x109A0] =	vst v63  }
0x3f: {  	_ =	swait.ge [sflag:s1], $0x7D0  }
0x40: {  	[sflag:s1] =	ssyncset.done $0x0  }
0x41: {  	[sflag:s1] =	ssyncadd.s32 $0xFFFFF830  }
0x42: {  	[spmem:s3] =	stream.indirect.scatter.add.f32 [tilespmem:s11], [sflag:$0xB], $0x10, s25, s10, $0xb8;
	[tilespmem:$0x109A0] =	vst v63  }
0x43: {  	s23 =	rddreg [dreg:$0xa];
	s25 =	simm.s32 $0x1F40  }
0x44: {  	[tilespmem:s25], [sflag:$0x5] =	stream.linear.gather [hbm4b:s23+s4], $0x7D0, $0x38;
	[tilespmem:$0x109A0] =	vst v63  }
0x45: {  	_ =	swait.ge [sflag:s0], $0x7D0  }
0x46: {  	[sflag:s0] =	ssyncset.done $0x0  }
0x47: {  	[sflag:s0] =	ssyncadd.s32 $0xFFFFF830  }
0x48: {  	[spmem:s2] =	stream.indirect.scatter.add.f32 [tilespmem:s11], [sflag:$0xC], $0x10, s21, s10, $0xb8;
	[tilespmem:$0x109A0] =	vst v63  }
0x49: {  	s23 =	rddreg [dreg:$0xb];
	s21 =	simm.s32 $0x2710  }
0x4a: {  	[tilespmem:s21], [sflag:$0x6] =	stream.linear.gather [hbm4b:s23+s4], $0x7D0, $0x38;
	[tilespmem:$0x109A0] =	vst v63  }
0x4b: {  	_ =	swait.ge [sflag:s30], $0x7D0  }
0x4c: {  	[sflag:s30] =	ssyncset.done $0x0  }
0x4d: {  	[sflag:s30] =	ssyncadd.s32 $0xFFFFF830  }
0x4e: {  	[spmem:s3] =	stream.indirect.scatter.add.f32 [tilespmem:s11], [sflag:$0xD], $0x10, s25, s10, $0xb8;
	[tilespmem:$0x109A0] =	vst v63  }
0x4f: {  	s23 =	rddreg [dreg:$0xc];
	s25 =	simm.s32 $0x2EE0  }
0x50: {  	[tilespmem:s25], [sflag:$0x7] =	stream.linear.gather [hbm4b:s23+s4], $0x7D0, $0x38;
	[tilespmem:$0x109A0] =	vst v63  }
0x51: {  	_ =	swait.ge [sflag:s26], $0x7D0  }
0x52: {  	[sflag:s26] =	ssyncset.done $0x0  }
0x53: {  	[sflag:s26] =	ssyncadd.s32 $0xFFFFF830  }
0x54: {  	[spmem:s2] =	stream.indirect.scatter.add.f32 [tilespmem:s11], [sflag:$0xE], $0x10, s21, s10, $0xb8;
	[tilespmem:$0x109A0] =	vst v63  }
0x55: {  	s23 =	rddreg [dreg:$0xd]  }
0x56: {  	[tilespmem:s29], [sflag:$0x8] =	stream.linear.gather [hbm4b:s23+s4], $0x7D0, $0x38;
	[tilespmem:$0x109A0] =	vst v63  }
0x57: {  	_ =	swait.ge [sflag:s24], $0x7D0  }
0x58: {  	[sflag:s24] =	ssyncset.done $0x0  }
0x59: {  	[sflag:s24] =	ssyncadd.s32 $0xFFFFF830  }
0x5a: {  	[spmem:s3] =	stream.indirect.scatter.add.f32 [tilespmem:s11], [sflag:$0xF], $0x10, s25, s10, $0xb8;
	[tilespmem:$0x109A0] =	vst v63  }
0x5b: {  	_ =	swait.ge [sflag:s8], $0x7D00  }
0x5c: {  	[sflag:s8] =	ssyncset.done $0x0  }
0x5d: {  	s21 =	rddreg [dreg:$0xe];
	[sflag:s8] =	ssyncadd.s32 $0xFFFF8300  }
0x5e: {  	[tilespmem:s4], [sflag:$0x1] =	stream.linear.gather [hbm4b:s21+s4], $0x7D0, $0x38;
	[tilespmem:$0x109A0] =	vst v63  }
0x5f: {  	_ =	swait.ge [sflag:s22], $0x7D0  }
0x60: {  	[sflag:s22] =	ssyncset.done $0x0  }
0x61: {  	[sflag:s22] =	ssyncadd.s32 $0xFFFFF830  }
0x62: {  	[spmem:s2] =	stream.indirect.scatter.add.f32 [tilespmem:s11], [sflag:$0x10], $0x10, s29, s10, $0xb8;
	[tilespmem:$0x109A0] =	vst v63  }
0x63: {  	_ =	swait.ge [sflag:s9], $0x7D00  }
0x64: {  	[sflag:s9] =	ssyncset.done $0x0  }
0x65: {  	s25 =	rddreg [dreg:$0xf];
	[sflag:s9] =	ssyncadd.s32 $0xFFFF8300  }
0x66: {  	[tilespmem:s10], [sflag:$0x2] =	stream.linear.gather [hbm4b:s25+s4], $0x7D0, $0x38;
	[tilespmem:$0x109A0] =	vst v63  }
0x67: {  	_ =	swait.ge [sflag:s13], $0x7D0  }
0x68: {  	[sflag:s13] =	ssyncset.done $0x0  }
0x69: {  	[sflag:s13] =	ssyncadd.s32 $0xFFFFF830  }
0x6a: {  	[spmem:s3] =	stream.indirect.scatter.add.f32 [tilespmem:s11], [sflag:$0x9], $0x10, s4, s10, $0xb8;
	[tilespmem:$0x109A0] =	vst v63  }
0x6b: {  	_ =	swait.ge [sflag:s12], $0x7D0  }
0x6c: {  	[sflag:s12] =	ssyncset.done $0x0  }
0x6d: {  	[sflag:s12] =	ssyncadd.s32 $0xFFFFF830  }
0x6e: {  	[spmem:s2] =	stream.indirect.scatter.add.f32 [tilespmem:s11], [sflag:$0xA], $0x10, s10, s10, $0xb8;
	[tilespmem:$0x109A0] =	vst v63  }
0x6f: {  	_ =	swait.ge [sflag:s19], $0x7D00  }
0x70: {  	[sflag:s19] =	ssyncset.done $0x0  }
0x71: {  	[sflag:s19] =	ssyncadd.s32 $0xFFFF8300  }
0x72: {  	_ =	swait.ge [sflag:s18], $0x7D00  }
0x73: {  	[sflag:s18] =	ssyncset.done $0x0  }
0x74: {  	[sflag:s18] =	ssyncadd.s32 $0xFFFF8300  }
0x75: {  	_ =	swait.ge [sflag:s17], $0x7D00  }
0x76: {  	[sflag:s17] =	ssyncset.done $0x0  }
0x77: {  	[sflag:s17] =	ssyncadd.s32 $0xFFFF8300  }
0x78: {  	_ =	swait.ge [sflag:s16], $0x7D00  }
0x79: {  	[sflag:s16] =	ssyncset.done $0x0  }
0x7a: {  	[sflag:s16] =	ssyncadd.s32 $0xFFFF8300  }
0x7b: {  	_ =	swait.ge [sflag:s15], $0x7D00  }
0x7c: {  	[sflag:s15] =	ssyncset.done $0x0  }
0x7d: {  	[sflag:s15] =	ssyncadd.s32 $0xFFFF8300  }
0x7e: {  	_ =	swait.ge [sflag:s14], $0x7D00  }
0x7f: {  	[sflag:s14] =	ssyncset.done $0x0  }
0x80: {  	[sflag:s14] =	ssyncadd.s32 $0xFFFF8300  }
0x81: {  	_ =	swait.ge [sflag:s8], $0x7D00  }
0x82: {  	[sflag:s8] =	ssyncset.done $0x0  }
0x83: {  	[sflag:s8] =	ssyncadd.s32 $0xFFFF8300  }
0x84: {  	_ =	swait.ge [sflag:s9], $0x7D00  }
0x85: {  	[sflag:s9] =	ssyncset.done $0x0  }
0x86: {  	[sflag:s9] =	ssyncadd.s32 $0xFFFF8300  }
0x87: {  	[bflag:$0x0] =	sbarrier.arrive $0xFFFF  }
0x88: {  	s21 =	rddreg [dreg:$0x10]  }
0x89: {  	[hbm:s21], [sflag:s20] =	dma.local [spmem:s7], $0x4E2  }
0x8a: {  	p1 =	sne.s32 s31, $0x1;
	_ =	swait.ge [sflag:s5], $0x4E2  }
.Ltmp1:
0x8b: {  	[sflag:s5] =	ssyncset.done $0x0;
	(pc) =	sbr.rel @!p1 .LBB2_2-.Ltmp1, $4  }
0x8c: {  	s25 =	rddreg [dreg:$0x11];
	[sflag:s5] =	ssyncadd.s32 $0xFFFFFB1E  }
0x8d: {  	[hbm:s25], [sflag:s20] =	dma.local [spmem:s6], $0x4E2  }
0x8e: {  	p0 =	por $0x1, $0x1;
	_ =	swait.ge [sflag:s5], $0x4E2  }
0x8f: {  	s21 =	sadd.s32 $0xFFFFFFFF, s31;
	s23 =	rddreg [dreg:$0x6];
	[sflag:s5] =	ssyncset.done $0x0  }
.LBB2_3:
0x90: {  	[sflag:s5] =	ssyncadd.s32 $0xFFFFFB1E  }
0x91: {  	[tilespmem:s4], [sflag:$0x1] =	stream.linear.gather [hbm4b:s23+s4], $0x7D0, $0x38;
	[tilespmem:$0x109A0] =	vst v63  }
0x92: {  	s25 =	rddreg [dreg:$0x7]  }
0x93: {  	[tilespmem:s10], [sflag:$0x2] =	stream.linear.gather [hbm4b:s25+s4], $0x7D0, $0x38;
	[tilespmem:$0x109A0] =	vst v63  }
0x94: {  	s31 =	rddreg [dreg:$0x5]  }
0x95: {  	[tilespmem:s11], [sflag:$0x11] =	stream.linear.gather [hbm4b:s31+s4], $0x7D00, $0x38;
	[tilespmem:$0x109A0] =	vst v63  }
0x96: {  	_ =	swait.ge [sflag:s5], $0x7D00  }
0x97: {  	[sflag:s5] =	ssyncset.done $0x0  }
0x98: {  	[sflag:s5] =	ssyncadd.s32 $0xFFFF8300  }
0x99: {  	[spmem:s7], [sflag:s20] =	dma.local [hbm:s28], $0x4E2  }
0x9a: {  	_ =	swait.ge [sflag:s5], $0x4E2  }
0x9b: {  	[sflag:s5] =	ssyncset.done $0x0  }
0x9c: {  	[sflag:s5] =	ssyncadd.s32 $0xFFFFFB1E  }
0x9d: {  	[spmem:s6], [sflag:s20] =	dma.local [hbm:s28], $0x4E2  }
0x9e: {  	_ =	swait.ge [sflag:s5], $0x4E2  }
0x9f: {  	[sflag:s5] =	ssyncset.done $0x0  }
0xa0: {  	[sflag:s5] =	ssyncadd.s32 $0xFFFFFB1E  }
0xa1: {  	[bflag:$0x0] =	sbarrier.arrive $0xFFFF  }
0xa2: {  	_ =	swait.ge [sflag:s13], $0x7D0  }
0xa3: {  	[sflag:s13] =	ssyncset.done $0x0  }
0xa4: {  	[sflag:s13] =	ssyncadd.s32 $0xFFFFF830  }
0xa5: {  	[spmem:s3] =	stream.indirect.scatter.add.f32 [tilespmem:s11], [sflag:$0x9], $0x10, s4, s10, $0xb8;
	[tilespmem:$0x109A0] =	vst v63  }
0xa6: {  	s25 =	simm.s32 $0xFA0;
	s31 =	rddreg [dreg:$0x8]  }
0xa7: {  	[tilespmem:s25], [sflag:$0x3] =	stream.linear.gather [hbm4b:s31+s4], $0x7D0, $0x38;
	[tilespmem:$0x109A0] =	vst v63  }
0xa8: {  	_ =	swait.ge [sflag:s12], $0x7D0  }
0xa9: {  	[sflag:s12] =	ssyncset.done $0x0  }
0xaa: {  	[sflag:s12] =	ssyncadd.s32 $0xFFFFF830  }
0xab: {  	[spmem:s2] =	stream.indirect.scatter.add.f32 [tilespmem:s11], [sflag:$0xA], $0x10, s10, s10, $0xb8;
	[tilespmem:$0x109A0] =	vst v63  }
0xac: {  	s31 =	simm.s32 $0x1770;
	s23 =	rddreg [dreg:$0x9]  }
0xad: {  	[tilespmem:s31], [sflag:$0x4] =	stream.linear.gather [hbm4b:s23+s4], $0x7D0, $0x38;
	[tilespmem:$0x109A0] =	vst v63  }
0xae: {  	_ =	swait.ge [sflag:s1], $0x7D0  }
0xaf: {  	[sflag:s1] =	ssyncset.done $0x0  }
0xb0: {  	[sflag:s1] =	ssyncadd.s32 $0xFFFFF830  }
0xb1: {  	[spmem:s3] =	stream.indirect.scatter.add.f32 [tilespmem:s11], [sflag:$0xB], $0x10, s25, s10, $0xb8;
	[tilespmem:$0x109A0] =	vst v63  }
0xb2: {  	s23 =	rddreg [dreg:$0xa];
	s25 =	simm.s32 $0x1F40  }
0xb3: {  	[tilespmem:s25], [sflag:$0x5] =	stream.linear.gather [hbm4b:s23+s4], $0x7D0, $0x38;
	[tilespmem:$0x109A0] =	vst v63  }
0xb4: {  	_ =	swait.ge [sflag:s0], $0x7D0  }
0xb5: {  	[sflag:s0] =	ssyncset.done $0x0  }
0xb6: {  	[sflag:s0] =	ssyncadd.s32 $0xFFFFF830  }
0xb7: {  	[spmem:s2] =	stream.indirect.scatter.add.f32 [tilespmem:s11], [sflag:$0xC], $0x10, s31, s10, $0xb8;
	[tilespmem:$0x109A0] =	vst v63  }
0xb8: {  	s23 =	rddreg [dreg:$0xb];
	s31 =	simm.s32 $0x2710  }
0xb9: {  	[tilespmem:s31], [sflag:$0x6] =	stream.linear.gather [hbm4b:s23+s4], $0x7D0, $0x38;
	[tilespmem:$0x109A0] =	vst v63  }
0xba: {  	_ =	swait.ge [sflag:s30], $0x7D0  }
0xbb: {  	[sflag:s30] =	ssyncset.done $0x0  }
0xbc: {  	[sflag:s30] =	ssyncadd.s32 $0xFFFFF830  }
0xbd: {  	[spmem:s3] =	stream.indirect.scatter.add.f32 [tilespmem:s11], [sflag:$0xD], $0x10, s25, s10, $0xb8;
	[tilespmem:$0x109A0] =	vst v63  }
0xbe: {  	s23 =	rddreg [dreg:$0xc];
	s25 =	simm.s32 $0x2EE0  }
0xbf: {  	[tilespmem:s25], [sflag:$0x7] =	stream.linear.gather [hbm4b:s23+s4], $0x7D0, $0x38;
	[tilespmem:$0x109A0] =	vst v63  }
0xc0: {  	_ =	swait.ge [sflag:s26], $0x7D0  }
0xc1: {  	[sflag:s26] =	ssyncset.done $0x0  }
0xc2: {  	[sflag:s26] =	ssyncadd.s32 $0xFFFFF830  }
0xc3: {  	[spmem:s2] =	stream.indirect.scatter.add.f32 [tilespmem:s11], [sflag:$0xE], $0x10, s31, s10, $0xb8;
	[tilespmem:$0x109A0] =	vst v63  }
0xc4: {  	s23 =	rddreg [dreg:$0xd]  }
0xc5: {  	[tilespmem:s29], [sflag:$0x8] =	stream.linear.gather [hbm4b:s23+s4], $0x7D0, $0x38;
	[tilespmem:$0x109A0] =	vst v63  }
0xc6: {  	_ =	swait.ge [sflag:s24], $0x7D0  }
0xc7: {  	[sflag:s24] =	ssyncset.done $0x0  }
0xc8: {  	[sflag:s24] =	ssyncadd.s32 $0xFFFFF830  }
0xc9: {  	[spmem:s3] =	stream.indirect.scatter.add.f32 [tilespmem:s11], [sflag:$0xF], $0x10, s25, s10, $0xb8;
	[tilespmem:$0x109A0] =	vst v63  }
0xca: {  	_ =	swait.ge [sflag:s8], $0x7D00  }
0xcb: {  	[sflag:s8] =	ssyncset.done $0x0  }
0xcc: {  	s25 =	rddreg [dreg:$0xe];
	[sflag:s8] =	ssyncadd.s32 $0xFFFF8300  }
0xcd: {  	[tilespmem:s4], [sflag:$0x1] =	stream.linear.gather [hbm4b:s25+s4], $0x7D0, $0x38;
	[tilespmem:$0x109A0] =	vst v63  }
0xce: {  	_ =	swait.ge [sflag:s22], $0x7D0  }
0xcf: {  	[sflag:s22] =	ssyncset.done $0x0  }
0xd0: {  	[sflag:s22] =	ssyncadd.s32 $0xFFFFF830  }
0xd1: {  	[spmem:s2] =	stream.indirect.scatter.add.f32 [tilespmem:s11], [sflag:$0x10], $0x10, s29, s10, $0xb8;
	[tilespmem:$0x109A0] =	vst v63  }
0xd2: {  	_ =	swait.ge [sflag:s9], $0x7D00  }
0xd3: {  	[sflag:s9] =	ssyncset.done $0x0  }
0xd4: {  	s31 =	rddreg [dreg:$0xf];
	[sflag:s9] =	ssyncadd.s32 $0xFFFF8300  }
0xd5: {  	[tilespmem:s10], [sflag:$0x2] =	stream.linear.gather [hbm4b:s31+s4], $0x7D0, $0x38;
	[tilespmem:$0x109A0] =	vst v63  }
0xd6: {  	_ =	swait.ge [sflag:s13], $0x7D0  }
0xd7: {  	[sflag:s13] =	ssyncset.done $0x0  }
0xd8: {  	[sflag:s13] =	ssyncadd.s32 $0xFFFFF830  }
0xd9: {  	[spmem:s3] =	stream.indirect.scatter.add.f32 [tilespmem:s11], [sflag:$0x9], $0x10, s4, s10, $0xb8;
	[tilespmem:$0x109A0] =	vst v63  }
0xda: {  	_ =	swait.ge [sflag:s12], $0x7D0  }
0xdb: {  	[sflag:s12] =	ssyncset.done $0x0  }
0xdc: {  	[sflag:s12] =	ssyncadd.s32 $0xFFFFF830  }
0xdd: {  	[spmem:s2] =	stream.indirect.scatter.add.f32 [tilespmem:s11], [sflag:$0xA], $0x10, s10, s10, $0xb8;
	[tilespmem:$0x109A0] =	vst v63  }
0xde: {  	_ =	swait.ge [sflag:s19], $0x7D00  }
0xdf: {  	[sflag:s19] =	ssyncset.done $0x0  }
0xe0: {  	[sflag:s19] =	ssyncadd.s32 $0xFFFF8300  }
0xe1: {  	_ =	swait.ge [sflag:s18], $0x7D00  }
0xe2: {  	[sflag:s18] =	ssyncset.done $0x0  }
0xe3: {  	[sflag:s18] =	ssyncadd.s32 $0xFFFF8300  }
0xe4: {  	_ =	swait.ge [sflag:s17], $0x7D00  }
0xe5: {  	[sflag:s17] =	ssyncset.done $0x0  }
0xe6: {  	[sflag:s17] =	ssyncadd.s32 $0xFFFF8300  }
0xe7: {  	_ =	swait.ge [sflag:s16], $0x7D00  }
0xe8: {  	[sflag:s16] =	ssyncset.done $0x0  }
0xe9: {  	[sflag:s16] =	ssyncadd.s32 $0xFFFF8300  }
0xea: {  	_ =	swait.ge [sflag:s15], $0x7D00  }
0xeb: {  	[sflag:s15] =	ssyncset.done $0x0  }
0xec: {  	[sflag:s15] =	ssyncadd.s32 $0xFFFF8300  }
0xed: {  	_ =	swait.ge [sflag:s14], $0x7D00  }
0xee: {  	[sflag:s14] =	ssyncset.done $0x0  }
0xef: {  	[sflag:s14] =	ssyncadd.s32 $0xFFFF8300  }
0xf0: {  	_ =	swait.ge [sflag:s8], $0x7D00  }
0xf1: {  	[sflag:s8] =	ssyncset.done $0x0  }
0xf2: {  	[sflag:s8] =	ssyncadd.s32 $0xFFFF8300  }
0xf3: {  	_ =	swait.ge [sflag:s9], $0x7D00  }
0xf4: {  	[sflag:s9] =	ssyncset.done $0x0  }
0xf5: {  	[sflag:s9] =	ssyncadd.s32 $0xFFFF8300  }
0xf6: {  	[bflag:$0x0] =	sbarrier.arrive $0xFFFF  }
0xf7: {  	s25 =	rddreg [dreg:$0x10]  }
0xf8: {  	[hbm:s25], [sflag:s20] =	dma.local [spmem:s7], $0x4E2  }
0xf9: {  	p1 =	sne.s32 s21, $0x1;
	_ =	swait.ge [sflag:s5], $0x4E2  }
.Ltmp2:
0xfa: {  	[sflag:s5] =	ssyncset.done $0x0;
	(pc) =	sbr.rel @p1 .LBB2_3-.Ltmp2, $4  }
0xfb: {  	s31 =	rddreg [dreg:$0x11];
	[sflag:s5] =	ssyncadd.s32 $0xFFFFFB1E  }
0xfc: {  	[hbm:s31], [sflag:s20] =	dma.local [spmem:s6], $0x4E2  }
0xfd: {  	_ =	swait.ge [sflag:s5], $0x4E2  }
0xfe: {  	s21 =	sadd.s32 $0xFFFFFFFF, s21;
	s23 =	rddreg [dreg:$0x6];
	[sflag:s5] =	ssyncset.done $0x0  }
0xff: {  	s31 =	rddreg [dreg:$0x4]  }
.LBB2_5:
0x100: {  	[sflag:s5] =	ssyncadd.s32 @p0 $0xFFFFFB1E  }
0x101: {  	[tilespmem:s4], [sflag:$0x1] =	stream.linear.gather [hbm4b:s23+s4], $0x7D0, $0x38;
	[tilespmem:$0x109A0] =	vst v63  }
0x102: {  	s20 =	rddreg [dreg:$0x7]  }
0x103: {  	[tilespmem:s10], [sflag:$0x2] =	stream.linear.gather [hbm4b:s20+s4], $0x7D0, $0x38;
	[tilespmem:$0x109A0] =	vst v63  }
0x104: {  	s21 =	rddreg [dreg:$0x5]  }
0x105: {  	[tilespmem:s11], [sflag:$0x11] =	stream.linear.gather [hbm4b:s21+s4], $0x7D00, $0x38;
	[tilespmem:$0x109A0] =	vst v63  }
0x106: {  	s23 =	stileid.u32;
	_ =	swait.ge [sflag:s5], $0x7D00  }
0x107: {  	s21 =	sshll.u32 s23, $0x6;
	[sflag:s5] =	ssyncset.done $0x0  }
0x108: {  	s20 =	sor.u32 $0x1C11, s21;
	[sflag:s5] =	ssyncadd.s32 $0xFFFF8300  }
0x109: {  	[spmem:s7], [sflag:s20] =	dma.local [hbm:s28], $0x4E2  }
0x10a: {  	_ =	swait.ge [sflag:s5], $0x4E2  }
0x10b: {  	[sflag:s5] =	ssyncset.done $0x0  }
0x10c: {  	[sflag:s5] =	ssyncadd.s32 $0xFFFFFB1E  }
0x10d: {  	[spmem:s6], [sflag:s20] =	dma.local [hbm:s28], $0x4E2  }
0x10e: {  	_ =	swait.ge [sflag:s5], $0x4E2  }
0x10f: {  	[sflag:s5] =	ssyncset.done $0x0  }
0x110: {  	[sflag:s5] =	ssyncadd.s32 $0xFFFFFB1E  }
0x111: {  	[bflag:$0x0] =	sbarrier.arrive $0xFFFF  }
0x112: {  	_ =	swait.ge [sflag:s13], $0x7D0  }
0x113: {  	[sflag:s13] =	ssyncset.done $0x0  }
0x114: {  	[sflag:s13] =	ssyncadd.s32 $0xFFFFF830  }
0x115: {  	[spmem:s3] =	stream.indirect.scatter.add.f32 [tilespmem:s11], [sflag:$0x9], $0x10, s4, s10, $0xb8;
	[tilespmem:$0x109A0] =	vst v63  }
0x116: {  	s28 =	simm.s32 $0xFA0;
	s25 =	rddreg [dreg:$0x8]  }
0x117: {  	[tilespmem:s28], [sflag:$0x3] =	stream.linear.gather [hbm4b:s25+s4], $0x7D0, $0x38;
	[tilespmem:$0x109A0] =	vst v63  }
0x118: {  	_ =	swait.ge [sflag:s12], $0x7D0  }
0x119: {  	[sflag:s12] =	ssyncset.done $0x0  }
0x11a: {  	[sflag:s12] =	ssyncadd.s32 $0xFFFFF830  }
0x11b: {  	[spmem:s2] =	stream.indirect.scatter.add.f32 [tilespmem:s11], [sflag:$0xA], $0x10, s10, s10, $0xb8;
	[tilespmem:$0x109A0] =	vst v63  }
0x11c: {  	s25 =	simm.s32 $0x1770;
	s29 =	rddreg [dreg:$0x9]  }
0x11d: {  	[tilespmem:s25], [sflag:$0x4] =	stream.linear.gather [hbm4b:s29+s4], $0x7D0, $0x38;
	[tilespmem:$0x109A0] =	vst v63  }
0x11e: {  	_ =	swait.ge [sflag:s1], $0x7D0  }
0x11f: {  	[sflag:s1] =	ssyncset.done $0x0  }
0x120: {  	[sflag:s1] =	ssyncadd.s32 $0xFFFFF830  }
0x121: {  	[spmem:s3] =	stream.indirect.scatter.add.f32 [tilespmem:s11], [sflag:$0xB], $0x10, s28, s10, $0xb8;
	[tilespmem:$0x109A0] =	vst v63  }
0x122: {  	s29 =	simm.s32 $0x1F40;
	s21 =	rddreg [dreg:$0xa]  }
0x123: {  	[tilespmem:s29], [sflag:$0x5] =	stream.linear.gather [hbm4b:s21+s4], $0x7D0, $0x38;
	[tilespmem:$0x109A0] =	vst v63  }
0x124: {  	_ =	swait.ge [sflag:s0], $0x7D0  }
0x125: {  	[sflag:s0] =	ssyncset.done $0x0  }
0x126: {  	[sflag:s0] =	ssyncadd.s32 $0xFFFFF830  }
0x127: {  	[spmem:s2] =	stream.indirect.scatter.add.f32 [tilespmem:s11], [sflag:$0xC], $0x10, s25, s10, $0xb8;
	[tilespmem:$0x109A0] =	vst v63  }
0x128: {  	s1 =	rddreg [dreg:$0xb];
	s25 =	simm.s32 $0x2710  }
0x129: {  	[tilespmem:s25], [sflag:$0x6] =	stream.linear.gather [hbm4b:s1+s4], $0x7D0, $0x38;
	[tilespmem:$0x109A0] =	vst v63  }
0x12a: {  	_ =	swait.ge [sflag:s30], $0x7D0  }
0x12b: {  	[sflag:s30] =	ssyncset.done $0x0  }
0x12c: {  	[sflag:s30] =	ssyncadd.s32 $0xFFFFF830  }
0x12d: {  	[spmem:s3] =	stream.indirect.scatter.add.f32 [tilespmem:s11], [sflag:$0xD], $0x10, s29, s10, $0xb8;
	[tilespmem:$0x109A0] =	vst v63  }
0x12e: {  	s28 =	rddreg [dreg:$0xc];
	s29 =	simm.s32 $0x2EE0  }
0x12f: {  	[tilespmem:s29], [sflag:$0x7] =	stream.linear.gather [hbm4b:s28+s4], $0x7D0, $0x38;
	[tilespmem:$0x109A0] =	vst v63  }
0x130: {  	_ =	swait.ge [sflag:s26], $0x7D0  }
0x131: {  	[sflag:s26] =	ssyncset.done $0x0  }
0x132: {  	[sflag:s26] =	ssyncadd.s32 $0xFFFFF830  }
0x133: {  	[spmem:s2] =	stream.indirect.scatter.add.f32 [tilespmem:s11], [sflag:$0xE], $0x10, s25, s10, $0xb8;
	[tilespmem:$0x109A0] =	vst v63  }
0x134: {  	s30 =	rddreg [dreg:$0xd];
	s25 =	simm.s32 $0x36B0  }
0x135: {  	[tilespmem:s25], [sflag:$0x8] =	stream.linear.gather [hbm4b:s30+s4], $0x7D0, $0x38;
	[tilespmem:$0x109A0] =	vst v63  }
0x136: {  	_ =	swait.ge [sflag:s24], $0x7D0  }
0x137: {  	[sflag:s24] =	ssyncset.done $0x0  }
0x138: {  	[sflag:s24] =	ssyncadd.s32 $0xFFFFF830  }
0x139: {  	[spmem:s3] =	stream.indirect.scatter.add.f32 [tilespmem:s11], [sflag:$0xF], $0x10, s29, s10, $0xb8;
	[tilespmem:$0x109A0] =	vst v63  }
0x13a: {  	_ =	swait.ge [sflag:s8], $0x7D00  }
0x13b: {  	[sflag:s8] =	ssyncset.done $0x0  }
0x13c: {  	s26 =	rddreg [dreg:$0xe];
	[sflag:s8] =	ssyncadd.s32 $0xFFFF8300  }
0x13d: {  	[tilespmem:s4], [sflag:$0x1] =	stream.linear.gather [hbm4b:s26+s4], $0x7D0, $0x38;
	[tilespmem:$0x109A0] =	vst v63  }
0x13e: {  	_ =	swait.ge [sflag:s22], $0x7D0  }
0x13f: {  	[sflag:s22] =	ssyncset.done $0x0  }
0x140: {  	[sflag:s22] =	ssyncadd.s32 $0xFFFFF830  }
0x141: {  	[spmem:s2] =	stream.indirect.scatter.add.f32 [tilespmem:s11], [sflag:$0x10], $0x10, s25, s10, $0xb8;
	[tilespmem:$0x109A0] =	vst v63  }
0x142: {  	_ =	swait.ge [sflag:s9], $0x7D00  }
0x143: {  	[sflag:s9] =	ssyncset.done $0x0  }
0x144: {  	s28 =	rddreg [dreg:$0xf];
	[sflag:s9] =	ssyncadd.s32 $0xFFFF8300  }
0x145: {  	[tilespmem:s10], [sflag:$0x2] =	stream.linear.gather [hbm4b:s28+s4], $0x7D0, $0x38;
	[tilespmem:$0x109A0] =	vst v63  }
0x146: {  	_ =	swait.ge [sflag:s13], $0x7D0  }
0x147: {  	[sflag:s13] =	ssyncset.done $0x0  }
0x148: {  	[sflag:s13] =	ssyncadd.s32 $0xFFFFF830  }
0x149: {  	[spmem:s3] =	stream.indirect.scatter.add.f32 [tilespmem:s11], [sflag:$0x9], $0x10, s4, s10, $0xb8;
	[tilespmem:$0x109A0] =	vst v63  }
0x14a: {  	_ =	swait.ge [sflag:s12], $0x7D0  }
0x14b: {  	[sflag:s12] =	ssyncset.done $0x0  }
0x14c: {  	[sflag:s12] =	ssyncadd.s32 $0xFFFFF830  }
0x14d: {  	[spmem:s2] =	stream.indirect.scatter.add.f32 [tilespmem:s11], [sflag:$0xA], $0x10, s10, s10, $0xb8;
	[tilespmem:$0x109A0] =	vst v63  }
0x14e: {  	_ =	swait.ge [sflag:s19], $0x7D00  }
0x14f: {  	[sflag:s19] =	ssyncset.done $0x0  }
0x150: {  	[sflag:s19] =	ssyncadd.s32 $0xFFFF8300  }
0x151: {  	_ =	swait.ge [sflag:s18], $0x7D00  }
0x152: {  	[sflag:s18] =	ssyncset.done $0x0  }
0x153: {  	[sflag:s18] =	ssyncadd.s32 $0xFFFF8300  }
0x154: {  	_ =	swait.ge [sflag:s17], $0x7D00  }
0x155: {  	[sflag:s17] =	ssyncset.done $0x0  }
0x156: {  	[sflag:s17] =	ssyncadd.s32 $0xFFFF8300  }
0x157: {  	_ =	swait.ge [sflag:s16], $0x7D00  }
0x158: {  	[sflag:s16] =	ssyncset.done $0x0  }
0x159: {  	[sflag:s16] =	ssyncadd.s32 $0xFFFF8300  }
0x15a: {  	_ =	swait.ge [sflag:s15], $0x7D00  }
0x15b: {  	[sflag:s15] =	ssyncset.done $0x0  }
0x15c: {  	[sflag:s15] =	ssyncadd.s32 $0xFFFF8300  }
0x15d: {  	_ =	swait.ge [sflag:s14], $0x7D00  }
0x15e: {  	[sflag:s14] =	ssyncset.done $0x0  }
0x15f: {  	[sflag:s14] =	ssyncadd.s32 $0xFFFF8300  }
0x160: {  	_ =	swait.ge [sflag:s8], $0x7D00  }
0x161: {  	[sflag:s8] =	ssyncset.done $0x0  }
0x162: {  	[sflag:s8] =	ssyncadd.s32 $0xFFFF8300  }
0x163: {  	_ =	swait.ge [sflag:s9], $0x7D00  }
0x164: {  	[sflag:s9] =	ssyncset.done $0x0  }
0x165: {  	[sflag:s9] =	ssyncadd.s32 $0xFFFF8300  }
0x166: {  	[bflag:$0x0] =	sbarrier.arrive $0xFFFF  }
0x167: {  	s29 =	rddreg [dreg:$0x10]  }
0x168: {  	[hbm:s29], [sflag:s20] =	dma.local [spmem:s7], $0x4E2  }
0x169: {  	_ =	swait.ge [sflag:s5], $0x4E2  }
0x16a: {  	[sflag:s5] =	ssyncset.done $0x0  }
0x16b: {  	s30 =	rddreg [dreg:$0x11];
	[sflag:s5] =	ssyncadd.s32 $0xFFFFFB1E  }
0x16c: {  	[hbm:s30], [sflag:s20] =	dma.local [spmem:s6], $0x4E2  }
0x16d: {  	_ =	swait.ge [sflag:s5], $0x4E2  }
0x16e: {  	[sflag:s5] =	ssyncset.done $0x0  }
0x16f: {  	[sflag:s5] =	ssyncadd.s32 $0xFFFFFB1E  }
0x170: {  	_ =	sfence.sel $0x180000  }
0x171: {  	[bflag:$0x0] =	sbarrier.arrive $0xFFFF  }
0x172: {  	p0 =	sne.s32 s23, $0x0;
	_ =	strace $0x90000047  }
0x173: {  	s0 =	sadd.s32 @!p0 $0x100000, s31;
	[bflag:$0x2] =	sbarrier.arrive $0xFFFF  }
0x174: {  	[sflag:s0] =	ssyncadd.tile.s32 @!p0 $0x1;
	_ =	shalt  }
.LBB2_2:
.Ltmp3:
0x175: {  	(pc) =	sbr.rel .LBB2_5-.Ltmp3, $2  }
0x176: {  	_ =	sdelay $0x2  }
0x177: {  	s31 =	rddreg [dreg:$0x4]  }
.Lfunc_end2:
_tile_overlayer_lowered:
.L_overlay_start_2:
0x178: {  	(tag) =	ssettag $0x2  }
0x179: {  	s0 =	rddreg [dreg:$0x0];
	s2 =	stileid.u32  }
0x17a: {  	s1 =	rddreg [dreg:$0x1];
	p0 =	sne.s32 s2, $0x0  }
0x17b: {  	s3 =	rddreg [dreg:$0x2];
	[bflag:$0x3] =	sbarrier.arrive $0xFFFF;
	s2 =	simm.s32 @!p0 $0x1C11  }
0x17c: {  	[timem:s3], [sflag:s2] =	dma.local @!p0 [hbm:s0], s1  }
0x17d: {  	s0 =	simm.s32 @!p0 $0x11  }
0x17e: {  	_ =	swait.ge @!p0 [sflag:s0], s1  }
0x17f: {  	s1 =	ssub.s32 @!p0 $0x0, s1;
	[sflag:s0] =	ssyncset.done @!p0 $0x0  }
0x180: {  	[sflag:s0] =	ssyncadd.s32 @!p0 s1  }
0x181: {  	[bflag:$0x3] =	sbarrier.arrive $0xFFFF  }
0x182: {  	_ =	shalt  }

</sc_bundles>
